<compile_context>
chip_gen: v7x
topology: tpu7x:2x2x1
jax: 0.10.2.dev20260603
libtpu: 0.0.44.dev20260713+nightly
codegen_flags: <defaults>
</compile_context>

<pallas_src>
import functools

import jax
import jax.numpy as jnp
from jax import lax
from jax.experimental import pallas as pl
from jax.experimental.pallas import tpu as pltpu
from jax.experimental.pallas import tpu_sc as plsc

B = 64
f32 = jnp.float32
bf = jnp.bfloat16


def _head_kernel(h2_ref, h1w_ref, h1b_ref, bng_ref, bnb_ref,
                 h2w_ref, h2b_ref, cw_ref, cb_ref, rhc_ref, cla_ref):
    h2 = h2_ref[...]
    z = jax.nn.relu(jax.lax.dot(h2.astype(bf), h1w_ref[...].astype(bf),
                                preferred_element_type=f32) + h1b_ref[...])
    mu = jnp.mean(z, axis=0, keepdims=True)
    var = jnp.mean((z - mu) * (z - mu), axis=0, keepdims=True)
    zn = (z - mu) / jnp.sqrt(var + 1e-5) * bng_ref[...] + bnb_ref[...]
    rhc = jax.lax.dot(zn.astype(bf), h2w_ref[...].astype(bf),
                      preferred_element_type=f32) + h2b_ref[...]
    logits = jax.lax.dot(rhc.astype(bf), cw_ref[...].astype(bf),
                         preferred_element_type=f32) + cb_ref[...]
    rhc_ref[...] = rhc
    cla_ref[...] = 1.0 / (1.0 + jnp.exp(-logits))


_SC_MESH = plsc.VectorSubcoreMesh(core_axis_name="c", subcore_axis_name="s")
_NW = 32
_RPW = B // _NW


@functools.partial(
    pl.kernel,
    out_type=jax.ShapeDtypeStruct((B, B), f32),
    mesh=_SC_MESH,
    scratch_types=[pltpu.VMEM((_RPW, B), f32), pltpu.VMEM((_RPW, B), f32)],
)
def _sc_topk_scatter(fcos_hbm, s_hbm, row_v, out_v):
    def vmax16(v):
        h = jnp.maximum(v, lax.rev(v, (0,)))
        m = h[0]
        for j in range(1, 8):
            m = jnp.maximum(m, h[j])
        return m

    def vmin16(v):
        h = jnp.minimum(v, lax.rev(v, (0,)))
        m = h[0]
        for j in range(1, 8):
            m = jnp.minimum(m, h[j])
        return m

    wid = lax.axis_index("s") * 2 + lax.axis_index("c")
    base = wid * _RPW
    pltpu.sync_copy(fcos_hbm.at[pl.ds(base, _RPW), :], row_v)
    iota_f = lax.iota(jnp.int32, 16).astype(f32)
    neg = jnp.float32(-jnp.inf)
    big = jnp.float32(B)
    for r in range(_RPW):
        orig = [row_v[r, pl.ds(c * 16, 16)] for c in range(4)]
        work = list(orig)
        for _ in range(10):
            m = vmax16(jnp.maximum(jnp.maximum(work[0], work[1]),
                                   jnp.maximum(work[2], work[3])))
            masked_idx = [jnp.where(work[c] == m, iota_f + 16.0 * c, big)
                          for c in range(4)]
            first = vmin16(jnp.minimum(jnp.minimum(masked_idx[0], masked_idx[1]),
                                       jnp.minimum(masked_idx[2], masked_idx[3])))
            for c in range(4):
                picked = (iota_f + 16.0 * c) == first
                work[c] = jnp.where(picked, neg, work[c])
        for c in range(4):
            out_v[r, pl.ds(c * 16, 16)] = jnp.where(work[c] == neg, orig[c], 0.0)
    pltpu.sync_copy(out_v, s_hbm.at[pl.ds(base, _RPW), :])


def _build_S(f_cos):
    return _sc_topk_scatter(f_cos)


def _head(h2, p):
    return pl.pallas_call(
        _head_kernel,
        out_shape=(jax.ShapeDtypeStruct((B, 64), f32),
                   jax.ShapeDtypeStruct((B, 100), f32)),
    )(h2, p['h1_w'], p['h1_b'].reshape(1, -1),
      p['bn_g'].reshape(1, -1), p['bn_b'].reshape(1, -1),
      p['h2_w'], p['h2_b'].reshape(1, -1), p['c_w'], p['c_b'].reshape(1, -1))


def kernel(x, params):
    p = params
    relu = jax.nn.relu

    def conv(x, w, b, stride, pad):
        y = jax.lax.conv_general_dilated(
            x, w, (stride, stride), [(pad, pad), (pad, pad)],
            dimension_numbers=('NCHW', 'OIHW', 'NCHW'))
        return y + b[None, :, None, None]

    def maxpool(x):
        return jax.lax.reduce_window(x, -jnp.inf, jax.lax.max,
                                     (1, 1, 3, 3), (1, 1, 2, 2), 'VALID')

    y = relu(conv(x, p['conv1_w'], p['conv1_b'], 4, 2)); y = maxpool(y)
    y = relu(conv(y, p['conv2_w'], p['conv2_b'], 1, 2)); y = maxpool(y)
    y = relu(conv(y, p['conv3_w'], p['conv3_b'], 1, 1))
    y = relu(conv(y, p['conv4_w'], p['conv4_b'], 1, 1))
    y = relu(conv(y, p['conv5_w'], p['conv5_b'], 1, 1)); y = maxpool(y)
    n = y.shape[0]
    flocal = y.reshape(n, 256 * 6 * 6)
    flocal = relu(flocal @ p['fc_w'] + p['fc_b'])
    norms = jnp.sqrt(jnp.sum(flocal * flocal, axis=-1))
    denom = jnp.maximum(norms[:, None] * norms[None, :], 1e-8)
    f_cos = (flocal @ flocal.T) / denom

    S = _build_S(f_cos)

    d = jnp.sum(S, axis=-1)
    safe_d = jnp.where(d > 0, d, 1.0)
    dinv = jnp.where(d > 0, 1.0 / jnp.sqrt(safe_d), 0.0)
    A = dinv[:, None] * S * dinv[None, :]
    h = relu(A @ (flocal @ p['g1_w'] + p['g1_b']))
    h = relu(A @ (h @ p['g2_w'] + p['g2_b']))

    return _head(h, p)

# --- scband reference (transcript-rebuilt; emitter-appended) ---
"""Pipeline reference for scband-vcgdh-v-78477642432532 (READ-ONLY COPY).

The authoritative reference and input builder live on the scoring server;
editing this copy changes nothing except your own understanding.
"""

import jax, jax.numpy as jnp
import numpy as np

B = 64
HASH_BIT = 64
CLASS_NUM = 100


def _conv(x, w, b, stride, pad):
    y = jax.lax.conv_general_dilated(x, w, (stride, stride), [(pad, pad), (pad, pad)],
                                     dimension_numbers=('NCHW', 'OIHW', 'NCHW'))
    return y + b[None, :, None, None]


def _maxpool(x, k=3, s=2):
    return jax.lax.reduce_window(x, -jnp.inf, jax.lax.max, (1, 1, k, k), (1, 1, s, s), 'VALID')


def _init(k, shape, fan_in):
    return jax.random.normal(k, shape, dtype=jnp.float32) * np.float32(1.0 / np.sqrt(fan_in))


def _make_params(key):
    ks = jax.random.split(key, 16)
    p = {}
    p['conv1_w'] = _init(ks[0], (64, 3, 11, 11), 3 * 11 * 11); p['conv1_b'] = jnp.zeros((64,), jnp.float32)
    p['conv2_w'] = _init(ks[1], (192, 64, 5, 5), 64 * 5 * 5); p['conv2_b'] = jnp.zeros((192,), jnp.float32)
    p['conv3_w'] = _init(ks[2], (384, 192, 3, 3), 192 * 9); p['conv3_b'] = jnp.zeros((384,), jnp.float32)
    p['conv4_w'] = _init(ks[3], (256, 384, 3, 3), 384 * 9); p['conv4_b'] = jnp.zeros((256,), jnp.float32)
    p['conv5_w'] = _init(ks[4], (256, 256, 3, 3), 256 * 9); p['conv5_b'] = jnp.zeros((256,), jnp.float32)
    p['fc_w'] = _init(ks[5], (9216, 4096), 9216); p['fc_b'] = jnp.zeros((4096,), jnp.float32)
    p['g1_w'] = _init(ks[6], (4096, 1024), 4096); p['g1_b'] = jnp.zeros((1024,), jnp.float32)
    p['g2_w'] = _init(ks[7], (1024, 256), 1024); p['g2_b'] = jnp.zeros((256,), jnp.float32)
    p['h1_w'] = _init(ks[8], (256, 128), 256); p['h1_b'] = jnp.zeros((128,), jnp.float32)
    p['bn_g'] = jnp.ones((128,), jnp.float32); p['bn_b'] = jnp.zeros((128,), jnp.float32)
    p['h2_w'] = _init(ks[9], (128, HASH_BIT), 128); p['h2_b'] = jnp.zeros((HASH_BIT,), jnp.float32)
    p['c_w'] = _init(ks[10], (HASH_BIT, CLASS_NUM), HASH_BIT); p['c_b'] = jnp.zeros((CLASS_NUM,), jnp.float32)
    return p


def setup_inputs(seed: int = 0) -> dict:
    key = jax.random.key(seed)
    kx, kp = jax.random.split(key)
    x = jax.random.normal(kx, (B, 3, 224, 224), dtype=jnp.float32)
    return {'x': x, 'params': _make_params(kp)}


def _forward(x, p):
    relu = jax.nn.relu
    y = relu(_conv(x, p['conv1_w'], p['conv1_b'], 4, 2)); y = _maxpool(y)
    y = relu(_conv(y, p['conv2_w'], p['conv2_b'], 1, 2)); y = _maxpool(y)
    y = relu(_conv(y, p['conv3_w'], p['conv3_b'], 1, 1))
    y = relu(_conv(y, p['conv4_w'], p['conv4_b'], 1, 1))
    y = relu(_conv(y, p['conv5_w'], p['conv5_b'], 1, 1)); y = _maxpool(y)
    n = y.shape[0]
    flocal = y.reshape(n, 256 * 6 * 6)
    flocal = relu(flocal @ p['fc_w'] + p['fc_b'])
    # pairwise cosine similarity (torch.cosine_similarity, eps=1e-8)
    norms = jnp.sqrt(jnp.sum(flocal * flocal, axis=-1))
    denom = jnp.maximum(norms[:, None] * norms[None, :], 1e-8)
    f_cos = (flocal @ flocal.T) / denom
    # keep top-10 similarities per row (retrieval graph construction)
    vals, idx = jax.lax.top_k(f_cos, 10)
    S = jnp.zeros_like(f_cos).at[jnp.arange(n)[:, None], idx].set(vals)
    # GCN.process_graph: symmetric degree normalization D^-1/2 S D^-1/2
    d = jnp.sum(S, axis=-1)
    safe_d = jnp.where(d > 0, d, 1.0)
    dinv = jnp.where(d > 0, 1.0 / jnp.sqrt(safe_d), 0.0)
    A = dinv[:, None] * S * dinv[None, :]
    # GCN two layers
    h = relu(A @ (flocal @ p['g1_w'] + p['g1_b']))
    h = relu(A @ (h @ p['g2_w'] + p['g2_b']))
    # hash layer: Linear -> ReLU -> BatchNorm1d (batch stats, eps=1e-5) -> Linear
    z = relu(h @ p['h1_w'] + p['h1_b'])
    mu = jnp.mean(z, axis=0)
    var = jnp.var(z, axis=0)
    z = (z - mu) / jnp.sqrt(var + 1e-5) * p['bn_g'] + p['bn_b']
    real_hash_code = z @ p['h2_w'] + p['h2_b']
    cla = jax.nn.sigmoid(real_hash_code @ p['c_w'] + p['c_b'])
    return real_hash_code, cla


def reference(x, params):
    return _forward(x, params)

if __name__ == "__main__":
    import jax
    _d = setup_inputs()
    print(jax.jit(kernel)(*tuple(_d.values())))

</pallas_src>

<mosaic_0001>
#map = affine_map<(d0, d1) -> (0, 0)>
module attributes {stable_mosaic.version = 14 : i64} {
  func.func @_sc_topk_scatter(%arg0: i32, %arg1: i32, %arg2: memref<64x64xf32, #tpu.memory_space<hbm>>, %arg3: memref<64x64xf32, #tpu.memory_space<hbm>>, %arg4: memref<2x64xf32, #tpu.memory_space<vmem>>, %arg5: memref<2x64xf32, #tpu.memory_space<vmem>>) attributes {dimension_semantics = [#tpu.dimension_semantics<core_parallel>, #tpu.dimension_semantics<subcore_parallel>], iteration_bounds = array<i64: 2, 16>, scalar_prefetch = 0 : i64, scratch_operands = 2 : i64, tpu.core_type = #tpu.core_type<sc_vector_subcore>, window_params = [{transform_indices = #map}, {transform_indices = #map}]} {
    %mul3A = arith.constant 2 : i32
    %mul3A_0 = arith.muli %arg1, %mul3A : i32
    %add3A = arith.addi %mul3A_0, %arg0 : i32
    %mul3A_1 = arith.constant 2 : i32
    %mul3A_2 = arith.muli %add3A, %mul3A_1 : i32
    "tpu.region"() ({
      %run_scoped3A = tpu.sem_alloc : memref<!tpu.dma_semaphore, #tpu.memory_space<semaphore_mem>>
      %dma_start3A = arith.constant 0 : i32
      %dma_start3A_2688 = tpu.memref_slice %arg2[%mul3A_2, %dma_start3A] : memref<64x64xf32, #tpu.memory_space<hbm>> -> memref<2x64xf32, #tpu.memory_space<hbm>>
      %dma_start3A_2689 = arith.constant 0 : i32
      %dma_start3A_2690 = tpu.memref_slice %arg2[%mul3A_2, %dma_start3A_2689] : memref<64x64xf32, #tpu.memory_space<hbm>> -> memref<2x64xf32, #tpu.memory_space<hbm>>
      tpu.enqueue_dma source(%dma_start3A_2690 : memref<2x64xf32, #tpu.memory_space<hbm>>) target(%arg4 : memref<2x64xf32, #tpu.memory_space<vmem>>) target_semaphore(%run_scoped3A : memref<!tpu.dma_semaphore, #tpu.memory_space<semaphore_mem>>)
      %dma_wait3A = arith.constant 0 : i32
      %dma_wait3A_2691 = tpu.memref_slice %arg2[%mul3A_2, %dma_wait3A] : memref<64x64xf32, #tpu.memory_space<hbm>> -> memref<2x64xf32, #tpu.memory_space<hbm>>
      %dma_wait3A_2692 = arith.constant 0 : i32
      %dma_wait3A_2693 = tpu.memref_slice %arg2[%mul3A_2, %dma_wait3A_2692] : memref<64x64xf32, #tpu.memory_space<hbm>> -> memref<2x64xf32, #tpu.memory_space<hbm>>
      tpu.wait_dma2 semaphore(%run_scoped3A : memref<!tpu.dma_semaphore, #tpu.memory_space<semaphore_mem>>) src(%dma_wait3A_2693 : memref<2x64xf32, #tpu.memory_space<hbm>>) dst(%arg4 : memref<2x64xf32, #tpu.memory_space<vmem>>)
      tpu.yield
    }) : () -> ()
    %iota3A = tpu.iota {dimensions = array<i32: 0>} : vector<16xi32>
    %convert_element_type3A = arith.sitofp %iota3A : vector<16xi32> to vector<16xf32>
    %get3A = arith.constant 0 : i32
    %get3A_3 = arith.index_cast %get3A : i32 to index
    %get3A_4 = arith.constant 0 : index
    %get3A_5 = tpu.vector_load %arg4[%get3A_3, %get3A_4] {strides = array<i32>} : memref<2x64xf32, #tpu.memory_space<vmem>>, vector<1x16xf32>,
    %get3A_6 = vector.shape_cast %get3A_5 : vector<1x16xf32> to vector<16xf32>
    %get3A_7 = arith.constant 0 : i32
    %get3A_8 = arith.index_cast %get3A_7 : i32 to index
    %get3A_9 = arith.constant 16 : index
    %get3A_10 = tpu.vector_load %arg4[%get3A_8, %get3A_9] {strides = array<i32>} : memref<2x64xf32, #tpu.memory_space<vmem>>, vector<1x16xf32>,
    %get3A_11 = vector.shape_cast %get3A_10 : vector<1x16xf32> to vector<16xf32>
    %get3A_12 = arith.constant 0 : i32
    %get3A_13 = arith.index_cast %get3A_12 : i32 to index
    %get3A_14 = arith.constant 32 : index
    %get3A_15 = tpu.vector_load %arg4[%get3A_13, %get3A_14] {strides = array<i32>} : memref<2x64xf32, #tpu.memory_space<vmem>>, vector<1x16xf32>,
    %get3A_16 = vector.shape_cast %get3A_15 : vector<1x16xf32> to vector<16xf32>
    %get3A_17 = arith.constant 0 : i32
    %get3A_18 = arith.index_cast %get3A_17 : i32 to index
    %get3A_19 = arith.constant 48 : index
    %get3A_20 = tpu.vector_load %arg4[%get3A_18, %get3A_19] {strides = array<i32>} : memref<2x64xf32, #tpu.memory_space<vmem>>, vector<1x16xf32>,
    %get3A_21 = vector.shape_cast %get3A_20 : vector<1x16xf32> to vector<16xf32>
    %max3A = arith.maximumf %get3A_6, %get3A_11 : vector<16xf32>
    %max3A_22 = arith.maximumf %get3A_16, %get3A_21 : vector<16xf32>
    %max3A_23 = arith.maximumf %max3A, %max3A_22 : vector<16xf32>
    %rev3A = arith.constant 15 : i32
    %rev3A_24 = vector.broadcast %rev3A : i32 to vector<16xi32>
    %rev3A_25 = tpu.iota {dimensions = array<i32: 0>} : vector<16xi32>
    %rev3A_26 = arith.subi %rev3A_24, %rev3A_25 : vector<16xi32>
    %rev3A_27 = tpu.dynamic_gather %max3A_23[%rev3A_26] in [0] : vector<16xf32>, vector<16xi32> -> vector<16xf32>
    %max3A_28 = arith.maximumf %max3A_23, %rev3A_27 : vector<16xf32>
    %slice3A = vector.extract_strided_slice %max3A_28 {offsets = [0], sizes = [1], strides = [1]} : vector<16xf32> to vector<1xf32>
    %squeeze3A = vector.extract %slice3A[0] : f32 from vector<1xf32>
    %slice3A_29 = vector.extract_strided_slice %max3A_28 {offsets = [1], sizes = [1], strides = [1]} : vector<16xf32> to vector<1xf32>
    %squeeze3A_30 = vector.extract %slice3A_29[0] : f32 from vector<1xf32>
    %max3A_31 = arith.maximumf %squeeze3A, %squeeze3A_30 : f32
    %slice3A_32 = vector.extract_strided_slice %max3A_28 {offsets = [2], sizes = [1], strides = [1]} : vector<16xf32> to vector<1xf32>
    %squeeze3A_33 = vector.extract %slice3A_32[0] : f32 from vector<1xf32>
    %max3A_34 = arith.maximumf %max3A_31, %squeeze3A_33 : f32
    %slice3A_35 = vector.extract_strided_slice %max3A_28 {offsets = [3], sizes = [1], strides = [1]} : vector<16xf32> to vector<1xf32>
    %squeeze3A_36 = vector.extract %slice3A_35[0] : f32 from vector<1xf32>
    %max3A_37 = arith.maximumf %max3A_34, %squeeze3A_36 : f32
    %slice3A_38 = vector.extract_strided_slice %max3A_28 {offsets = [4], sizes = [1], strides = [1]} : vector<16xf32> to vector<1xf32>
    %squeeze3A_39 = vector.extract %slice3A_38[0] : f32 from vector<1xf32>
    %max3A_40 = arith.maximumf %max3A_37, %squeeze3A_39 : f32
    %slice3A_41 = vector.extract_strided_slice %max3A_28 {offsets = [5], sizes = [1], strides = [1]} : vector<16xf32> to vector<1xf32>
    %squeeze3A_42 = vector.extract %slice3A_41[0] : f32 from vector<1xf32>
    %max3A_43 = arith.maximumf %max3A_40, %squeeze3A_42 : f32
    %slice3A_44 = vector.extract_strided_slice %max3A_28 {offsets = [6], sizes = [1], strides = [1]} : vector<16xf32> to vector<1xf32>
    %squeeze3A_45 = vector.extract %slice3A_44[0] : f32 from vector<1xf32>
    %max3A_46 = arith.maximumf %max3A_43, %squeeze3A_45 : f32
    %slice3A_47 = vector.extract_strided_slice %max3A_28 {offsets = [7], sizes = [1], strides = [1]} : vector<16xf32> to vector<1xf32>
    %squeeze3A_48 = vector.extract %slice3A_47[0] : f32 from vector<1xf32>
    %max3A_49 = arith.maximumf %max3A_46, %squeeze3A_48 : f32
    %eq3A = vector.broadcast %max3A_49 : f32 to vector<16xf32>
    %eq3A_50 = arith.cmpf oeq, %get3A_6, %eq3A : vector<16xf32>
    %add3A_51 = arith.constant 0.000000e+00 : f32
    %add3A_52 = vector.broadcast %add3A_51 : f32 to vector<16xf32>
    %add3A_53 = arith.addf %convert_element_type3A, %add3A_52 : vector<16xf32>
    %jit3A = arith.constant 6.400000e+01 : f32
    %broadcast_in_dim3A = vector.broadcast %jit3A : f32 to vector<16xf32>
    %select_n3A = arith.select %eq3A_50, %add3A_53, %broadcast_in_dim3A : vector<16xi1>, vector<16xf32>
    %eq3A_54 = vector.broadcast %max3A_49 : f32 to vector<16xf32>
    %eq3A_55 = arith.cmpf oeq, %get3A_11, %eq3A_54 : vector<16xf32>
    %add3A_56 = arith.constant 1.600000e+01 : f32
    %add3A_57 = vector.broadcast %add3A_56 : f32 to vector<16xf32>
    %add3A_58 = arith.addf %convert_element_type3A, %add3A_57 : vector<16xf32>
    %jit3A_59 = arith.constant 6.400000e+01 : f32
    %broadcast_in_dim3A_60 = vector.broadcast %jit3A_59 : f32 to vector<16xf32>
    %select_n3A_61 = arith.select %eq3A_55, %add3A_58, %broadcast_in_dim3A_60 : vector<16xi1>, vector<16xf32>
    %eq3A_62 = vector.broadcast %max3A_49 : f32 to vector<16xf32>
    %eq3A_63 = arith.cmpf oeq, %get3A_16, %eq3A_62 : vector<16xf32>
    %add3A_64 = arith.constant 3.200000e+01 : f32
    %add3A_65 = vector.broadcast %add3A_64 : f32 to vector<16xf32>
    %add3A_66 = arith.addf %convert_element_type3A, %add3A_65 : vector<16xf32>
    %jit3A_67 = arith.constant 6.400000e+01 : f32
    %broadcast_in_dim3A_68 = vector.broadcast %jit3A_67 : f32 to vector<16xf32>
    %select_n3A_69 = arith.select %eq3A_63, %add3A_66, %broadcast_in_dim3A_68 : vector<16xi1>, vector<16xf32>
    %eq3A_70 = vector.broadcast %max3A_49 : f32 to vector<16xf32>
    %eq3A_71 = arith.cmpf oeq, %get3A_21, %eq3A_70 : vector<16xf32>
    %add3A_72 = arith.constant 4.800000e+01 : f32
    %add3A_73 = vector.broadcast %add3A_72 : f32 to vector<16xf32>
    %add3A_74 = arith.addf %convert_element_type3A, %add3A_73 : vector<16xf32>
    %jit3A_75 = arith.constant 6.400000e+01 : f32
    %broadcast_in_dim3A_76 = vector.broadcast %jit3A_75 : f32 to vector<16xf32>
    %select_n3A_77 = arith.select %eq3A_71, %add3A_74, %broadcast_in_dim3A_76 : vector<16xi1>, vector<16xf32>
    %min3A = arith.minimumf %select_n3A, %select_n3A_61 : vector<16xf32>
    %min3A_78 = arith.minimumf %select_n3A_69, %select_n3A_77 : vector<16xf32>
    %min3A_79 = arith.minimumf %min3A, %min3A_78 : vector<16xf32>
    %rev3A_80 = arith.constant 15 : i32
    %rev3A_81 = vector.broadcast %rev3A_80 : i32 to vector<16xi32>
    %rev3A_82 = tpu.iota {dimensions = array<i32: 0>} : vector<16xi32>
    %rev3A_83 = arith.subi %rev3A_81, %rev3A_82 : vector<16xi32>
    %rev3A_84 = tpu.dynamic_gather %min3A_79[%rev3A_83] in [0] : vector<16xf32>, vector<16xi32> -> vector<16xf32>
    %min3A_85 = arith.minimumf %min3A_79, %rev3A_84 : vector<16xf32>
    %slice3A_86 = vector.extract_strided_slice %min3A_85 {offsets = [0], sizes = [1], strides = [1]} : vector<16xf32> to vector<1xf32>
    %squeeze3A_87 = vector.extract %slice3A_86[0] : f32 from vector<1xf32>
    %slice3A_88 = vector.extract_strided_slice %min3A_85 {offsets = [1], sizes = [1], strides = [1]} : vector<16xf32> to vector<1xf32>
    %squeeze3A_89 = vector.extract %slice3A_88[0] : f32 from vector<1xf32>
    %min3A_90 = arith.minimumf %squeeze3A_87, %squeeze3A_89 : f32
    %slice3A_91 = vector.extract_strided_slice %min3A_85 {offsets = [2], sizes = [1], strides = [1]} : vector<16xf32> to vector<1xf32>
    %squeeze3A_92 = vector.extract %slice3A_91[0] : f32 from vector<1xf32>
    %min3A_93 = arith.minimumf %min3A_90, %squeeze3A_92 : f32
    %slice3A_94 = vector.extract_strided_slice %min3A_85 {offsets = [3], sizes = [1], strides = [1]} : vector<16xf32> to vector<1xf32>
    %squeeze3A_95 = vector.extract %slice3A_94[0] : f32 from vector<1xf32>
    %min3A_96 = arith.minimumf %min3A_93, %squeeze3A_95 : f32
    %slice3A_97 = vector.extract_strided_slice %min3A_85 {offsets = [4], sizes = [1], strides = [1]} : vector<16xf32> to vector<1xf32>
    %squeeze3A_98 = vector.extract %slice3A_97[0] : f32 from vector<1xf32>
    %min3A_99 = arith.minimumf %min3A_96, %squeeze3A_98 : f32
    %slice3A_100 = vector.extract_strided_slice %min3A_85 {offsets = [5], sizes = [1], strides = [1]} : vector<16xf32> to vector<1xf32>
    %squeeze3A_101 = vector.extract %slice3A_100[0] : f32 from vector<1xf32>
    %min3A_102 = arith.minimumf %min3A_99, %squeeze3A_101 : f32
    %slice3A_103 = vector.extract_strided_slice %min3A_85 {offsets = [6], sizes = [1], strides = [1]} : vector<16xf32> to vector<1xf32>
    %squeeze3A_104 = vector.extract %slice3A_103[0] : f32 from vector<1xf32>
    %min3A_105 = arith.minimumf %min3A_102, %squeeze3A_104 : f32
    %slice3A_106 = vector.extract_strided_slice %min3A_85 {offsets = [7], sizes = [1], strides = [1]} : vector<16xf32> to vector<1xf32>
    %squeeze3A_107 = vector.extract %slice3A_106[0] : f32 from vector<1xf32>
    %min3A_108 = arith.minimumf %min3A_105, %squeeze3A_107 : f32
    %add3A_109 = arith.constant 0.000000e+00 : f32
    %add3A_110 = vector.broadcast %add3A_109 : f32 to vector<16xf32>
    %add3A_111 = arith.addf %convert_element_type3A, %add3A_110 : vector<16xf32>
    %eq3A_112 = vector.broadcast %min3A_108 : f32 to vector<16xf32>
    %eq3A_113 = arith.cmpf oeq, %add3A_111, %eq3A_112 : vector<16xf32>
    %jit3A_114 = arith.constant 0xFF800000 : f32
    %broadcast_in_dim3A_115 = vector.broadcast %jit3A_114 : f32 to vector<16xf32>
    %select_n3A_116 = arith.select %eq3A_113, %broadcast_in_dim3A_115, %get3A_6 : vector<16xi1>, vector<16xf32>
    %add3A_117 = arith.constant 1.600000e+01 : f32
    %add3A_118 = vector.broadcast %add3A_117 : f32 to vector<16xf32>
    %add3A_119 = arith.addf %convert_element_type3A, %add3A_118 : vector<16xf32>
    %eq3A_120 = vector.broadcast %min3A_108 : f32 to vector<16xf32>
    %eq3A_121 = arith.cmpf oeq, %add3A_119, %eq3A_120 : vector<16xf32>
    %jit3A_122 = arith.constant 0xFF800000 : f32
    %broadcast_in_dim3A_123 = vector.broadcast %jit3A_122 : f32 to vector<16xf32>
    %select_n3A_124 = arith.select %eq3A_121, %broadcast_in_dim3A_123, %get3A_11 : vector<16xi1>, vector<16xf32>
    %add3A_125 = arith.constant 3.200000e+01 : f32
    %add3A_126 = vector.broadcast %add3A_125 : f32 to vector<16xf32>
    %add3A_127 = arith.addf %convert_element_type3A, %add3A_126 : vector<16xf32>
    %eq3A_128 = vector.broadcast %min3A_108 : f32 to vector<16xf32>
    %eq3A_129 = arith.cmpf oeq, %add3A_127, %eq3A_128 : vector<16xf32>
    %jit3A_130 = arith.constant 0xFF800000 : f32
    %broadcast_in_dim3A_131 = vector.broadcast %jit3A_130 : f32 to vector<16xf32>
    %select_n3A_132 = arith.select %eq3A_129, %broadcast_in_dim3A_131, %get3A_16 : vector<16xi1>, vector<16xf32>
    %add3A_133 = arith.constant 4.800000e+01 : f32
    %add3A_134 = vector.broadcast %add3A_133 : f32 to vector<16xf32>
    %add3A_135 = arith.addf %convert_element_type3A, %add3A_134 : vector<16xf32>
    %eq3A_136 = vector.broadcast %min3A_108 : f32 to vector<16xf32>
    %eq3A_137 = arith.cmpf oeq, %add3A_135, %eq3A_136 : vector<16xf32>
    %jit3A_138 = arith.constant 0xFF800000 : f32
    %broadcast_in_dim3A_139 = vector.broadcast %jit3A_138 : f32 to vector<16xf32>
    %select_n3A_140 = arith.select %eq3A_137, %broadcast_in_dim3A_139, %get3A_21 : vector<16xi1>, vector<16xf32>
    %max3A_141 = arith.maximumf %select_n3A_116, %select_n3A_124 : vector<16xf32>
    %max3A_142 = arith.maximumf %select_n3A_132, %select_n3A_140 : vector<16xf32>
    %max3A_143 = arith.maximumf %max3A_141, %max3A_142 : vector<16xf32>
    %rev3A_144 = arith.constant 15 : i32
    %rev3A_145 = vector.broadcast %rev3A_144 : i32 to vector<16xi32>
    %rev3A_146 = tpu.iota {dimensions = array<i32: 0>} : vector<16xi32>
    %rev3A_147 = arith.subi %rev3A_145, %rev3A_146 : vector<16xi32>
    %rev3A_148 = tpu.dynamic_gather %max3A_143[%rev3A_147] in [0] : vector<16xf32>, vector<16xi32> -> vector<16xf32>
    %max3A_149 = arith.maximumf %max3A_143, %rev3A_148 : vector<16xf32>
    %slice3A_150 = vector.extract_strided_slice %max3A_149 {offsets = [0], sizes = [1], strides = [1]} : vector<16xf32> to vector<1xf32>
    %squeeze3A_151 = vector.extract %slice3A_150[0] : f32 from vector<1xf32>
    %slice3A_152 = vector.extract_strided_slice %max3A_149 {offsets = [1], sizes = [1], strides = [1]} : vector<16xf32> to vector<1xf32>
    %squeeze3A_153 = vector.extract %slice3A_152[0] : f32 from vector<1xf32>
    %max3A_154 = arith.maximumf %squeeze3A_151, %squeeze3A_153 : f32
    %slice3A_155 = vector.extract_strided_slice %max3A_149 {offsets = [2], sizes = [1], strides = [1]} : vector<16xf32> to vector<1xf32>
    %squeeze3A_156 = vector.extract %slice3A_155[0] : f32 from vector<1xf32>
    %max3A_157 = arith.maximumf %max3A_154, %squeeze3A_156 : f32
    %slice3A_158 = vector.extract_strided_slice %max3A_149 {offsets = [3], sizes = [1], strides = [1]} : vector<16xf32> to vector<1xf32>
    %squeeze3A_159 = vector.extract %slice3A_158[0] : f32 from vector<1xf32>
    %max3A_160 = arith.maximumf %max3A_157, %squeeze3A_159 : f32
    %slice3A_161 = vector.extract_strided_slice %max3A_149 {offsets = [4], sizes = [1], strides = [1]} : vector<16xf32> to vector<1xf32>
    %squeeze3A_162 = vector.extract %slice3A_161[0] : f32 from vector<1xf32>
    %max3A_163 = arith.maximumf %max3A_160, %squeeze3A_162 : f32
    %slice3A_164 = vector.extract_strided_slice %max3A_149 {offsets = [5], sizes = [1], strides = [1]} : vector<16xf32> to vector<1xf32>
    %squeeze3A_165 = vector.extract %slice3A_164[0] : f32 from vector<1xf32>
    %max3A_166 = arith.maximumf %max3A_163, %squeeze3A_165 : f32
    %slice3A_167 = vector.extract_strided_slice %max3A_149 {offsets = [6], sizes = [1], strides = [1]} : vector<16xf32> to vector<1xf32>
    %squeeze3A_168 = vector.extract %slice3A_167[0] : f32 from vector<1xf32>
    %max3A_169 = arith.maximumf %max3A_166, %squeeze3A_168 : f32
    %slice3A_170 = vector.extract_strided_slice %max3A_149 {offsets = [7], sizes = [1], strides = [1]} : vector<16xf32> to vector<1xf32>
    %squeeze3A_171 = vector.extract %slice3A_170[0] : f32 from vector<1xf32>
    %max3A_172 = arith.maximumf %max3A_169, %squeeze3A_171 : f32
    %eq3A_173 = vector.broadcast %max3A_172 : f32 to vector<16xf32>
    %eq3A_174 = arith.cmpf oeq, %select_n3A_116, %eq3A_173 : vector<16xf32>
    %add3A_175 = arith.constant 0.000000e+00 : f32
    %add3A_176 = vector.broadcast %add3A_175 : f32 to vector<16xf32>
    %add3A_177 = arith.addf %convert_element_type3A, %add3A_176 : vector<16xf32>
    %jit3A_178 = arith.constant 6.400000e+01 : f32
    %broadcast_in_dim3A_179 = vector.broadcast %jit3A_178 : f32 to vector<16xf32>
    %select_n3A_180 = arith.select %eq3A_174, %add3A_177, %broadcast_in_dim3A_179 : vector<16xi1>, vector<16xf32>
    %eq3A_181 = vector.broadcast %max3A_172 : f32 to vector<16xf32>
    %eq3A_182 = arith.cmpf oeq, %select_n3A_124, %eq3A_181 : vector<16xf32>
    %add3A_183 = arith.constant 1.600000e+01 : f32
    %add3A_184 = vector.broadcast %add3A_183 : f32 to vector<16xf32>
    %add3A_185 = arith.addf %convert_element_type3A, %add3A_184 : vector<16xf32>
    %jit3A_186 = arith.constant 6.400000e+01 : f32
    %broadcast_in_dim3A_187 = vector.broadcast %jit3A_186 : f32 to vector<16xf32>
    %select_n3A_188 = arith.select %eq3A_182, %add3A_185, %broadcast_in_dim3A_187 : vector<16xi1>, vector<16xf32>
    %eq3A_189 = vector.broadcast %max3A_172 : f32 to vector<16xf32>
    %eq3A_190 = arith.cmpf oeq, %select_n3A_132, %eq3A_189 : vector<16xf32>
    %add3A_191 = arith.constant 3.200000e+01 : f32
    %add3A_192 = vector.broadcast %add3A_191 : f32 to vector<16xf32>
    %add3A_193 = arith.addf %convert_element_type3A, %add3A_192 : vector<16xf32>
    %jit3A_194 = arith.constant 6.400000e+01 : f32
    %broadcast_in_dim3A_195 = vector.broadcast %jit3A_194 : f32 to vector<16xf32>
    %select_n3A_196 = arith.select %eq3A_190, %add3A_193, %broadcast_in_dim3A_195 : vector<16xi1>, vector<16xf32>
    %eq3A_197 = vector.broadcast %max3A_172 : f32 to vector<16xf32>
    %eq3A_198 = arith.cmpf oeq, %select_n3A_140, %eq3A_197 : vector<16xf32>
    %add3A_199 = arith.constant 4.800000e+01 : f32
    %add3A_200 = vector.broadcast %add3A_199 : f32 to vector<16xf32>
    %add3A_201 = arith.addf %convert_element_type3A, %add3A_200 : vector<16xf32>
    %jit3A_202 = arith.constant 6.400000e+01 : f32
    %broadcast_in_dim3A_203 = vector.broadcast %jit3A_202 : f32 to vector<16xf32>
    %select_n3A_204 = arith.select %eq3A_198, %add3A_201, %broadcast_in_dim3A_203 : vector<16xi1>, vector<16xf32>
    %min3A_205 = arith.minimumf %select_n3A_180, %select_n3A_188 : vector<16xf32>
    %min3A_206 = arith.minimumf %select_n3A_196, %select_n3A_204 : vector<16xf32>
    %min3A_207 = arith.minimumf %min3A_205, %min3A_206 : vector<16xf32>
    %rev3A_208 = arith.constant 15 : i32
    %rev3A_209 = vector.broadcast %rev3A_208 : i32 to vector<16xi32>
    %rev3A_210 = tpu.iota {dimensions = array<i32: 0>} : vector<16xi32>
    %rev3A_211 = arith.subi %rev3A_209, %rev3A_210 : vector<16xi32>
    %rev3A_212 = tpu.dynamic_gather %min3A_207[%rev3A_211] in [0] : vector<16xf32>, vector<16xi32> -> vector<16xf32>
    %min3A_213 = arith.minimumf %min3A_207, %rev3A_212 : vector<16xf32>
    %slice3A_214 = vector.extract_strided_slice %min3A_213 {offsets = [0], sizes = [1], strides = [1]} : vector<16xf32> to vector<1xf32>
    %squeeze3A_215 = vector.extract %slice3A_214[0] : f32 from vector<1xf32>
    %slice3A_216 = vector.extract_strided_slice %min3A_213 {offsets = [1], sizes = [1], strides = [1]} : vector<16xf32> to vector<1xf32>
    %squeeze3A_217 = vector.extract %slice3A_216[0] : f32 from vector<1xf32>
    %min3A_218 = arith.minimumf %squeeze3A_215, %squeeze3A_217 : f32
    %slice3A_219 = vector.extract_strided_slice %min3A_213 {offsets = [2], sizes = [1], strides = [1]} : vector<16xf32> to vector<1xf32>
    %squeeze3A_220 = vector.extract %slice3A_219[0] : f32 from vector<1xf32>
    %min3A_221 = arith.minimumf %min3A_218, %squeeze3A_220 : f32
    %slice3A_222 = vector.extract_strided_slice %min3A_213 {offsets = [3], sizes = [1], strides = [1]} : vector<16xf32> to vector<1xf32>
    %squeeze3A_223 = vector.extract %slice3A_222[0] : f32 from vector<1xf32>
    %min3A_224 = arith.minimumf %min3A_221, %squeeze3A_223 : f32
    %slice3A_225 = vector.extract_strided_slice %min3A_213 {offsets = [4], sizes = [1], strides = [1]} : vector<16xf32> to vector<1xf32>
    %squeeze3A_226 = vector.extract %slice3A_225[0] : f32 from vector<1xf32>
    %min3A_227 = arith.minimumf %min3A_224, %squeeze3A_226 : f32
    %slice3A_228 = vector.extract_strided_slice %min3A_213 {offsets = [5], sizes = [1], strides = [1]} : vector<16xf32> to vector<1xf32>
    %squeeze3A_229 = vector.extract %slice3A_228[0] : f32 from vector<1xf32>
    %min3A_230 = arith.minimumf %min3A_227, %squeeze3A_229 : f32
    %slice3A_231 = vector.extract_strided_slice %min3A_213 {offsets = [6], sizes = [1], strides = [1]} : vector<16xf32> to vector<1xf32>
    %squeeze3A_232 = vector.extract %slice3A_231[0] : f32 from vector<1xf32>
    %min3A_233 = arith.minimumf %min3A_230, %squeeze3A_232 : f32
    %slice3A_234 = vector.extract_strided_slice %min3A_213 {offsets = [7], sizes = [1], strides = [1]} : vector<16xf32> to vector<1xf32>
    %squeeze3A_235 = vector.extract %slice3A_234[0] : f32 from vector<1xf32>
    %min3A_236 = arith.minimumf %min3A_233, %squeeze3A_235 : f32
    %add3A_237 = arith.constant 0.000000e+00 : f32
    %add3A_238 = vector.broadcast %add3A_237 : f32 to vector<16xf32>
    %add3A_239 = arith.addf %convert_element_type3A, %add3A_238 : vector<16xf32>
    %eq3A_240 = vector.broadcast %min3A_236 : f32 to vector<16xf32>
    %eq3A_241 = arith.cmpf oeq, %add3A_239, %eq3A_240 : vector<16xf32>
    %jit3A_242 = arith.constant 0xFF800000 : f32
    %broadcast_in_dim3A_243 = vector.broadcast %jit3A_242 : f32 to vector<16xf32>
    %select_n3A_244 = arith.select %eq3A_241, %broadcast_in_dim3A_243, %select_n3A_116 : vector<16xi1>, vector<16xf32>
    %add3A_245 = arith.constant 1.600000e+01 : f32
    %add3A_246 = vector.broadcast %add3A_245 : f32 to vector<16xf32>
    %add3A_247 = arith.addf %convert_element_type3A, %add3A_246 : vector<16xf32>
    %eq3A_248 = vector.broadcast %min3A_236 : f32 to vector<16xf32>
    %eq3A_249 = arith.cmpf oeq, %add3A_247, %eq3A_248 : vector<16xf32>
    %jit3A_250 = arith.constant 0xFF800000 : f32
    %broadcast_in_dim3A_251 = vector.broadcast %jit3A_250 : f32 to vector<16xf32>
    %select_n3A_252 = arith.select %eq3A_249, %broadcast_in_dim3A_251, %select_n3A_124 : vector<16xi1>, vector<16xf32>
    %add3A_253 = arith.constant 3.200000e+01 : f32
    %add3A_254 = vector.broadcast %add3A_253 : f32 to vector<16xf32>
    %add3A_255 = arith.addf %convert_element_type3A, %add3A_254 : vector<16xf32>
    %eq3A_256 = vector.broadcast %min3A_236 : f32 to vector<16xf32>
    %eq3A_257 = arith.cmpf oeq, %add3A_255, %eq3A_256 : vector<16xf32>
    %jit3A_258 = arith.constant 0xFF800000 : f32
    %broadcast_in_dim3A_259 = vector.broadcast %jit3A_258 : f32 to vector<16xf32>
    %select_n3A_260 = arith.select %eq3A_257, %broadcast_in_dim3A_259, %select_n3A_132 : vector<16xi1>, vector<16xf32>
    %add3A_261 = arith.constant 4.800000e+01 : f32
    %add3A_262 = vector.broadcast %add3A_261 : f32 to vector<16xf32>
    %add3A_263 = arith.addf %convert_element_type3A, %add3A_262 : vector<16xf32>
    %eq3A_264 = vector.broadcast %min3A_236 : f32 to vector<16xf32>
    %eq3A_265 = arith.cmpf oeq, %add3A_263, %eq3A_264 : vector<16xf32>
    %jit3A_266 = arith.constant 0xFF800000 : f32
    %broadcast_in_dim3A_267 = vector.broadcast %jit3A_266 : f32 to vector<16xf32>
    %select_n3A_268 = arith.select %eq3A_265, %broadcast_in_dim3A_267, %select_n3A_140 : vector<16xi1>, vector<16xf32>
    %max3A_269 = arith.maximumf %select_n3A_244, %select_n3A_252 : vector<16xf32>
    %max3A_270 = arith.maximumf %select_n3A_260, %select_n3A_268 : vector<16xf32>
    %max3A_271 = arith.maximumf %max3A_269, %max3A_270 : vector<16xf32>
    %rev3A_272 = arith.constant 15 : i32
    %rev3A_273 = vector.broadcast %rev3A_272 : i32 to vector<16xi32>
    %rev3A_274 = tpu.iota {dimensions = array<i32: 0>} : vector<16xi32>
    %rev3A_275 = arith.subi %rev3A_273, %rev3A_274 : vector<16xi32>
    %rev3A_276 = tpu.dynamic_gather %max3A_271[%rev3A_275] in [0] : vector<16xf32>, vector<16xi32> -> vector<16xf32>
    %max3A_277 = arith.maximumf %max3A_271, %rev3A_276 : vector<16xf32>
    %slice3A_278 = vector.extract_strided_slice %max3A_277 {offsets = [0], sizes = [1], strides = [1]} : vector<16xf32> to vector<1xf32>
    %squeeze3A_279 = vector.extract %slice3A_278[0] : f32 from vector<1xf32>
    %slice3A_280 = vector.extract_strided_slice %max3A_277 {offsets = [1], sizes = [1], strides = [1]} : vector<16xf32> to vector<1xf32>
    %squeeze3A_281 = vector.extract %slice3A_280[0] : f32 from vector<1xf32>
    %max3A_282 = arith.maximumf %squeeze3A_279, %squeeze3A_281 : f32
    %slice3A_283 = vector.extract_strided_slice %max3A_277 {offsets = [2], sizes = [1], strides = [1]} : vector<16xf32> to vector<1xf32>
    %squeeze3A_284 = vector.extract %slice3A_283[0] : f32 from vector<1xf32>
    %max3A_285 = arith.maximumf %max3A_282, %squeeze3A_284 : f32
    %slice3A_286 = vector.extract_strided_slice %max3A_277 {offsets = [3], sizes = [1], strides = [1]} : vector<16xf32> to vector<1xf32>
    %squeeze3A_287 = vector.extract %slice3A_286[0] : f32 from vector<1xf32>
    %max3A_288 = arith.maximumf %max3A_285, %squeeze3A_287 : f32
    %slice3A_289 = vector.extract_strided_slice %max3A_277 {offsets = [4], sizes = [1], strides = [1]} : vector<16xf32> to vector<1xf32>
    %squeeze3A_290 = vector.extract %slice3A_289[0] : f32 from vector<1xf32>
    %max3A_291 = arith.maximumf %max3A_288, %squeeze3A_290 : f32
    %slice3A_292 = vector.extract_strided_slice %max3A_277 {offsets = [5], sizes = [1], strides = [1]} : vector<16xf32> to vector<1xf32>
    %squeeze3A_293 = vector.extract %slice3A_292[0] : f32 from vector<1xf32>
    %max3A_294 = arith.maximumf %max3A_291, %squeeze3A_293 : f32
    %slice3A_295 = vector.extract_strided_slice %max3A_277 {offsets = [6], sizes = [1], strides = [1]} : vector<16xf32> to vector<1xf32>
    %squeeze3A_296 = vector.extract %slice3A_295[0] : f32 from vector<1xf32>
    %max3A_297 = arith.maximumf %max3A_294, %squeeze3A_296 : f32
    %slice3A_298 = vector.extract_strided_slice %max3A_277 {offsets = [7], sizes = [1], strides = [1]} : vector<16xf32> to vector<1xf32>
    %squeeze3A_299 = vector.extract %slice3A_298[0] : f32 from vector<1xf32>
    %max3A_300 = arith.maximumf %max3A_297, %squeeze3A_299 : f32
    %eq3A_301 = vector.broadcast %max3A_300 : f32 to vector<16xf32>
    %eq3A_302 = arith.cmpf oeq, %select_n3A_244, %eq3A_301 : vector<16xf32>
    %add3A_303 = arith.constant 0.000000e+00 : f32
    %add3A_304 = vector.broadcast %add3A_303 : f32 to vector<16xf32>
    %add3A_305 = arith.addf %convert_element_type3A, %add3A_304 : vector<16xf32>
    %jit3A_306 = arith.constant 6.400000e+01 : f32
    %broadcast_in_dim3A_307 = vector.broadcast %jit3A_306 : f32 to vector<16xf32>
    %select_n3A_308 = arith.select %eq3A_302, %add3A_305, %broadcast_in_dim3A_307 : vector<16xi1>, vector<16xf32>
    %eq3A_309 = vector.broadcast %max3A_300 : f32 to vector<16xf32>
    %eq3A_310 = arith.cmpf oeq, %select_n3A_252, %eq3A_309 : vector<16xf32>
    %add3A_311 = arith.constant 1.600000e+01 : f32
    %add3A_312 = vector.broadcast %add3A_311 : f32 to vector<16xf32>
    %add3A_313 = arith.addf %convert_element_type3A, %add3A_312 : vector<16xf32>
    %jit3A_314 = arith.constant 6.400000e+01 : f32
    %broadcast_in_dim3A_315 = vector.broadcast %jit3A_314 : f32 to vector<16xf32>
    %select_n3A_316 = arith.select %eq3A_310, %add3A_313, %broadcast_in_dim3A_315 : vector<16xi1>, vector<16xf32>
    %eq3A_317 = vector.broadcast %max3A_300 : f32 to vector<16xf32>
    %eq3A_318 = arith.cmpf oeq, %select_n3A_260, %eq3A_317 : vector<16xf32>
    %add3A_319 = arith.constant 3.200000e+01 : f32
    %add3A_320 = vector.broadcast %add3A_319 : f32 to vector<16xf32>
    %add3A_321 = arith.addf %convert_element_type3A, %add3A_320 : vector<16xf32>
    %jit3A_322 = arith.constant 6.400000e+01 : f32
    %broadcast_in_dim3A_323 = vector.broadcast %jit3A_322 : f32 to vector<16xf32>
    %select_n3A_324 = arith.select %eq3A_318, %add3A_321, %broadcast_in_dim3A_323 : vector<16xi1>, vector<16xf32>
    %eq3A_325 = vector.broadcast %max3A_300 : f32 to vector<16xf32>
    %eq3A_326 = arith.cmpf oeq, %select_n3A_268, %eq3A_325 : vector<16xf32>
    %add3A_327 = arith.constant 4.800000e+01 : f32
    %add3A_328 = vector.broadcast %add3A_327 : f32 to vector<16xf32>
    %add3A_329 = arith.addf %convert_element_type3A, %add3A_328 : vector<16xf32>
    %jit3A_330 = arith.constant 6.400000e+01 : f32
    %broadcast_in_dim3A_331 = vector.broadcast %jit3A_330 : f32 to vector<16xf32>
    %select_n3A_332 = arith.select %eq3A_326, %add3A_329, %broadcast_in_dim3A_331 : vector<16xi1>, vector<16xf32>
    %min3A_333 = arith.minimumf %select_n3A_308, %select_n3A_316 : vector<16xf32>
    %min3A_334 = arith.minimumf %select_n3A_324, %select_n3A_332 : vector<16xf32>
    %min3A_335 = arith.minimumf %min3A_333, %min3A_334 : vector<16xf32>
    %rev3A_336 = arith.constant 15 : i32
    %rev3A_337 = vector.broadcast %rev3A_336 : i32 to vector<16xi32>
    %rev3A_338 = tpu.iota {dimensions = array<i32: 0>} : vector<16xi32>
    %rev3A_339 = arith.subi %rev3A_337, %rev3A_338 : vector<16xi32>
    %rev3A_340 = tpu.dynamic_gather %min3A_335[%rev3A_339] in [0] : vector<16xf32>, vector<16xi32> -> vector<16xf32>
    %min3A_341 = arith.minimumf %min3A_335, %rev3A_340 : vector<16xf32>
    %slice3A_342 = vector.extract_strided_slice %min3A_341 {offsets = [0], sizes = [1], strides = [1]} : vector<16xf32> to vector<1xf32>
    %squeeze3A_343 = vector.extract %slice3A_342[0] : f32 from vector<1xf32>
    %slice3A_344 = vector.extract_strided_slice %min3A_341 {offsets = [1], sizes = [1], strides = [1]} : vector<16xf32> to vector<1xf32>
    %squeeze3A_345 = vector.extract %slice3A_344[0] : f32 from vector<1xf32>
    %min3A_346 = arith.minimumf %squeeze3A_343, %squeeze3A_345 : f32
    %slice3A_347 = vector.extract_strided_slice %min3A_341 {offsets = [2], sizes = [1], strides = [1]} : vector<16xf32> to vector<1xf32>
    %squeeze3A_348 = vector.extract %slice3A_347[0] : f32 from vector<1xf32>
    %min3A_349 = arith.minimumf %min3A_346, %squeeze3A_348 : f32
    %slice3A_350 = vector.extract_strided_slice %min3A_341 {offsets = [3], sizes = [1], strides = [1]} : vector<16xf32> to vector<1xf32>
    %squeeze3A_351 = vector.extract %slice3A_350[0] : f32 from vector<1xf32>
    %min3A_352 = arith.minimumf %min3A_349, %squeeze3A_351 : f32
    %slice3A_353 = vector.extract_strided_slice %min3A_341 {offsets = [4], sizes = [1], strides = [1]} : vector<16xf32> to vector<1xf32>
    %squeeze3A_354 = vector.extract %slice3A_353[0] : f32 from vector<1xf32>
    %min3A_355 = arith.minimumf %min3A_352, %squeeze3A_354 : f32
    %slice3A_356 = vector.extract_strided_slice %min3A_341 {offsets = [5], sizes = [1], strides = [1]} : vector<16xf32> to vector<1xf32>
    %squeeze3A_357 = vector.extract %slice3A_356[0] : f32 from vector<1xf32>
    %min3A_358 = arith.minimumf %min3A_355, %squeeze3A_357 : f32
    %slice3A_359 = vector.extract_strided_slice %min3A_341 {offsets = [6], sizes = [1], strides = [1]} : vector<16xf32> to vector<1xf32>
    %squeeze3A_360 = vector.extract %slice3A_359[0] : f32 from vector<1xf32>
    %min3A_361 = arith.minimumf %min3A_358, %squeeze3A_360 : f32
    %slice3A_362 = vector.extract_strided_slice %min3A_341 {offsets = [7], sizes = [1], strides = [1]} : vector<16xf32> to vector<1xf32>
    %squeeze3A_363 = vector.extract %slice3A_362[0] : f32 from vector<1xf32>
    %min3A_364 = arith.minimumf %min3A_361, %squeeze3A_363 : f32
    %add3A_365 = arith.constant 0.000000e+00 : f32
    %add3A_366 = vector.broadcast %add3A_365 : f32 to vector<16xf32>
    %add3A_367 = arith.addf %convert_element_type3A, %add3A_366 : vector<16xf32>
    %eq3A_368 = vector.broadcast %min3A_364 : f32 to vector<16xf32>
    %eq3A_369 = arith.cmpf oeq, %add3A_367, %eq3A_368 : vector<16xf32>
    %jit3A_370 = arith.constant 0xFF800000 : f32
    %broadcast_in_dim3A_371 = vector.broadcast %jit3A_370 : f32 to vector<16xf32>
    %select_n3A_372 = arith.select %eq3A_369, %broadcast_in_dim3A_371, %select_n3A_244 : vector<16xi1>, vector<16xf32>
    %add3A_373 = arith.constant 1.600000e+01 : f32
    %add3A_374 = vector.broadcast %add3A_373 : f32 to vector<16xf32>
    %add3A_375 = arith.addf %convert_element_type3A, %add3A_374 : vector<16xf32>
    %eq3A_376 = vector.broadcast %min3A_364 : f32 to vector<16xf32>
    %eq3A_377 = arith.cmpf oeq, %add3A_375, %eq3A_376 : vector<16xf32>
    %jit3A_378 = arith.constant 0xFF800000 : f32
    %broadcast_in_dim3A_379 = vector.broadcast %jit3A_378 : f32 to vector<16xf32>
    %select_n3A_380 = arith.select %eq3A_377, %broadcast_in_dim3A_379, %select_n3A_252 : vector<16xi1>, vector<16xf32>
    %add3A_381 = arith.constant 3.200000e+01 : f32
    %add3A_382 = vector.broadcast %add3A_381 : f32 to vector<16xf32>
    %add3A_383 = arith.addf %convert_element_type3A, %add3A_382 : vector<16xf32>
    %eq3A_384 = vector.broadcast %min3A_364 : f32 to vector<16xf32>
    %eq3A_385 = arith.cmpf oeq, %add3A_383, %eq3A_384 : vector<16xf32>
    %jit3A_386 = arith.constant 0xFF800000 : f32
    %broadcast_in_dim3A_387 = vector.broadcast %jit3A_386 : f32 to vector<16xf32>
    %select_n3A_388 = arith.select %eq3A_385, %broadcast_in_dim3A_387, %select_n3A_260 : vector<16xi1>, vector<16xf32>
    %add3A_389 = arith.constant 4.800000e+01 : f32
    %add3A_390 = vector.broadcast %add3A_389 : f32 to vector<16xf32>
    %add3A_391 = arith.addf %convert_element_type3A, %add3A_390 : vector<16xf32>
    %eq3A_392 = vector.broadcast %min3A_364 : f32 to vector<16xf32>
    %eq3A_393 = arith.cmpf oeq, %add3A_391, %eq3A_392 : vector<16xf32>
    %jit3A_394 = arith.constant 0xFF800000 : f32
    %broadcast_in_dim3A_395 = vector.broadcast %jit3A_394 : f32 to vector<16xf32>
    %select_n3A_396 = arith.select %eq3A_393, %broadcast_in_dim3A_395, %select_n3A_268 : vector<16xi1>, vector<16xf32>
    %max3A_397 = arith.maximumf %select_n3A_372, %select_n3A_380 : vector<16xf32>
    %max3A_398 = arith.maximumf %select_n3A_388, %select_n3A_396 : vector<16xf32>
    %max3A_399 = arith.maximumf %max3A_397, %max3A_398 : vector<16xf32>
    %rev3A_400 = arith.constant 15 : i32
    %rev3A_401 = vector.broadcast %rev3A_400 : i32 to vector<16xi32>
    %rev3A_402 = tpu.iota {dimensions = array<i32: 0>} : vector<16xi32>
    %rev3A_403 = arith.subi %rev3A_401, %rev3A_402 : vector<16xi32>
    %rev3A_404 = tpu.dynamic_gather %max3A_399[%rev3A_403] in [0] : vector<16xf32>, vector<16xi32> -> vector<16xf32>
    %max3A_405 = arith.maximumf %max3A_399, %rev3A_404 : vector<16xf32>
    %slice3A_406 = vector.extract_strided_slice %max3A_405 {offsets = [0], sizes = [1], strides = [1]} : vector<16xf32> to vector<1xf32>
    %squeeze3A_407 = vector.extract %slice3A_406[0] : f32 from vector<1xf32>
    %slice3A_408 = vector.extract_strided_slice %max3A_405 {offsets = [1], sizes = [1], strides = [1]} : vector<16xf32> to vector<1xf32>
    %squeeze3A_409 = vector.extract %slice3A_408[0] : f32 from vector<1xf32>
    %max3A_410 = arith.maximumf %squeeze3A_407, %squeeze3A_409 : f32
    %slice3A_411 = vector.extract_strided_slice %max3A_405 {offsets = [2], sizes = [1], strides = [1]} : vector<16xf32> to vector<1xf32>
    %squeeze3A_412 = vector.extract %slice3A_411[0] : f32 from vector<1xf32>
    %max3A_413 = arith.maximumf %max3A_410, %squeeze3A_412 : f32
    %slice3A_414 = vector.extract_strided_slice %max3A_405 {offsets = [3], sizes = [1], strides = [1]} : vector<16xf32> to vector<1xf32>
    %squeeze3A_415 = vector.extract %slice3A_414[0] : f32 from vector<1xf32>
    %max3A_416 = arith.maximumf %max3A_413, %squeeze3A_415 : f32
    %slice3A_417 = vector.extract_strided_slice %max3A_405 {offsets = [4], sizes = [1], strides = [1]} : vector<16xf32> to vector<1xf32>
    %squeeze3A_418 = vector.extract %slice3A_417[0] : f32 from vector<1xf32>
    %max3A_419 = arith.maximumf %max3A_416, %squeeze3A_418 : f32
    %slice3A_420 = vector.extract_strided_slice %max3A_405 {offsets = [5], sizes = [1], strides = [1]} : vector<16xf32> to vector<1xf32>
    %squeeze3A_421 = vector.extract %slice3A_420[0] : f32 from vector<1xf32>
    %max3A_422 = arith.maximumf %max3A_419, %squeeze3A_421 : f32
    %slice3A_423 = vector.extract_strided_slice %max3A_405 {offsets = [6], sizes = [1], strides = [1]} : vector<16xf32> to vector<1xf32>
    %squeeze3A_424 = vector.extract %slice3A_423[0] : f32 from vector<1xf32>
    %max3A_425 = arith.maximumf %max3A_422, %squeeze3A_424 : f32
    %slice3A_426 = vector.extract_strided_slice %max3A_405 {offsets = [7], sizes = [1], strides = [1]} : vector<16xf32> to vector<1xf32>
    %squeeze3A_427 = vector.extract %slice3A_426[0] : f32 from vector<1xf32>
    %max3A_428 = arith.maximumf %max3A_425, %squeeze3A_427 : f32
    %eq3A_429 = vector.broadcast %max3A_428 : f32 to vector<16xf32>
    %eq3A_430 = arith.cmpf oeq, %select_n3A_372, %eq3A_429 : vector<16xf32>
    %add3A_431 = arith.constant 0.000000e+00 : f32
    %add3A_432 = vector.broadcast %add3A_431 : f32 to vector<16xf32>
    %add3A_433 = arith.addf %convert_element_type3A, %add3A_432 : vector<16xf32>
    %jit3A_434 = arith.constant 6.400000e+01 : f32
    %broadcast_in_dim3A_435 = vector.broadcast %jit3A_434 : f32 to vector<16xf32>
    %select_n3A_436 = arith.select %eq3A_430, %add3A_433, %broadcast_in_dim3A_435 : vector<16xi1>, vector<16xf32>
    %eq3A_437 = vector.broadcast %max3A_428 : f32 to vector<16xf32>
    %eq3A_438 = arith.cmpf oeq, %select_n3A_380, %eq3A_437 : vector<16xf32>
    %add3A_439 = arith.constant 1.600000e+01 : f32
    %add3A_440 = vector.broadcast %add3A_439 : f32 to vector<16xf32>
    %add3A_441 = arith.addf %convert_element_type3A, %add3A_440 : vector<16xf32>
    %jit3A_442 = arith.constant 6.400000e+01 : f32
    %broadcast_in_dim3A_443 = vector.broadcast %jit3A_442 : f32 to vector<16xf32>
    %select_n3A_444 = arith.select %eq3A_438, %add3A_441, %broadcast_in_dim3A_443 : vector<16xi1>, vector<16xf32>
    %eq3A_445 = vector.broadcast %max3A_428 : f32 to vector<16xf32>
    %eq3A_446 = arith.cmpf oeq, %select_n3A_388, %eq3A_445 : vector<16xf32>
    %add3A_447 = arith.constant 3.200000e+01 : f32
    %add3A_448 = vector.broadcast %add3A_447 : f32 to vector<16xf32>
    %add3A_449 = arith.addf %convert_element_type3A, %add3A_448 : vector<16xf32>
    %jit3A_450 = arith.constant 6.400000e+01 : f32
    %broadcast_in_dim3A_451 = vector.broadcast %jit3A_450 : f32 to vector<16xf32>
    %select_n3A_452 = arith.select %eq3A_446, %add3A_449, %broadcast_in_dim3A_451 : vector<16xi1>, vector<16xf32>
    %eq3A_453 = vector.broadcast %max3A_428 : f32 to vector<16xf32>
    %eq3A_454 = arith.cmpf oeq, %select_n3A_396, %eq3A_453 : vector<16xf32>
    %add3A_455 = arith.constant 4.800000e+01 : f32
    %add3A_456 = vector.broadcast %add3A_455 : f32 to vector<16xf32>
    %add3A_457 = arith.addf %convert_element_type3A, %add3A_456 : vector<16xf32>
    %jit3A_458 = arith.constant 6.400000e+01 : f32
    %broadcast_in_dim3A_459 = vector.broadcast %jit3A_458 : f32 to vector<16xf32>
    %select_n3A_460 = arith.select %eq3A_454, %add3A_457, %broadcast_in_dim3A_459 : vector<16xi1>, vector<16xf32>
    %min3A_461 = arith.minimumf %select_n3A_436, %select_n3A_444 : vector<16xf32>
    %min3A_462 = arith.minimumf %select_n3A_452, %select_n3A_460 : vector<16xf32>
    %min3A_463 = arith.minimumf %min3A_461, %min3A_462 : vector<16xf32>
    %rev3A_464 = arith.constant 15 : i32
    %rev3A_465 = vector.broadcast %rev3A_464 : i32 to vector<16xi32>
    %rev3A_466 = tpu.iota {dimensions = array<i32: 0>} : vector<16xi32>
    %rev3A_467 = arith.subi %rev3A_465, %rev3A_466 : vector<16xi32>
    %rev3A_468 = tpu.dynamic_gather %min3A_463[%rev3A_467] in [0] : vector<16xf32>, vector<16xi32> -> vector<16xf32>
    %min3A_469 = arith.minimumf %min3A_463, %rev3A_468 : vector<16xf32>
    %slice3A_470 = vector.extract_strided_slice %min3A_469 {offsets = [0], sizes = [1], strides = [1]} : vector<16xf32> to vector<1xf32>
    %squeeze3A_471 = vector.extract %slice3A_470[0] : f32 from vector<1xf32>
    %slice3A_472 = vector.extract_strided_slice %min3A_469 {offsets = [1], sizes = [1], strides = [1]} : vector<16xf32> to vector<1xf32>
    %squeeze3A_473 = vector.extract %slice3A_472[0] : f32 from vector<1xf32>
    %min3A_474 = arith.minimumf %squeeze3A_471, %squeeze3A_473 : f32
    %slice3A_475 = vector.extract_strided_slice %min3A_469 {offsets = [2], sizes = [1], strides = [1]} : vector<16xf32> to vector<1xf32>
    %squeeze3A_476 = vector.extract %slice3A_475[0] : f32 from vector<1xf32>
    %min3A_477 = arith.minimumf %min3A_474, %squeeze3A_476 : f32
    %slice3A_478 = vector.extract_strided_slice %min3A_469 {offsets = [3], sizes = [1], strides = [1]} : vector<16xf32> to vector<1xf32>
    %squeeze3A_479 = vector.extract %slice3A_478[0] : f32 from vector<1xf32>
    %min3A_480 = arith.minimumf %min3A_477, %squeeze3A_479 : f32
    %slice3A_481 = vector.extract_strided_slice %min3A_469 {offsets = [4], sizes = [1], strides = [1]} : vector<16xf32> to vector<1xf32>
    %squeeze3A_482 = vector.extract %slice3A_481[0] : f32 from vector<1xf32>
    %min3A_483 = arith.minimumf %min3A_480, %squeeze3A_482 : f32
    %slice3A_484 = vector.extract_strided_slice %min3A_469 {offsets = [5], sizes = [1], strides = [1]} : vector<16xf32> to vector<1xf32>
    %squeeze3A_485 = vector.extract %slice3A_484[0] : f32 from vector<1xf32>
    %min3A_486 = arith.minimumf %min3A_483, %squeeze3A_485 : f32
    %slice3A_487 = vector.extract_strided_slice %min3A_469 {offsets = [6], sizes = [1], strides = [1]} : vector<16xf32> to vector<1xf32>
    %squeeze3A_488 = vector.extract %slice3A_487[0] : f32 from vector<1xf32>
    %min3A_489 = arith.minimumf %min3A_486, %squeeze3A_488 : f32
    %slice3A_490 = vector.extract_strided_slice %min3A_469 {offsets = [7], sizes = [1], strides = [1]} : vector<16xf32> to vector<1xf32>
    %squeeze3A_491 = vector.extract %slice3A_490[0] : f32 from vector<1xf32>
    %min3A_492 = arith.minimumf %min3A_489, %squeeze3A_491 : f32
    %add3A_493 = arith.constant 0.000000e+00 : f32
    %add3A_494 = vector.broadcast %add3A_493 : f32 to vector<16xf32>
    %add3A_495 = arith.addf %convert_element_type3A, %add3A_494 : vector<16xf32>
    %eq3A_496 = vector.broadcast %min3A_492 : f32 to vector<16xf32>
    %eq3A_497 = arith.cmpf oeq, %add3A_495, %eq3A_496 : vector<16xf32>
    %jit3A_498 = arith.constant 0xFF800000 : f32
    %broadcast_in_dim3A_499 = vector.broadcast %jit3A_498 : f32 to vector<16xf32>
    %select_n3A_500 = arith.select %eq3A_497, %broadcast_in_dim3A_499, %select_n3A_372 : vector<16xi1>, vector<16xf32>
    %add3A_501 = arith.constant 1.600000e+01 : f32
    %add3A_502 = vector.broadcast %add3A_501 : f32 to vector<16xf32>
    %add3A_503 = arith.addf %convert_element_type3A, %add3A_502 : vector<16xf32>
    %eq3A_504 = vector.broadcast %min3A_492 : f32 to vector<16xf32>
    %eq3A_505 = arith.cmpf oeq, %add3A_503, %eq3A_504 : vector<16xf32>
    %jit3A_506 = arith.constant 0xFF800000 : f32
    %broadcast_in_dim3A_507 = vector.broadcast %jit3A_506 : f32 to vector<16xf32>
    %select_n3A_508 = arith.select %eq3A_505, %broadcast_in_dim3A_507, %select_n3A_380 : vector<16xi1>, vector<16xf32>
    %add3A_509 = arith.constant 3.200000e+01 : f32
    %add3A_510 = vector.broadcast %add3A_509 : f32 to vector<16xf32>
    %add3A_511 = arith.addf %convert_element_type3A, %add3A_510 : vector<16xf32>
    %eq3A_512 = vector.broadcast %min3A_492 : f32 to vector<16xf32>
    %eq3A_513 = arith.cmpf oeq, %add3A_511, %eq3A_512 : vector<16xf32>
    %jit3A_514 = arith.constant 0xFF800000 : f32
    %broadcast_in_dim3A_515 = vector.broadcast %jit3A_514 : f32 to vector<16xf32>
    %select_n3A_516 = arith.select %eq3A_513, %broadcast_in_dim3A_515, %select_n3A_388 : vector<16xi1>, vector<16xf32>
    %add3A_517 = arith.constant 4.800000e+01 : f32
    %add3A_518 = vector.broadcast %add3A_517 : f32 to vector<16xf32>
    %add3A_519 = arith.addf %convert_element_type3A, %add3A_518 : vector<16xf32>
    %eq3A_520 = vector.broadcast %min3A_492 : f32 to vector<16xf32>
    %eq3A_521 = arith.cmpf oeq, %add3A_519, %eq3A_520 : vector<16xf32>
    %jit3A_522 = arith.constant 0xFF800000 : f32
    %broadcast_in_dim3A_523 = vector.broadcast %jit3A_522 : f32 to vector<16xf32>
    %select_n3A_524 = arith.select %eq3A_521, %broadcast_in_dim3A_523, %select_n3A_396 : vector<16xi1>, vector<16xf32>
    %max3A_525 = arith.maximumf %select_n3A_500, %select_n3A_508 : vector<16xf32>
    %max3A_526 = arith.maximumf %select_n3A_516, %select_n3A_524 : vector<16xf32>
    %max3A_527 = arith.maximumf %max3A_525, %max3A_526 : vector<16xf32>
    %rev3A_528 = arith.constant 15 : i32
    %rev3A_529 = vector.broadcast %rev3A_528 : i32 to vector<16xi32>
    %rev3A_530 = tpu.iota {dimensions = array<i32: 0>} : vector<16xi32>
    %rev3A_531 = arith.subi %rev3A_529, %rev3A_530 : vector<16xi32>
    %rev3A_532 = tpu.dynamic_gather %max3A_527[%rev3A_531] in [0] : vector<16xf32>, vector<16xi32> -> vector<16xf32>
    %max3A_533 = arith.maximumf %max3A_527, %rev3A_532 : vector<16xf32>
    %slice3A_534 = vector.extract_strided_slice %max3A_533 {offsets = [0], sizes = [1], strides = [1]} : vector<16xf32> to vector<1xf32>
    %squeeze3A_535 = vector.extract %slice3A_534[0] : f32 from vector<1xf32>
    %slice3A_536 = vector.extract_strided_slice %max3A_533 {offsets = [1], sizes = [1], strides = [1]} : vector<16xf32> to vector<1xf32>
    %squeeze3A_537 = vector.extract %slice3A_536[0] : f32 from vector<1xf32>
    %max3A_538 = arith.maximumf %squeeze3A_535, %squeeze3A_537 : f32
    %slice3A_539 = vector.extract_strided_slice %max3A_533 {offsets = [2], sizes = [1], strides = [1]} : vector<16xf32> to vector<1xf32>
    %squeeze3A_540 = vector.extract %slice3A_539[0] : f32 from vector<1xf32>
    %max3A_541 = arith.maximumf %max3A_538, %squeeze3A_540 : f32
    %slice3A_542 = vector.extract_strided_slice %max3A_533 {offsets = [3], sizes = [1], strides = [1]} : vector<16xf32> to vector<1xf32>
    %squeeze3A_543 = vector.extract %slice3A_542[0] : f32 from vector<1xf32>
    %max3A_544 = arith.maximumf %max3A_541, %squeeze3A_543 : f32
    %slice3A_545 = vector.extract_strided_slice %max3A_533 {offsets = [4], sizes = [1], strides = [1]} : vector<16xf32> to vector<1xf32>
    %squeeze3A_546 = vector.extract %slice3A_545[0] : f32 from vector<1xf32>
    %max3A_547 = arith.maximumf %max3A_544, %squeeze3A_546 : f32
    %slice3A_548 = vector.extract_strided_slice %max3A_533 {offsets = [5], sizes = [1], strides = [1]} : vector<16xf32> to vector<1xf32>
    %squeeze3A_549 = vector.extract %slice3A_548[0] : f32 from vector<1xf32>
    %max3A_550 = arith.maximumf %max3A_547, %squeeze3A_549 : f32
    %slice3A_551 = vector.extract_strided_slice %max3A_533 {offsets = [6], sizes = [1], strides = [1]} : vector<16xf32> to vector<1xf32>
    %squeeze3A_552 = vector.extract %slice3A_551[0] : f32 from vector<1xf32>
    %max3A_553 = arith.maximumf %max3A_550, %squeeze3A_552 : f32
    %slice3A_554 = vector.extract_strided_slice %max3A_533 {offsets = [7], sizes = [1], strides = [1]} : vector<16xf32> to vector<1xf32>
    %squeeze3A_555 = vector.extract %slice3A_554[0] : f32 from vector<1xf32>
    %max3A_556 = arith.maximumf %max3A_553, %squeeze3A_555 : f32
    %eq3A_557 = vector.broadcast %max3A_556 : f32 to vector<16xf32>
    %eq3A_558 = arith.cmpf oeq, %select_n3A_500, %eq3A_557 : vector<16xf32>
    %add3A_559 = arith.constant 0.000000e+00 : f32
    %add3A_560 = vector.broadcast %add3A_559 : f32 to vector<16xf32>
    %add3A_561 = arith.addf %convert_element_type3A, %add3A_560 : vector<16xf32>
    %jit3A_562 = arith.constant 6.400000e+01 : f32
    %broadcast_in_dim3A_563 = vector.broadcast %jit3A_562 : f32 to vector<16xf32>
    %select_n3A_564 = arith.select %eq3A_558, %add3A_561, %broadcast_in_dim3A_563 : vector<16xi1>, vector<16xf32>
    %eq3A_565 = vector.broadcast %max3A_556 : f32 to vector<16xf32>
    %eq3A_566 = arith.cmpf oeq, %select_n3A_508, %eq3A_565 : vector<16xf32>
    %add3A_567 = arith.constant 1.600000e+01 : f32
    %add3A_568 = vector.broadcast %add3A_567 : f32 to vector<16xf32>
    %add3A_569 = arith.addf %convert_element_type3A, %add3A_568 : vector<16xf32>
    %jit3A_570 = arith.constant 6.400000e+01 : f32
    %broadcast_in_dim3A_571 = vector.broadcast %jit3A_570 : f32 to vector<16xf32>
    %select_n3A_572 = arith.select %eq3A_566, %add3A_569, %broadcast_in_dim3A_571 : vector<16xi1>, vector<16xf32>
    %eq3A_573 = vector.broadcast %max3A_556 : f32 to vector<16xf32>
    %eq3A_574 = arith.cmpf oeq, %select_n3A_516, %eq3A_573 : vector<16xf32>
    %add3A_575 = arith.constant 3.200000e+01 : f32
    %add3A_576 = vector.broadcast %add3A_575 : f32 to vector<16xf32>
    %add3A_577 = arith.addf %convert_element_type3A, %add3A_576 : vector<16xf32>
    %jit3A_578 = arith.constant 6.400000e+01 : f32
    %broadcast_in_dim3A_579 = vector.broadcast %jit3A_578 : f32 to vector<16xf32>
    %select_n3A_580 = arith.select %eq3A_574, %add3A_577, %broadcast_in_dim3A_579 : vector<16xi1>, vector<16xf32>
    %eq3A_581 = vector.broadcast %max3A_556 : f32 to vector<16xf32>
    %eq3A_582 = arith.cmpf oeq, %select_n3A_524, %eq3A_581 : vector<16xf32>
    %add3A_583 = arith.constant 4.800000e+01 : f32
    %add3A_584 = vector.broadcast %add3A_583 : f32 to vector<16xf32>
    %add3A_585 = arith.addf %convert_element_type3A, %add3A_584 : vector<16xf32>
    %jit3A_586 = arith.constant 6.400000e+01 : f32
    %broadcast_in_dim3A_587 = vector.broadcast %jit3A_586 : f32 to vector<16xf32>
    %select_n3A_588 = arith.select %eq3A_582, %add3A_585, %broadcast_in_dim3A_587 : vector<16xi1>, vector<16xf32>
    %min3A_589 = arith.minimumf %select_n3A_564, %select_n3A_572 : vector<16xf32>
    %min3A_590 = arith.minimumf %select_n3A_580, %select_n3A_588 : vector<16xf32>
    %min3A_591 = arith.minimumf %min3A_589, %min3A_590 : vector<16xf32>
    %rev3A_592 = arith.constant 15 : i32
    %rev3A_593 = vector.broadcast %rev3A_592 : i32 to vector<16xi32>
    %rev3A_594 = tpu.iota {dimensions = array<i32: 0>} : vector<16xi32>
    %rev3A_595 = arith.subi %rev3A_593, %rev3A_594 : vector<16xi32>
    %rev3A_596 = tpu.dynamic_gather %min3A_591[%rev3A_595] in [0] : vector<16xf32>, vector<16xi32> -> vector<16xf32>
    %min3A_597 = arith.minimumf %min3A_591, %rev3A_596 : vector<16xf32>
    %slice3A_598 = vector.extract_strided_slice %min3A_597 {offsets = [0], sizes = [1], strides = [1]} : vector<16xf32> to vector<1xf32>
    %squeeze3A_599 = vector.extract %slice3A_598[0] : f32 from vector<1xf32>
    %slice3A_600 = vector.extract_strided_slice %min3A_597 {offsets = [1], sizes = [1], strides = [1]} : vector<16xf32> to vector<1xf32>
    %squeeze3A_601 = vector.extract %slice3A_600[0] : f32 from vector<1xf32>
    %min3A_602 = arith.minimumf %squeeze3A_599, %squeeze3A_601 : f32
    %slice3A_603 = vector.extract_strided_slice %min3A_597 {offsets = [2], sizes = [1], strides = [1]} : vector<16xf32> to vector<1xf32>
    %squeeze3A_604 = vector.extract %slice3A_603[0] : f32 from vector<1xf32>
    %min3A_605 = arith.minimumf %min3A_602, %squeeze3A_604 : f32
    %slice3A_606 = vector.extract_strided_slice %min3A_597 {offsets = [3], sizes = [1], strides = [1]} : vector<16xf32> to vector<1xf32>
    %squeeze3A_607 = vector.extract %slice3A_606[0] : f32 from vector<1xf32>
    %min3A_608 = arith.minimumf %min3A_605, %squeeze3A_607 : f32
    %slice3A_609 = vector.extract_strided_slice %min3A_597 {offsets = [4], sizes = [1], strides = [1]} : vector<16xf32> to vector<1xf32>
    %squeeze3A_610 = vector.extract %slice3A_609[0] : f32 from vector<1xf32>
    %min3A_611 = arith.minimumf %min3A_608, %squeeze3A_610 : f32
    %slice3A_612 = vector.extract_strided_slice %min3A_597 {offsets = [5], sizes = [1], strides = [1]} : vector<16xf32> to vector<1xf32>
    %squeeze3A_613 = vector.extract %slice3A_612[0] : f32 from vector<1xf32>
    %min3A_614 = arith.minimumf %min3A_611, %squeeze3A_613 : f32
    %slice3A_615 = vector.extract_strided_slice %min3A_597 {offsets = [6], sizes = [1], strides = [1]} : vector<16xf32> to vector<1xf32>
    %squeeze3A_616 = vector.extract %slice3A_615[0] : f32 from vector<1xf32>
    %min3A_617 = arith.minimumf %min3A_614, %squeeze3A_616 : f32
    %slice3A_618 = vector.extract_strided_slice %min3A_597 {offsets = [7], sizes = [1], strides = [1]} : vector<16xf32> to vector<1xf32>
    %squeeze3A_619 = vector.extract %slice3A_618[0] : f32 from vector<1xf32>
    %min3A_620 = arith.minimumf %min3A_617, %squeeze3A_619 : f32
    %add3A_621 = arith.constant 0.000000e+00 : f32
    %add3A_622 = vector.broadcast %add3A_621 : f32 to vector<16xf32>
    %add3A_623 = arith.addf %convert_element_type3A, %add3A_622 : vector<16xf32>
    %eq3A_624 = vector.broadcast %min3A_620 : f32 to vector<16xf32>
    %eq3A_625 = arith.cmpf oeq, %add3A_623, %eq3A_624 : vector<16xf32>
    %jit3A_626 = arith.constant 0xFF800000 : f32
    %broadcast_in_dim3A_627 = vector.broadcast %jit3A_626 : f32 to vector<16xf32>
    %select_n3A_628 = arith.select %eq3A_625, %broadcast_in_dim3A_627, %select_n3A_500 : vector<16xi1>, vector<16xf32>
    %add3A_629 = arith.constant 1.600000e+01 : f32
    %add3A_630 = vector.broadcast %add3A_629 : f32 to vector<16xf32>
    %add3A_631 = arith.addf %convert_element_type3A, %add3A_630 : vector<16xf32>
    %eq3A_632 = vector.broadcast %min3A_620 : f32 to vector<16xf32>
    %eq3A_633 = arith.cmpf oeq, %add3A_631, %eq3A_632 : vector<16xf32>
    %jit3A_634 = arith.constant 0xFF800000 : f32
    %broadcast_in_dim3A_635 = vector.broadcast %jit3A_634 : f32 to vector<16xf32>
    %select_n3A_636 = arith.select %eq3A_633, %broadcast_in_dim3A_635, %select_n3A_508 : vector<16xi1>, vector<16xf32>
    %add3A_637 = arith.constant 3.200000e+01 : f32
    %add3A_638 = vector.broadcast %add3A_637 : f32 to vector<16xf32>
    %add3A_639 = arith.addf %convert_element_type3A, %add3A_638 : vector<16xf32>
    %eq3A_640 = vector.broadcast %min3A_620 : f32 to vector<16xf32>
    %eq3A_641 = arith.cmpf oeq, %add3A_639, %eq3A_640 : vector<16xf32>
    %jit3A_642 = arith.constant 0xFF800000 : f32
    %broadcast_in_dim3A_643 = vector.broadcast %jit3A_642 : f32 to vector<16xf32>
    %select_n3A_644 = arith.select %eq3A_641, %broadcast_in_dim3A_643, %select_n3A_516 : vector<16xi1>, vector<16xf32>
    %add3A_645 = arith.constant 4.800000e+01 : f32
    %add3A_646 = vector.broadcast %add3A_645 : f32 to vector<16xf32>
    %add3A_647 = arith.addf %convert_element_type3A, %add3A_646 : vector<16xf32>
    %eq3A_648 = vector.broadcast %min3A_620 : f32 to vector<16xf32>
    %eq3A_649 = arith.cmpf oeq, %add3A_647, %eq3A_648 : vector<16xf32>
    %jit3A_650 = arith.constant 0xFF800000 : f32
    %broadcast_in_dim3A_651 = vector.broadcast %jit3A_650 : f32 to vector<16xf32>
    %select_n3A_652 = arith.select %eq3A_649, %broadcast_in_dim3A_651, %select_n3A_524 : vector<16xi1>, vector<16xf32>
    %max3A_653 = arith.maximumf %select_n3A_628, %select_n3A_636 : vector<16xf32>
    %max3A_654 = arith.maximumf %select_n3A_644, %select_n3A_652 : vector<16xf32>
    %max3A_655 = arith.maximumf %max3A_653, %max3A_654 : vector<16xf32>
    %rev3A_656 = arith.constant 15 : i32
    %rev3A_657 = vector.broadcast %rev3A_656 : i32 to vector<16xi32>
    %rev3A_658 = tpu.iota {dimensions = array<i32: 0>} : vector<16xi32>
    %rev3A_659 = arith.subi %rev3A_657, %rev3A_658 : vector<16xi32>
    %rev3A_660 = tpu.dynamic_gather %max3A_655[%rev3A_659] in [0] : vector<16xf32>, vector<16xi32> -> vector<16xf32>
    %max3A_661 = arith.maximumf %max3A_655, %rev3A_660 : vector<16xf32>
    %slice3A_662 = vector.extract_strided_slice %max3A_661 {offsets = [0], sizes = [1], strides = [1]} : vector<16xf32> to vector<1xf32>
    %squeeze3A_663 = vector.extract %slice3A_662[0] : f32 from vector<1xf32>
    %slice3A_664 = vector.extract_strided_slice %max3A_661 {offsets = [1], sizes = [1], strides = [1]} : vector<16xf32> to vector<1xf32>
    %squeeze3A_665 = vector.extract %slice3A_664[0] : f32 from vector<1xf32>
    %max3A_666 = arith.maximumf %squeeze3A_663, %squeeze3A_665 : f32
    %slice3A_667 = vector.extract_strided_slice %max3A_661 {offsets = [2], sizes = [1], strides = [1]} : vector<16xf32> to vector<1xf32>
    %squeeze3A_668 = vector.extract %slice3A_667[0] : f32 from vector<1xf32>
    %max3A_669 = arith.maximumf %max3A_666, %squeeze3A_668 : f32
    %slice3A_670 = vector.extract_strided_slice %max3A_661 {offsets = [3], sizes = [1], strides = [1]} : vector<16xf32> to vector<1xf32>
    %squeeze3A_671 = vector.extract %slice3A_670[0] : f32 from vector<1xf32>
    %max3A_672 = arith.maximumf %max3A_669, %squeeze3A_671 : f32
    %slice3A_673 = vector.extract_strided_slice %max3A_661 {offsets = [4], sizes = [1], strides = [1]} : vector<16xf32> to vector<1xf32>
    %squeeze3A_674 = vector.extract %slice3A_673[0] : f32 from vector<1xf32>
    %max3A_675 = arith.maximumf %max3A_672, %squeeze3A_674 : f32
    %slice3A_676 = vector.extract_strided_slice %max3A_661 {offsets = [5], sizes = [1], strides = [1]} : vector<16xf32> to vector<1xf32>
    %squeeze3A_677 = vector.extract %slice3A_676[0] : f32 from vector<1xf32>
    %max3A_678 = arith.maximumf %max3A_675, %squeeze3A_677 : f32
    %slice3A_679 = vector.extract_strided_slice %max3A_661 {offsets = [6], sizes = [1], strides = [1]} : vector<16xf32> to vector<1xf32>
    %squeeze3A_680 = vector.extract %slice3A_679[0] : f32 from vector<1xf32>
    %max3A_681 = arith.maximumf %max3A_678, %squeeze3A_680 : f32
    %slice3A_682 = vector.extract_strided_slice %max3A_661 {offsets = [7], sizes = [1], strides = [1]} : vector<16xf32> to vector<1xf32>
    %squeeze3A_683 = vector.extract %slice3A_682[0] : f32 from vector<1xf32>
    %max3A_684 = arith.maximumf %max3A_681, %squeeze3A_683 : f32
    %eq3A_685 = vector.broadcast %max3A_684 : f32 to vector<16xf32>
    %eq3A_686 = arith.cmpf oeq, %select_n3A_628, %eq3A_685 : vector<16xf32>
    %add3A_687 = arith.constant 0.000000e+00 : f32
    %add3A_688 = vector.broadcast %add3A_687 : f32 to vector<16xf32>
    %add3A_689 = arith.addf %convert_element_type3A, %add3A_688 : vector<16xf32>
    %jit3A_690 = arith.constant 6.400000e+01 : f32
    %broadcast_in_dim3A_691 = vector.broadcast %jit3A_690 : f32 to vector<16xf32>
    %select_n3A_692 = arith.select %eq3A_686, %add3A_689, %broadcast_in_dim3A_691 : vector<16xi1>, vector<16xf32>
    %eq3A_693 = vector.broadcast %max3A_684 : f32 to vector<16xf32>
    %eq3A_694 = arith.cmpf oeq, %select_n3A_636, %eq3A_693 : vector<16xf32>
    %add3A_695 = arith.constant 1.600000e+01 : f32
    %add3A_696 = vector.broadcast %add3A_695 : f32 to vector<16xf32>
    %add3A_697 = arith.addf %convert_element_type3A, %add3A_696 : vector<16xf32>
    %jit3A_698 = arith.constant 6.400000e+01 : f32
    %broadcast_in_dim3A_699 = vector.broadcast %jit3A_698 : f32 to vector<16xf32>
    %select_n3A_700 = arith.select %eq3A_694, %add3A_697, %broadcast_in_dim3A_699 : vector<16xi1>, vector<16xf32>
    %eq3A_701 = vector.broadcast %max3A_684 : f32 to vector<16xf32>
    %eq3A_702 = arith.cmpf oeq, %select_n3A_644, %eq3A_701 : vector<16xf32>
    %add3A_703 = arith.constant 3.200000e+01 : f32
    %add3A_704 = vector.broadcast %add3A_703 : f32 to vector<16xf32>
    %add3A_705 = arith.addf %convert_element_type3A, %add3A_704 : vector<16xf32>
    %jit3A_706 = arith.constant 6.400000e+01 : f32
    %broadcast_in_dim3A_707 = vector.broadcast %jit3A_706 : f32 to vector<16xf32>
    %select_n3A_708 = arith.select %eq3A_702, %add3A_705, %broadcast_in_dim3A_707 : vector<16xi1>, vector<16xf32>
    %eq3A_709 = vector.broadcast %max3A_684 : f32 to vector<16xf32>
    %eq3A_710 = arith.cmpf oeq, %select_n3A_652, %eq3A_709 : vector<16xf32>
    %add3A_711 = arith.constant 4.800000e+01 : f32
    %add3A_712 = vector.broadcast %add3A_711 : f32 to vector<16xf32>
    %add3A_713 = arith.addf %convert_element_type3A, %add3A_712 : vector<16xf32>
    %jit3A_714 = arith.constant 6.400000e+01 : f32
    %broadcast_in_dim3A_715 = vector.broadcast %jit3A_714 : f32 to vector<16xf32>
    %select_n3A_716 = arith.select %eq3A_710, %add3A_713, %broadcast_in_dim3A_715 : vector<16xi1>, vector<16xf32>
    %min3A_717 = arith.minimumf %select_n3A_692, %select_n3A_700 : vector<16xf32>
    %min3A_718 = arith.minimumf %select_n3A_708, %select_n3A_716 : vector<16xf32>
    %min3A_719 = arith.minimumf %min3A_717, %min3A_718 : vector<16xf32>
    %rev3A_720 = arith.constant 15 : i32
    %rev3A_721 = vector.broadcast %rev3A_720 : i32 to vector<16xi32>
    %rev3A_722 = tpu.iota {dimensions = array<i32: 0>} : vector<16xi32>
    %rev3A_723 = arith.subi %rev3A_721, %rev3A_722 : vector<16xi32>
    %rev3A_724 = tpu.dynamic_gather %min3A_719[%rev3A_723] in [0] : vector<16xf32>, vector<16xi32> -> vector<16xf32>
    %min3A_725 = arith.minimumf %min3A_719, %rev3A_724 : vector<16xf32>
    %slice3A_726 = vector.extract_strided_slice %min3A_725 {offsets = [0], sizes = [1], strides = [1]} : vector<16xf32> to vector<1xf32>
    %squeeze3A_727 = vector.extract %slice3A_726[0] : f32 from vector<1xf32>
    %slice3A_728 = vector.extract_strided_slice %min3A_725 {offsets = [1], sizes = [1], strides = [1]} : vector<16xf32> to vector<1xf32>
    %squeeze3A_729 = vector.extract %slice3A_728[0] : f32 from vector<1xf32>
    %min3A_730 = arith.minimumf %squeeze3A_727, %squeeze3A_729 : f32
    %slice3A_731 = vector.extract_strided_slice %min3A_725 {offsets = [2], sizes = [1], strides = [1]} : vector<16xf32> to vector<1xf32>
    %squeeze3A_732 = vector.extract %slice3A_731[0] : f32 from vector<1xf32>
    %min3A_733 = arith.minimumf %min3A_730, %squeeze3A_732 : f32
    %slice3A_734 = vector.extract_strided_slice %min3A_725 {offsets = [3], sizes = [1], strides = [1]} : vector<16xf32> to vector<1xf32>
    %squeeze3A_735 = vector.extract %slice3A_734[0] : f32 from vector<1xf32>
    %min3A_736 = arith.minimumf %min3A_733, %squeeze3A_735 : f32
    %slice3A_737 = vector.extract_strided_slice %min3A_725 {offsets = [4], sizes = [1], strides = [1]} : vector<16xf32> to vector<1xf32>
    %squeeze3A_738 = vector.extract %slice3A_737[0] : f32 from vector<1xf32>
    %min3A_739 = arith.minimumf %min3A_736, %squeeze3A_738 : f32
    %slice3A_740 = vector.extract_strided_slice %min3A_725 {offsets = [5], sizes = [1], strides = [1]} : vector<16xf32> to vector<1xf32>
    %squeeze3A_741 = vector.extract %slice3A_740[0] : f32 from vector<1xf32>
    %min3A_742 = arith.minimumf %min3A_739, %squeeze3A_741 : f32
    %slice3A_743 = vector.extract_strided_slice %min3A_725 {offsets = [6], sizes = [1], strides = [1]} : vector<16xf32> to vector<1xf32>
    %squeeze3A_744 = vector.extract %slice3A_743[0] : f32 from vector<1xf32>
    %min3A_745 = arith.minimumf %min3A_742, %squeeze3A_744 : f32
    %slice3A_746 = vector.extract_strided_slice %min3A_725 {offsets = [7], sizes = [1], strides = [1]} : vector<16xf32> to vector<1xf32>
    %squeeze3A_747 = vector.extract %slice3A_746[0] : f32 from vector<1xf32>
    %min3A_748 = arith.minimumf %min3A_745, %squeeze3A_747 : f32
    %add3A_749 = arith.constant 0.000000e+00 : f32
    %add3A_750 = vector.broadcast %add3A_749 : f32 to vector<16xf32>
    %add3A_751 = arith.addf %convert_element_type3A, %add3A_750 : vector<16xf32>
    %eq3A_752 = vector.broadcast %min3A_748 : f32 to vector<16xf32>
    %eq3A_753 = arith.cmpf oeq, %add3A_751, %eq3A_752 : vector<16xf32>
    %jit3A_754 = arith.constant 0xFF800000 : f32
    %broadcast_in_dim3A_755 = vector.broadcast %jit3A_754 : f32 to vector<16xf32>
    %select_n3A_756 = arith.select %eq3A_753, %broadcast_in_dim3A_755, %select_n3A_628 : vector<16xi1>, vector<16xf32>
    %add3A_757 = arith.constant 1.600000e+01 : f32
    %add3A_758 = vector.broadcast %add3A_757 : f32 to vector<16xf32>
    %add3A_759 = arith.addf %convert_element_type3A, %add3A_758 : vector<16xf32>
    %eq3A_760 = vector.broadcast %min3A_748 : f32 to vector<16xf32>
    %eq3A_761 = arith.cmpf oeq, %add3A_759, %eq3A_760 : vector<16xf32>
    %jit3A_762 = arith.constant 0xFF800000 : f32
    %broadcast_in_dim3A_763 = vector.broadcast %jit3A_762 : f32 to vector<16xf32>
    %select_n3A_764 = arith.select %eq3A_761, %broadcast_in_dim3A_763, %select_n3A_636 : vector<16xi1>, vector<16xf32>
    %add3A_765 = arith.constant 3.200000e+01 : f32
    %add3A_766 = vector.broadcast %add3A_765 : f32 to vector<16xf32>
    %add3A_767 = arith.addf %convert_element_type3A, %add3A_766 : vector<16xf32>
    %eq3A_768 = vector.broadcast %min3A_748 : f32 to vector<16xf32>
    %eq3A_769 = arith.cmpf oeq, %add3A_767, %eq3A_768 : vector<16xf32>
    %jit3A_770 = arith.constant 0xFF800000 : f32
    %broadcast_in_dim3A_771 = vector.broadcast %jit3A_770 : f32 to vector<16xf32>
    %select_n3A_772 = arith.select %eq3A_769, %broadcast_in_dim3A_771, %select_n3A_644 : vector<16xi1>, vector<16xf32>
    %add3A_773 = arith.constant 4.800000e+01 : f32
    %add3A_774 = vector.broadcast %add3A_773 : f32 to vector<16xf32>
    %add3A_775 = arith.addf %convert_element_type3A, %add3A_774 : vector<16xf32>
    %eq3A_776 = vector.broadcast %min3A_748 : f32 to vector<16xf32>
    %eq3A_777 = arith.cmpf oeq, %add3A_775, %eq3A_776 : vector<16xf32>
    %jit3A_778 = arith.constant 0xFF800000 : f32
    %broadcast_in_dim3A_779 = vector.broadcast %jit3A_778 : f32 to vector<16xf32>
    %select_n3A_780 = arith.select %eq3A_777, %broadcast_in_dim3A_779, %select_n3A_652 : vector<16xi1>, vector<16xf32>
    %max3A_781 = arith.maximumf %select_n3A_756, %select_n3A_764 : vector<16xf32>
    %max3A_782 = arith.maximumf %select_n3A_772, %select_n3A_780 : vector<16xf32>
    %max3A_783 = arith.maximumf %max3A_781, %max3A_782 : vector<16xf32>
    %rev3A_784 = arith.constant 15 : i32
    %rev3A_785 = vector.broadcast %rev3A_784 : i32 to vector<16xi32>
    %rev3A_786 = tpu.iota {dimensions = array<i32: 0>} : vector<16xi32>
    %rev3A_787 = arith.subi %rev3A_785, %rev3A_786 : vector<16xi32>
    %rev3A_788 = tpu.dynamic_gather %max3A_783[%rev3A_787] in [0] : vector<16xf32>, vector<16xi32> -> vector<16xf32>
    %max3A_789 = arith.maximumf %max3A_783, %rev3A_788 : vector<16xf32>
    %slice3A_790 = vector.extract_strided_slice %max3A_789 {offsets = [0], sizes = [1], strides = [1]} : vector<16xf32> to vector<1xf32>
    %squeeze3A_791 = vector.extract %slice3A_790[0] : f32 from vector<1xf32>
    %slice3A_792 = vector.extract_strided_slice %max3A_789 {offsets = [1], sizes = [1], strides = [1]} : vector<16xf32> to vector<1xf32>
    %squeeze3A_793 = vector.extract %slice3A_792[0] : f32 from vector<1xf32>
    %max3A_794 = arith.maximumf %squeeze3A_791, %squeeze3A_793 : f32
    %slice3A_795 = vector.extract_strided_slice %max3A_789 {offsets = [2], sizes = [1], strides = [1]} : vector<16xf32> to vector<1xf32>
    %squeeze3A_796 = vector.extract %slice3A_795[0] : f32 from vector<1xf32>
    %max3A_797 = arith.maximumf %max3A_794, %squeeze3A_796 : f32
    %slice3A_798 = vector.extract_strided_slice %max3A_789 {offsets = [3], sizes = [1], strides = [1]} : vector<16xf32> to vector<1xf32>
    %squeeze3A_799 = vector.extract %slice3A_798[0] : f32 from vector<1xf32>
    %max3A_800 = arith.maximumf %max3A_797, %squeeze3A_799 : f32
    %slice3A_801 = vector.extract_strided_slice %max3A_789 {offsets = [4], sizes = [1], strides = [1]} : vector<16xf32> to vector<1xf32>
    %squeeze3A_802 = vector.extract %slice3A_801[0] : f32 from vector<1xf32>
    %max3A_803 = arith.maximumf %max3A_800, %squeeze3A_802 : f32
    %slice3A_804 = vector.extract_strided_slice %max3A_789 {offsets = [5], sizes = [1], strides = [1]} : vector<16xf32> to vector<1xf32>
    %squeeze3A_805 = vector.extract %slice3A_804[0] : f32 from vector<1xf32>
    %max3A_806 = arith.maximumf %max3A_803, %squeeze3A_805 : f32
    %slice3A_807 = vector.extract_strided_slice %max3A_789 {offsets = [6], sizes = [1], strides = [1]} : vector<16xf32> to vector<1xf32>
    %squeeze3A_808 = vector.extract %slice3A_807[0] : f32 from vector<1xf32>
    %max3A_809 = arith.maximumf %max3A_806, %squeeze3A_808 : f32
    %slice3A_810 = vector.extract_strided_slice %max3A_789 {offsets = [7], sizes = [1], strides = [1]} : vector<16xf32> to vector<1xf32>
    %squeeze3A_811 = vector.extract %slice3A_810[0] : f32 from vector<1xf32>
    %max3A_812 = arith.maximumf %max3A_809, %squeeze3A_811 : f32
    %eq3A_813 = vector.broadcast %max3A_812 : f32 to vector<16xf32>
    %eq3A_814 = arith.cmpf oeq, %select_n3A_756, %eq3A_813 : vector<16xf32>
    %add3A_815 = arith.constant 0.000000e+00 : f32
    %add3A_816 = vector.broadcast %add3A_815 : f32 to vector<16xf32>
    %add3A_817 = arith.addf %convert_element_type3A, %add3A_816 : vector<16xf32>
    %jit3A_818 = arith.constant 6.400000e+01 : f32
    %broadcast_in_dim3A_819 = vector.broadcast %jit3A_818 : f32 to vector<16xf32>
    %select_n3A_820 = arith.select %eq3A_814, %add3A_817, %broadcast_in_dim3A_819 : vector<16xi1>, vector<16xf32>
    %eq3A_821 = vector.broadcast %max3A_812 : f32 to vector<16xf32>
    %eq3A_822 = arith.cmpf oeq, %select_n3A_764, %eq3A_821 : vector<16xf32>
    %add3A_823 = arith.constant 1.600000e+01 : f32
    %add3A_824 = vector.broadcast %add3A_823 : f32 to vector<16xf32>
    %add3A_825 = arith.addf %convert_element_type3A, %add3A_824 : vector<16xf32>
    %jit3A_826 = arith.constant 6.400000e+01 : f32
    %broadcast_in_dim3A_827 = vector.broadcast %jit3A_826 : f32 to vector<16xf32>
    %select_n3A_828 = arith.select %eq3A_822, %add3A_825, %broadcast_in_dim3A_827 : vector<16xi1>, vector<16xf32>
    %eq3A_829 = vector.broadcast %max3A_812 : f32 to vector<16xf32>
    %eq3A_830 = arith.cmpf oeq, %select_n3A_772, %eq3A_829 : vector<16xf32>
    %add3A_831 = arith.constant 3.200000e+01 : f32
    %add3A_832 = vector.broadcast %add3A_831 : f32 to vector<16xf32>
    %add3A_833 = arith.addf %convert_element_type3A, %add3A_832 : vector<16xf32>
    %jit3A_834 = arith.constant 6.400000e+01 : f32
    %broadcast_in_dim3A_835 = vector.broadcast %jit3A_834 : f32 to vector<16xf32>
    %select_n3A_836 = arith.select %eq3A_830, %add3A_833, %broadcast_in_dim3A_835 : vector<16xi1>, vector<16xf32>
    %eq3A_837 = vector.broadcast %max3A_812 : f32 to vector<16xf32>
    %eq3A_838 = arith.cmpf oeq, %select_n3A_780, %eq3A_837 : vector<16xf32>
    %add3A_839 = arith.constant 4.800000e+01 : f32
    %add3A_840 = vector.broadcast %add3A_839 : f32 to vector<16xf32>
    %add3A_841 = arith.addf %convert_element_type3A, %add3A_840 : vector<16xf32>
    %jit3A_842 = arith.constant 6.400000e+01 : f32
    %broadcast_in_dim3A_843 = vector.broadcast %jit3A_842 : f32 to vector<16xf32>
    %select_n3A_844 = arith.select %eq3A_838, %add3A_841, %broadcast_in_dim3A_843 : vector<16xi1>, vector<16xf32>
    %min3A_845 = arith.minimumf %select_n3A_820, %select_n3A_828 : vector<16xf32>
    %min3A_846 = arith.minimumf %select_n3A_836, %select_n3A_844 : vector<16xf32>
    %min3A_847 = arith.minimumf %min3A_845, %min3A_846 : vector<16xf32>
    %rev3A_848 = arith.constant 15 : i32
    %rev3A_849 = vector.broadcast %rev3A_848 : i32 to vector<16xi32>
    %rev3A_850 = tpu.iota {dimensions = array<i32: 0>} : vector<16xi32>
    %rev3A_851 = arith.subi %rev3A_849, %rev3A_850 : vector<16xi32>
    %rev3A_852 = tpu.dynamic_gather %min3A_847[%rev3A_851] in [0] : vector<16xf32>, vector<16xi32> -> vector<16xf32>
    %min3A_853 = arith.minimumf %min3A_847, %rev3A_852 : vector<16xf32>
    %slice3A_854 = vector.extract_strided_slice %min3A_853 {offsets = [0], sizes = [1], strides = [1]} : vector<16xf32> to vector<1xf32>
    %squeeze3A_855 = vector.extract %slice3A_854[0] : f32 from vector<1xf32>
    %slice3A_856 = vector.extract_strided_slice %min3A_853 {offsets = [1], sizes = [1], strides = [1]} : vector<16xf32> to vector<1xf32>
    %squeeze3A_857 = vector.extract %slice3A_856[0] : f32 from vector<1xf32>
    %min3A_858 = arith.minimumf %squeeze3A_855, %squeeze3A_857 : f32
    %slice3A_859 = vector.extract_strided_slice %min3A_853 {offsets = [2], sizes = [1], strides = [1]} : vector<16xf32> to vector<1xf32>
    %squeeze3A_860 = vector.extract %slice3A_859[0] : f32 from vector<1xf32>
    %min3A_861 = arith.minimumf %min3A_858, %squeeze3A_860 : f32
    %slice3A_862 = vector.extract_strided_slice %min3A_853 {offsets = [3], sizes = [1], strides = [1]} : vector<16xf32> to vector<1xf32>
    %squeeze3A_863 = vector.extract %slice3A_862[0] : f32 from vector<1xf32>
    %min3A_864 = arith.minimumf %min3A_861, %squeeze3A_863 : f32
    %slice3A_865 = vector.extract_strided_slice %min3A_853 {offsets = [4], sizes = [1], strides = [1]} : vector<16xf32> to vector<1xf32>
    %squeeze3A_866 = vector.extract %slice3A_865[0] : f32 from vector<1xf32>
    %min3A_867 = arith.minimumf %min3A_864, %squeeze3A_866 : f32
    %slice3A_868 = vector.extract_strided_slice %min3A_853 {offsets = [5], sizes = [1], strides = [1]} : vector<16xf32> to vector<1xf32>
    %squeeze3A_869 = vector.extract %slice3A_868[0] : f32 from vector<1xf32>
    %min3A_870 = arith.minimumf %min3A_867, %squeeze3A_869 : f32
    %slice3A_871 = vector.extract_strided_slice %min3A_853 {offsets = [6], sizes = [1], strides = [1]} : vector<16xf32> to vector<1xf32>
    %squeeze3A_872 = vector.extract %slice3A_871[0] : f32 from vector<1xf32>
    %min3A_873 = arith.minimumf %min3A_870, %squeeze3A_872 : f32
    %slice3A_874 = vector.extract_strided_slice %min3A_853 {offsets = [7], sizes = [1], strides = [1]} : vector<16xf32> to vector<1xf32>
    %squeeze3A_875 = vector.extract %slice3A_874[0] : f32 from vector<1xf32>
    %min3A_876 = arith.minimumf %min3A_873, %squeeze3A_875 : f32
    %add3A_877 = arith.constant 0.000000e+00 : f32
    %add3A_878 = vector.broadcast %add3A_877 : f32 to vector<16xf32>
    %add3A_879 = arith.addf %convert_element_type3A, %add3A_878 : vector<16xf32>
    %eq3A_880 = vector.broadcast %min3A_876 : f32 to vector<16xf32>
    %eq3A_881 = arith.cmpf oeq, %add3A_879, %eq3A_880 : vector<16xf32>
    %jit3A_882 = arith.constant 0xFF800000 : f32
    %broadcast_in_dim3A_883 = vector.broadcast %jit3A_882 : f32 to vector<16xf32>
    %select_n3A_884 = arith.select %eq3A_881, %broadcast_in_dim3A_883, %select_n3A_756 : vector<16xi1>, vector<16xf32>
    %add3A_885 = arith.constant 1.600000e+01 : f32
    %add3A_886 = vector.broadcast %add3A_885 : f32 to vector<16xf32>
    %add3A_887 = arith.addf %convert_element_type3A, %add3A_886 : vector<16xf32>
    %eq3A_888 = vector.broadcast %min3A_876 : f32 to vector<16xf32>
    %eq3A_889 = arith.cmpf oeq, %add3A_887, %eq3A_888 : vector<16xf32>
    %jit3A_890 = arith.constant 0xFF800000 : f32
    %broadcast_in_dim3A_891 = vector.broadcast %jit3A_890 : f32 to vector<16xf32>
    %select_n3A_892 = arith.select %eq3A_889, %broadcast_in_dim3A_891, %select_n3A_764 : vector<16xi1>, vector<16xf32>
    %add3A_893 = arith.constant 3.200000e+01 : f32
    %add3A_894 = vector.broadcast %add3A_893 : f32 to vector<16xf32>
    %add3A_895 = arith.addf %convert_element_type3A, %add3A_894 : vector<16xf32>
    %eq3A_896 = vector.broadcast %min3A_876 : f32 to vector<16xf32>
    %eq3A_897 = arith.cmpf oeq, %add3A_895, %eq3A_896 : vector<16xf32>
    %jit3A_898 = arith.constant 0xFF800000 : f32
    %broadcast_in_dim3A_899 = vector.broadcast %jit3A_898 : f32 to vector<16xf32>
    %select_n3A_900 = arith.select %eq3A_897, %broadcast_in_dim3A_899, %select_n3A_772 : vector<16xi1>, vector<16xf32>
    %add3A_901 = arith.constant 4.800000e+01 : f32
    %add3A_902 = vector.broadcast %add3A_901 : f32 to vector<16xf32>
    %add3A_903 = arith.addf %convert_element_type3A, %add3A_902 : vector<16xf32>
    %eq3A_904 = vector.broadcast %min3A_876 : f32 to vector<16xf32>
    %eq3A_905 = arith.cmpf oeq, %add3A_903, %eq3A_904 : vector<16xf32>
    %jit3A_906 = arith.constant 0xFF800000 : f32
    %broadcast_in_dim3A_907 = vector.broadcast %jit3A_906 : f32 to vector<16xf32>
    %select_n3A_908 = arith.select %eq3A_905, %broadcast_in_dim3A_907, %select_n3A_780 : vector<16xi1>, vector<16xf32>
    %max3A_909 = arith.maximumf %select_n3A_884, %select_n3A_892 : vector<16xf32>
    %max3A_910 = arith.maximumf %select_n3A_900, %select_n3A_908 : vector<16xf32>
    %max3A_911 = arith.maximumf %max3A_909, %max3A_910 : vector<16xf32>
    %rev3A_912 = arith.constant 15 : i32
    %rev3A_913 = vector.broadcast %rev3A_912 : i32 to vector<16xi32>
    %rev3A_914 = tpu.iota {dimensions = array<i32: 0>} : vector<16xi32>
    %rev3A_915 = arith.subi %rev3A_913, %rev3A_914 : vector<16xi32>
    %rev3A_916 = tpu.dynamic_gather %max3A_911[%rev3A_915] in [0] : vector<16xf32>, vector<16xi32> -> vector<16xf32>
    %max3A_917 = arith.maximumf %max3A_911, %rev3A_916 : vector<16xf32>
    %slice3A_918 = vector.extract_strided_slice %max3A_917 {offsets = [0], sizes = [1], strides = [1]} : vector<16xf32> to vector<1xf32>
    %squeeze3A_919 = vector.extract %slice3A_918[0] : f32 from vector<1xf32>
    %slice3A_920 = vector.extract_strided_slice %max3A_917 {offsets = [1], sizes = [1], strides = [1]} : vector<16xf32> to vector<1xf32>
    %squeeze3A_921 = vector.extract %slice3A_920[0] : f32 from vector<1xf32>
    %max3A_922 = arith.maximumf %squeeze3A_919, %squeeze3A_921 : f32
    %slice3A_923 = vector.extract_strided_slice %max3A_917 {offsets = [2], sizes = [1], strides = [1]} : vector<16xf32> to vector<1xf32>
    %squeeze3A_924 = vector.extract %slice3A_923[0] : f32 from vector<1xf32>
    %max3A_925 = arith.maximumf %max3A_922, %squeeze3A_924 : f32
    %slice3A_926 = vector.extract_strided_slice %max3A_917 {offsets = [3], sizes = [1], strides = [1]} : vector<16xf32> to vector<1xf32>
    %squeeze3A_927 = vector.extract %slice3A_926[0] : f32 from vector<1xf32>
    %max3A_928 = arith.maximumf %max3A_925, %squeeze3A_927 : f32
    %slice3A_929 = vector.extract_strided_slice %max3A_917 {offsets = [4], sizes = [1], strides = [1]} : vector<16xf32> to vector<1xf32>
    %squeeze3A_930 = vector.extract %slice3A_929[0] : f32 from vector<1xf32>
    %max3A_931 = arith.maximumf %max3A_928, %squeeze3A_930 : f32
    %slice3A_932 = vector.extract_strided_slice %max3A_917 {offsets = [5], sizes = [1], strides = [1]} : vector<16xf32> to vector<1xf32>
    %squeeze3A_933 = vector.extract %slice3A_932[0] : f32 from vector<1xf32>
    %max3A_934 = arith.maximumf %max3A_931, %squeeze3A_933 : f32
    %slice3A_935 = vector.extract_strided_slice %max3A_917 {offsets = [6], sizes = [1], strides = [1]} : vector<16xf32> to vector<1xf32>
    %squeeze3A_936 = vector.extract %slice3A_935[0] : f32 from vector<1xf32>
    %max3A_937 = arith.maximumf %max3A_934, %squeeze3A_936 : f32
    %slice3A_938 = vector.extract_strided_slice %max3A_917 {offsets = [7], sizes = [1], strides = [1]} : vector<16xf32> to vector<1xf32>
    %squeeze3A_939 = vector.extract %slice3A_938[0] : f32 from vector<1xf32>
    %max3A_940 = arith.maximumf %max3A_937, %squeeze3A_939 : f32
    %eq3A_941 = vector.broadcast %max3A_940 : f32 to vector<16xf32>
    %eq3A_942 = arith.cmpf oeq, %select_n3A_884, %eq3A_941 : vector<16xf32>
    %add3A_943 = arith.constant 0.000000e+00 : f32
    %add3A_944 = vector.broadcast %add3A_943 : f32 to vector<16xf32>
    %add3A_945 = arith.addf %convert_element_type3A, %add3A_944 : vector<16xf32>
    %jit3A_946 = arith.constant 6.400000e+01 : f32
    %broadcast_in_dim3A_947 = vector.broadcast %jit3A_946 : f32 to vector<16xf32>
    %select_n3A_948 = arith.select %eq3A_942, %add3A_945, %broadcast_in_dim3A_947 : vector<16xi1>, vector<16xf32>
    %eq3A_949 = vector.broadcast %max3A_940 : f32 to vector<16xf32>
    %eq3A_950 = arith.cmpf oeq, %select_n3A_892, %eq3A_949 : vector<16xf32>
    %add3A_951 = arith.constant 1.600000e+01 : f32
    %add3A_952 = vector.broadcast %add3A_951 : f32 to vector<16xf32>
    %add3A_953 = arith.addf %convert_element_type3A, %add3A_952 : vector<16xf32>
    %jit3A_954 = arith.constant 6.400000e+01 : f32
    %broadcast_in_dim3A_955 = vector.broadcast %jit3A_954 : f32 to vector<16xf32>
    %select_n3A_956 = arith.select %eq3A_950, %add3A_953, %broadcast_in_dim3A_955 : vector<16xi1>, vector<16xf32>
    %eq3A_957 = vector.broadcast %max3A_940 : f32 to vector<16xf32>
    %eq3A_958 = arith.cmpf oeq, %select_n3A_900, %eq3A_957 : vector<16xf32>
    %add3A_959 = arith.constant 3.200000e+01 : f32
    %add3A_960 = vector.broadcast %add3A_959 : f32 to vector<16xf32>
    %add3A_961 = arith.addf %convert_element_type3A, %add3A_960 : vector<16xf32>
    %jit3A_962 = arith.constant 6.400000e+01 : f32
    %broadcast_in_dim3A_963 = vector.broadcast %jit3A_962 : f32 to vector<16xf32>
    %select_n3A_964 = arith.select %eq3A_958, %add3A_961, %broadcast_in_dim3A_963 : vector<16xi1>, vector<16xf32>
    %eq3A_965 = vector.broadcast %max3A_940 : f32 to vector<16xf32>
    %eq3A_966 = arith.cmpf oeq, %select_n3A_908, %eq3A_965 : vector<16xf32>
    %add3A_967 = arith.constant 4.800000e+01 : f32
    %add3A_968 = vector.broadcast %add3A_967 : f32 to vector<16xf32>
    %add3A_969 = arith.addf %convert_element_type3A, %add3A_968 : vector<16xf32>
    %jit3A_970 = arith.constant 6.400000e+01 : f32
    %broadcast_in_dim3A_971 = vector.broadcast %jit3A_970 : f32 to vector<16xf32>
    %select_n3A_972 = arith.select %eq3A_966, %add3A_969, %broadcast_in_dim3A_971 : vector<16xi1>, vector<16xf32>
    %min3A_973 = arith.minimumf %select_n3A_948, %select_n3A_956 : vector<16xf32>
    %min3A_974 = arith.minimumf %select_n3A_964, %select_n3A_972 : vector<16xf32>
    %min3A_975 = arith.minimumf %min3A_973, %min3A_974 : vector<16xf32>
    %rev3A_976 = arith.constant 15 : i32
    %rev3A_977 = vector.broadcast %rev3A_976 : i32 to vector<16xi32>
    %rev3A_978 = tpu.iota {dimensions = array<i32: 0>} : vector<16xi32>
    %rev3A_979 = arith.subi %rev3A_977, %rev3A_978 : vector<16xi32>
    %rev3A_980 = tpu.dynamic_gather %min3A_975[%rev3A_979] in [0] : vector<16xf32>, vector<16xi32> -> vector<16xf32>
    %min3A_981 = arith.minimumf %min3A_975, %rev3A_980 : vector<16xf32>
    %slice3A_982 = vector.extract_strided_slice %min3A_981 {offsets = [0], sizes = [1], strides = [1]} : vector<16xf32> to vector<1xf32>
    %squeeze3A_983 = vector.extract %slice3A_982[0] : f32 from vector<1xf32>
    %slice3A_984 = vector.extract_strided_slice %min3A_981 {offsets = [1], sizes = [1], strides = [1]} : vector<16xf32> to vector<1xf32>
    %squeeze3A_985 = vector.extract %slice3A_984[0] : f32 from vector<1xf32>
    %min3A_986 = arith.minimumf %squeeze3A_983, %squeeze3A_985 : f32
    %slice3A_987 = vector.extract_strided_slice %min3A_981 {offsets = [2], sizes = [1], strides = [1]} : vector<16xf32> to vector<1xf32>
    %squeeze3A_988 = vector.extract %slice3A_987[0] : f32 from vector<1xf32>
    %min3A_989 = arith.minimumf %min3A_986, %squeeze3A_988 : f32
    %slice3A_990 = vector.extract_strided_slice %min3A_981 {offsets = [3], sizes = [1], strides = [1]} : vector<16xf32> to vector<1xf32>
    %squeeze3A_991 = vector.extract %slice3A_990[0] : f32 from vector<1xf32>
    %min3A_992 = arith.minimumf %min3A_989, %squeeze3A_991 : f32
    %slice3A_993 = vector.extract_strided_slice %min3A_981 {offsets = [4], sizes = [1], strides = [1]} : vector<16xf32> to vector<1xf32>
    %squeeze3A_994 = vector.extract %slice3A_993[0] : f32 from vector<1xf32>
    %min3A_995 = arith.minimumf %min3A_992, %squeeze3A_994 : f32
    %slice3A_996 = vector.extract_strided_slice %min3A_981 {offsets = [5], sizes = [1], strides = [1]} : vector<16xf32> to vector<1xf32>
    %squeeze3A_997 = vector.extract %slice3A_996[0] : f32 from vector<1xf32>
    %min3A_998 = arith.minimumf %min3A_995, %squeeze3A_997 : f32
    %slice3A_999 = vector.extract_strided_slice %min3A_981 {offsets = [6], sizes = [1], strides = [1]} : vector<16xf32> to vector<1xf32>
    %squeeze3A_1000 = vector.extract %slice3A_999[0] : f32 from vector<1xf32>
    %min3A_1001 = arith.minimumf %min3A_998, %squeeze3A_1000 : f32
    %slice3A_1002 = vector.extract_strided_slice %min3A_981 {offsets = [7], sizes = [1], strides = [1]} : vector<16xf32> to vector<1xf32>
    %squeeze3A_1003 = vector.extract %slice3A_1002[0] : f32 from vector<1xf32>
    %min3A_1004 = arith.minimumf %min3A_1001, %squeeze3A_1003 : f32
    %add3A_1005 = arith.constant 0.000000e+00 : f32
    %add3A_1006 = vector.broadcast %add3A_1005 : f32 to vector<16xf32>
    %add3A_1007 = arith.addf %convert_element_type3A, %add3A_1006 : vector<16xf32>
    %eq3A_1008 = vector.broadcast %min3A_1004 : f32 to vector<16xf32>
    %eq3A_1009 = arith.cmpf oeq, %add3A_1007, %eq3A_1008 : vector<16xf32>
    %jit3A_1010 = arith.constant 0xFF800000 : f32
    %broadcast_in_dim3A_1011 = vector.broadcast %jit3A_1010 : f32 to vector<16xf32>
    %select_n3A_1012 = arith.select %eq3A_1009, %broadcast_in_dim3A_1011, %select_n3A_884 : vector<16xi1>, vector<16xf32>
    %add3A_1013 = arith.constant 1.600000e+01 : f32
    %add3A_1014 = vector.broadcast %add3A_1013 : f32 to vector<16xf32>
    %add3A_1015 = arith.addf %convert_element_type3A, %add3A_1014 : vector<16xf32>
    %eq3A_1016 = vector.broadcast %min3A_1004 : f32 to vector<16xf32>
    %eq3A_1017 = arith.cmpf oeq, %add3A_1015, %eq3A_1016 : vector<16xf32>
    %jit3A_1018 = arith.constant 0xFF800000 : f32
    %broadcast_in_dim3A_1019 = vector.broadcast %jit3A_1018 : f32 to vector<16xf32>
    %select_n3A_1020 = arith.select %eq3A_1017, %broadcast_in_dim3A_1019, %select_n3A_892 : vector<16xi1>, vector<16xf32>
    %add3A_1021 = arith.constant 3.200000e+01 : f32
    %add3A_1022 = vector.broadcast %add3A_1021 : f32 to vector<16xf32>
    %add3A_1023 = arith.addf %convert_element_type3A, %add3A_1022 : vector<16xf32>
    %eq3A_1024 = vector.broadcast %min3A_1004 : f32 to vector<16xf32>
    %eq3A_1025 = arith.cmpf oeq, %add3A_1023, %eq3A_1024 : vector<16xf32>
    %jit3A_1026 = arith.constant 0xFF800000 : f32
    %broadcast_in_dim3A_1027 = vector.broadcast %jit3A_1026 : f32 to vector<16xf32>
    %select_n3A_1028 = arith.select %eq3A_1025, %broadcast_in_dim3A_1027, %select_n3A_900 : vector<16xi1>, vector<16xf32>
    %add3A_1029 = arith.constant 4.800000e+01 : f32
    %add3A_1030 = vector.broadcast %add3A_1029 : f32 to vector<16xf32>
    %add3A_1031 = arith.addf %convert_element_type3A, %add3A_1030 : vector<16xf32>
    %eq3A_1032 = vector.broadcast %min3A_1004 : f32 to vector<16xf32>
    %eq3A_1033 = arith.cmpf oeq, %add3A_1031, %eq3A_1032 : vector<16xf32>
    %jit3A_1034 = arith.constant 0xFF800000 : f32
    %broadcast_in_dim3A_1035 = vector.broadcast %jit3A_1034 : f32 to vector<16xf32>
    %select_n3A_1036 = arith.select %eq3A_1033, %broadcast_in_dim3A_1035, %select_n3A_908 : vector<16xi1>, vector<16xf32>
    %max3A_1037 = arith.maximumf %select_n3A_1012, %select_n3A_1020 : vector<16xf32>
    %max3A_1038 = arith.maximumf %select_n3A_1028, %select_n3A_1036 : vector<16xf32>
    %max3A_1039 = arith.maximumf %max3A_1037, %max3A_1038 : vector<16xf32>
    %rev3A_1040 = arith.constant 15 : i32
    %rev3A_1041 = vector.broadcast %rev3A_1040 : i32 to vector<16xi32>
    %rev3A_1042 = tpu.iota {dimensions = array<i32: 0>} : vector<16xi32>
    %rev3A_1043 = arith.subi %rev3A_1041, %rev3A_1042 : vector<16xi32>
    %rev3A_1044 = tpu.dynamic_gather %max3A_1039[%rev3A_1043] in [0] : vector<16xf32>, vector<16xi32> -> vector<16xf32>
    %max3A_1045 = arith.maximumf %max3A_1039, %rev3A_1044 : vector<16xf32>
    %slice3A_1046 = vector.extract_strided_slice %max3A_1045 {offsets = [0], sizes = [1], strides = [1]} : vector<16xf32> to vector<1xf32>
    %squeeze3A_1047 = vector.extract %slice3A_1046[0] : f32 from vector<1xf32>
    %slice3A_1048 = vector.extract_strided_slice %max3A_1045 {offsets = [1], sizes = [1], strides = [1]} : vector<16xf32> to vector<1xf32>
    %squeeze3A_1049 = vector.extract %slice3A_1048[0] : f32 from vector<1xf32>
    %max3A_1050 = arith.maximumf %squeeze3A_1047, %squeeze3A_1049 : f32
    %slice3A_1051 = vector.extract_strided_slice %max3A_1045 {offsets = [2], sizes = [1], strides = [1]} : vector<16xf32> to vector<1xf32>
    %squeeze3A_1052 = vector.extract %slice3A_1051[0] : f32 from vector<1xf32>
    %max3A_1053 = arith.maximumf %max3A_1050, %squeeze3A_1052 : f32
    %slice3A_1054 = vector.extract_strided_slice %max3A_1045 {offsets = [3], sizes = [1], strides = [1]} : vector<16xf32> to vector<1xf32>
    %squeeze3A_1055 = vector.extract %slice3A_1054[0] : f32 from vector<1xf32>
    %max3A_1056 = arith.maximumf %max3A_1053, %squeeze3A_1055 : f32
    %slice3A_1057 = vector.extract_strided_slice %max3A_1045 {offsets = [4], sizes = [1], strides = [1]} : vector<16xf32> to vector<1xf32>
    %squeeze3A_1058 = vector.extract %slice3A_1057[0] : f32 from vector<1xf32>
    %max3A_1059 = arith.maximumf %max3A_1056, %squeeze3A_1058 : f32
    %slice3A_1060 = vector.extract_strided_slice %max3A_1045 {offsets = [5], sizes = [1], strides = [1]} : vector<16xf32> to vector<1xf32>
    %squeeze3A_1061 = vector.extract %slice3A_1060[0] : f32 from vector<1xf32>
    %max3A_1062 = arith.maximumf %max3A_1059, %squeeze3A_1061 : f32
    %slice3A_1063 = vector.extract_strided_slice %max3A_1045 {offsets = [6], sizes = [1], strides = [1]} : vector<16xf32> to vector<1xf32>
    %squeeze3A_1064 = vector.extract %slice3A_1063[0] : f32 from vector<1xf32>
    %max3A_1065 = arith.maximumf %max3A_1062, %squeeze3A_1064 : f32
    %slice3A_1066 = vector.extract_strided_slice %max3A_1045 {offsets = [7], sizes = [1], strides = [1]} : vector<16xf32> to vector<1xf32>
    %squeeze3A_1067 = vector.extract %slice3A_1066[0] : f32 from vector<1xf32>
    %max3A_1068 = arith.maximumf %max3A_1065, %squeeze3A_1067 : f32
    %eq3A_1069 = vector.broadcast %max3A_1068 : f32 to vector<16xf32>
    %eq3A_1070 = arith.cmpf oeq, %select_n3A_1012, %eq3A_1069 : vector<16xf32>
    %add3A_1071 = arith.constant 0.000000e+00 : f32
    %add3A_1072 = vector.broadcast %add3A_1071 : f32 to vector<16xf32>
    %add3A_1073 = arith.addf %convert_element_type3A, %add3A_1072 : vector<16xf32>
    %jit3A_1074 = arith.constant 6.400000e+01 : f32
    %broadcast_in_dim3A_1075 = vector.broadcast %jit3A_1074 : f32 to vector<16xf32>
    %select_n3A_1076 = arith.select %eq3A_1070, %add3A_1073, %broadcast_in_dim3A_1075 : vector<16xi1>, vector<16xf32>
    %eq3A_1077 = vector.broadcast %max3A_1068 : f32 to vector<16xf32>
    %eq3A_1078 = arith.cmpf oeq, %select_n3A_1020, %eq3A_1077 : vector<16xf32>
    %add3A_1079 = arith.constant 1.600000e+01 : f32
    %add3A_1080 = vector.broadcast %add3A_1079 : f32 to vector<16xf32>
    %add3A_1081 = arith.addf %convert_element_type3A, %add3A_1080 : vector<16xf32>
    %jit3A_1082 = arith.constant 6.400000e+01 : f32
    %broadcast_in_dim3A_1083 = vector.broadcast %jit3A_1082 : f32 to vector<16xf32>
    %select_n3A_1084 = arith.select %eq3A_1078, %add3A_1081, %broadcast_in_dim3A_1083 : vector<16xi1>, vector<16xf32>
    %eq3A_1085 = vector.broadcast %max3A_1068 : f32 to vector<16xf32>
    %eq3A_1086 = arith.cmpf oeq, %select_n3A_1028, %eq3A_1085 : vector<16xf32>
    %add3A_1087 = arith.constant 3.200000e+01 : f32
    %add3A_1088 = vector.broadcast %add3A_1087 : f32 to vector<16xf32>
    %add3A_1089 = arith.addf %convert_element_type3A, %add3A_1088 : vector<16xf32>
    %jit3A_1090 = arith.constant 6.400000e+01 : f32
    %broadcast_in_dim3A_1091 = vector.broadcast %jit3A_1090 : f32 to vector<16xf32>
    %select_n3A_1092 = arith.select %eq3A_1086, %add3A_1089, %broadcast_in_dim3A_1091 : vector<16xi1>, vector<16xf32>
    %eq3A_1093 = vector.broadcast %max3A_1068 : f32 to vector<16xf32>
    %eq3A_1094 = arith.cmpf oeq, %select_n3A_1036, %eq3A_1093 : vector<16xf32>
    %add3A_1095 = arith.constant 4.800000e+01 : f32
    %add3A_1096 = vector.broadcast %add3A_1095 : f32 to vector<16xf32>
    %add3A_1097 = arith.addf %convert_element_type3A, %add3A_1096 : vector<16xf32>
    %jit3A_1098 = arith.constant 6.400000e+01 : f32
    %broadcast_in_dim3A_1099 = vector.broadcast %jit3A_1098 : f32 to vector<16xf32>
    %select_n3A_1100 = arith.select %eq3A_1094, %add3A_1097, %broadcast_in_dim3A_1099 : vector<16xi1>, vector<16xf32>
    %min3A_1101 = arith.minimumf %select_n3A_1076, %select_n3A_1084 : vector<16xf32>
    %min3A_1102 = arith.minimumf %select_n3A_1092, %select_n3A_1100 : vector<16xf32>
    %min3A_1103 = arith.minimumf %min3A_1101, %min3A_1102 : vector<16xf32>
    %rev3A_1104 = arith.constant 15 : i32
    %rev3A_1105 = vector.broadcast %rev3A_1104 : i32 to vector<16xi32>
    %rev3A_1106 = tpu.iota {dimensions = array<i32: 0>} : vector<16xi32>
    %rev3A_1107 = arith.subi %rev3A_1105, %rev3A_1106 : vector<16xi32>
    %rev3A_1108 = tpu.dynamic_gather %min3A_1103[%rev3A_1107] in [0] : vector<16xf32>, vector<16xi32> -> vector<16xf32>
    %min3A_1109 = arith.minimumf %min3A_1103, %rev3A_1108 : vector<16xf32>
    %slice3A_1110 = vector.extract_strided_slice %min3A_1109 {offsets = [0], sizes = [1], strides = [1]} : vector<16xf32> to vector<1xf32>
    %squeeze3A_1111 = vector.extract %slice3A_1110[0] : f32 from vector<1xf32>
    %slice3A_1112 = vector.extract_strided_slice %min3A_1109 {offsets = [1], sizes = [1], strides = [1]} : vector<16xf32> to vector<1xf32>
    %squeeze3A_1113 = vector.extract %slice3A_1112[0] : f32 from vector<1xf32>
    %min3A_1114 = arith.minimumf %squeeze3A_1111, %squeeze3A_1113 : f32
    %slice3A_1115 = vector.extract_strided_slice %min3A_1109 {offsets = [2], sizes = [1], strides = [1]} : vector<16xf32> to vector<1xf32>
    %squeeze3A_1116 = vector.extract %slice3A_1115[0] : f32 from vector<1xf32>
    %min3A_1117 = arith.minimumf %min3A_1114, %squeeze3A_1116 : f32
    %slice3A_1118 = vector.extract_strided_slice %min3A_1109 {offsets = [3], sizes = [1], strides = [1]} : vector<16xf32> to vector<1xf32>
    %squeeze3A_1119 = vector.extract %slice3A_1118[0] : f32 from vector<1xf32>
    %min3A_1120 = arith.minimumf %min3A_1117, %squeeze3A_1119 : f32
    %slice3A_1121 = vector.extract_strided_slice %min3A_1109 {offsets = [4], sizes = [1], strides = [1]} : vector<16xf32> to vector<1xf32>
    %squeeze3A_1122 = vector.extract %slice3A_1121[0] : f32 from vector<1xf32>
    %min3A_1123 = arith.minimumf %min3A_1120, %squeeze3A_1122 : f32
    %slice3A_1124 = vector.extract_strided_slice %min3A_1109 {offsets = [5], sizes = [1], strides = [1]} : vector<16xf32> to vector<1xf32>
    %squeeze3A_1125 = vector.extract %slice3A_1124[0] : f32 from vector<1xf32>
    %min3A_1126 = arith.minimumf %min3A_1123, %squeeze3A_1125 : f32
    %slice3A_1127 = vector.extract_strided_slice %min3A_1109 {offsets = [6], sizes = [1], strides = [1]} : vector<16xf32> to vector<1xf32>
    %squeeze3A_1128 = vector.extract %slice3A_1127[0] : f32 from vector<1xf32>
    %min3A_1129 = arith.minimumf %min3A_1126, %squeeze3A_1128 : f32
    %slice3A_1130 = vector.extract_strided_slice %min3A_1109 {offsets = [7], sizes = [1], strides = [1]} : vector<16xf32> to vector<1xf32>
    %squeeze3A_1131 = vector.extract %slice3A_1130[0] : f32 from vector<1xf32>
    %min3A_1132 = arith.minimumf %min3A_1129, %squeeze3A_1131 : f32
    %add3A_1133 = arith.constant 0.000000e+00 : f32
    %add3A_1134 = vector.broadcast %add3A_1133 : f32 to vector<16xf32>
    %add3A_1135 = arith.addf %convert_element_type3A, %add3A_1134 : vector<16xf32>
    %eq3A_1136 = vector.broadcast %min3A_1132 : f32 to vector<16xf32>
    %eq3A_1137 = arith.cmpf oeq, %add3A_1135, %eq3A_1136 : vector<16xf32>
    %jit3A_1138 = arith.constant 0xFF800000 : f32
    %broadcast_in_dim3A_1139 = vector.broadcast %jit3A_1138 : f32 to vector<16xf32>
    %select_n3A_1140 = arith.select %eq3A_1137, %broadcast_in_dim3A_1139, %select_n3A_1012 : vector<16xi1>, vector<16xf32>
    %add3A_1141 = arith.constant 1.600000e+01 : f32
    %add3A_1142 = vector.broadcast %add3A_1141 : f32 to vector<16xf32>
    %add3A_1143 = arith.addf %convert_element_type3A, %add3A_1142 : vector<16xf32>
    %eq3A_1144 = vector.broadcast %min3A_1132 : f32 to vector<16xf32>
    %eq3A_1145 = arith.cmpf oeq, %add3A_1143, %eq3A_1144 : vector<16xf32>
    %jit3A_1146 = arith.constant 0xFF800000 : f32
    %broadcast_in_dim3A_1147 = vector.broadcast %jit3A_1146 : f32 to vector<16xf32>
    %select_n3A_1148 = arith.select %eq3A_1145, %broadcast_in_dim3A_1147, %select_n3A_1020 : vector<16xi1>, vector<16xf32>
    %add3A_1149 = arith.constant 3.200000e+01 : f32
    %add3A_1150 = vector.broadcast %add3A_1149 : f32 to vector<16xf32>
    %add3A_1151 = arith.addf %convert_element_type3A, %add3A_1150 : vector<16xf32>
    %eq3A_1152 = vector.broadcast %min3A_1132 : f32 to vector<16xf32>
    %eq3A_1153 = arith.cmpf oeq, %add3A_1151, %eq3A_1152 : vector<16xf32>
    %jit3A_1154 = arith.constant 0xFF800000 : f32
    %broadcast_in_dim3A_1155 = vector.broadcast %jit3A_1154 : f32 to vector<16xf32>
    %select_n3A_1156 = arith.select %eq3A_1153, %broadcast_in_dim3A_1155, %select_n3A_1028 : vector<16xi1>, vector<16xf32>
    %add3A_1157 = arith.constant 4.800000e+01 : f32
    %add3A_1158 = vector.broadcast %add3A_1157 : f32 to vector<16xf32>
    %add3A_1159 = arith.addf %convert_element_type3A, %add3A_1158 : vector<16xf32>
    %eq3A_1160 = vector.broadcast %min3A_1132 : f32 to vector<16xf32>
    %eq3A_1161 = arith.cmpf oeq, %add3A_1159, %eq3A_1160 : vector<16xf32>
    %jit3A_1162 = arith.constant 0xFF800000 : f32
    %broadcast_in_dim3A_1163 = vector.broadcast %jit3A_1162 : f32 to vector<16xf32>
    %select_n3A_1164 = arith.select %eq3A_1161, %broadcast_in_dim3A_1163, %select_n3A_1036 : vector<16xi1>, vector<16xf32>
    %max3A_1165 = arith.maximumf %select_n3A_1140, %select_n3A_1148 : vector<16xf32>
    %max3A_1166 = arith.maximumf %select_n3A_1156, %select_n3A_1164 : vector<16xf32>
    %max3A_1167 = arith.maximumf %max3A_1165, %max3A_1166 : vector<16xf32>
    %rev3A_1168 = arith.constant 15 : i32
    %rev3A_1169 = vector.broadcast %rev3A_1168 : i32 to vector<16xi32>
    %rev3A_1170 = tpu.iota {dimensions = array<i32: 0>} : vector<16xi32>
    %rev3A_1171 = arith.subi %rev3A_1169, %rev3A_1170 : vector<16xi32>
    %rev3A_1172 = tpu.dynamic_gather %max3A_1167[%rev3A_1171] in [0] : vector<16xf32>, vector<16xi32> -> vector<16xf32>
    %max3A_1173 = arith.maximumf %max3A_1167, %rev3A_1172 : vector<16xf32>
    %slice3A_1174 = vector.extract_strided_slice %max3A_1173 {offsets = [0], sizes = [1], strides = [1]} : vector<16xf32> to vector<1xf32>
    %squeeze3A_1175 = vector.extract %slice3A_1174[0] : f32 from vector<1xf32>
    %slice3A_1176 = vector.extract_strided_slice %max3A_1173 {offsets = [1], sizes = [1], strides = [1]} : vector<16xf32> to vector<1xf32>
    %squeeze3A_1177 = vector.extract %slice3A_1176[0] : f32 from vector<1xf32>
    %max3A_1178 = arith.maximumf %squeeze3A_1175, %squeeze3A_1177 : f32
    %slice3A_1179 = vector.extract_strided_slice %max3A_1173 {offsets = [2], sizes = [1], strides = [1]} : vector<16xf32> to vector<1xf32>
    %squeeze3A_1180 = vector.extract %slice3A_1179[0] : f32 from vector<1xf32>
    %max3A_1181 = arith.maximumf %max3A_1178, %squeeze3A_1180 : f32
    %slice3A_1182 = vector.extract_strided_slice %max3A_1173 {offsets = [3], sizes = [1], strides = [1]} : vector<16xf32> to vector<1xf32>
    %squeeze3A_1183 = vector.extract %slice3A_1182[0] : f32 from vector<1xf32>
    %max3A_1184 = arith.maximumf %max3A_1181, %squeeze3A_1183 : f32
    %slice3A_1185 = vector.extract_strided_slice %max3A_1173 {offsets = [4], sizes = [1], strides = [1]} : vector<16xf32> to vector<1xf32>
    %squeeze3A_1186 = vector.extract %slice3A_1185[0] : f32 from vector<1xf32>
    %max3A_1187 = arith.maximumf %max3A_1184, %squeeze3A_1186 : f32
    %slice3A_1188 = vector.extract_strided_slice %max3A_1173 {offsets = [5], sizes = [1], strides = [1]} : vector<16xf32> to vector<1xf32>
    %squeeze3A_1189 = vector.extract %slice3A_1188[0] : f32 from vector<1xf32>
    %max3A_1190 = arith.maximumf %max3A_1187, %squeeze3A_1189 : f32
    %slice3A_1191 = vector.extract_strided_slice %max3A_1173 {offsets = [6], sizes = [1], strides = [1]} : vector<16xf32> to vector<1xf32>
    %squeeze3A_1192 = vector.extract %slice3A_1191[0] : f32 from vector<1xf32>
    %max3A_1193 = arith.maximumf %max3A_1190, %squeeze3A_1192 : f32
    %slice3A_1194 = vector.extract_strided_slice %max3A_1173 {offsets = [7], sizes = [1], strides = [1]} : vector<16xf32> to vector<1xf32>
    %squeeze3A_1195 = vector.extract %slice3A_1194[0] : f32 from vector<1xf32>
    %max3A_1196 = arith.maximumf %max3A_1193, %squeeze3A_1195 : f32
    %eq3A_1197 = vector.broadcast %max3A_1196 : f32 to vector<16xf32>
    %eq3A_1198 = arith.cmpf oeq, %select_n3A_1140, %eq3A_1197 : vector<16xf32>
    %add3A_1199 = arith.constant 0.000000e+00 : f32
    %add3A_1200 = vector.broadcast %add3A_1199 : f32 to vector<16xf32>
    %add3A_1201 = arith.addf %convert_element_type3A, %add3A_1200 : vector<16xf32>
    %jit3A_1202 = arith.constant 6.400000e+01 : f32
    %broadcast_in_dim3A_1203 = vector.broadcast %jit3A_1202 : f32 to vector<16xf32>
    %select_n3A_1204 = arith.select %eq3A_1198, %add3A_1201, %broadcast_in_dim3A_1203 : vector<16xi1>, vector<16xf32>
    %eq3A_1205 = vector.broadcast %max3A_1196 : f32 to vector<16xf32>
    %eq3A_1206 = arith.cmpf oeq, %select_n3A_1148, %eq3A_1205 : vector<16xf32>
    %add3A_1207 = arith.constant 1.600000e+01 : f32
    %add3A_1208 = vector.broadcast %add3A_1207 : f32 to vector<16xf32>
    %add3A_1209 = arith.addf %convert_element_type3A, %add3A_1208 : vector<16xf32>
    %jit3A_1210 = arith.constant 6.400000e+01 : f32
    %broadcast_in_dim3A_1211 = vector.broadcast %jit3A_1210 : f32 to vector<16xf32>
    %select_n3A_1212 = arith.select %eq3A_1206, %add3A_1209, %broadcast_in_dim3A_1211 : vector<16xi1>, vector<16xf32>
    %eq3A_1213 = vector.broadcast %max3A_1196 : f32 to vector<16xf32>
    %eq3A_1214 = arith.cmpf oeq, %select_n3A_1156, %eq3A_1213 : vector<16xf32>
    %add3A_1215 = arith.constant 3.200000e+01 : f32
    %add3A_1216 = vector.broadcast %add3A_1215 : f32 to vector<16xf32>
    %add3A_1217 = arith.addf %convert_element_type3A, %add3A_1216 : vector<16xf32>
    %jit3A_1218 = arith.constant 6.400000e+01 : f32
    %broadcast_in_dim3A_1219 = vector.broadcast %jit3A_1218 : f32 to vector<16xf32>
    %select_n3A_1220 = arith.select %eq3A_1214, %add3A_1217, %broadcast_in_dim3A_1219 : vector<16xi1>, vector<16xf32>
    %eq3A_1221 = vector.broadcast %max3A_1196 : f32 to vector<16xf32>
    %eq3A_1222 = arith.cmpf oeq, %select_n3A_1164, %eq3A_1221 : vector<16xf32>
    %add3A_1223 = arith.constant 4.800000e+01 : f32
    %add3A_1224 = vector.broadcast %add3A_1223 : f32 to vector<16xf32>
    %add3A_1225 = arith.addf %convert_element_type3A, %add3A_1224 : vector<16xf32>
    %jit3A_1226 = arith.constant 6.400000e+01 : f32
    %broadcast_in_dim3A_1227 = vector.broadcast %jit3A_1226 : f32 to vector<16xf32>
    %select_n3A_1228 = arith.select %eq3A_1222, %add3A_1225, %broadcast_in_dim3A_1227 : vector<16xi1>, vector<16xf32>
    %min3A_1229 = arith.minimumf %select_n3A_1204, %select_n3A_1212 : vector<16xf32>
    %min3A_1230 = arith.minimumf %select_n3A_1220, %select_n3A_1228 : vector<16xf32>
    %min3A_1231 = arith.minimumf %min3A_1229, %min3A_1230 : vector<16xf32>
    %rev3A_1232 = arith.constant 15 : i32
    %rev3A_1233 = vector.broadcast %rev3A_1232 : i32 to vector<16xi32>
    %rev3A_1234 = tpu.iota {dimensions = array<i32: 0>} : vector<16xi32>
    %rev3A_1235 = arith.subi %rev3A_1233, %rev3A_1234 : vector<16xi32>
    %rev3A_1236 = tpu.dynamic_gather %min3A_1231[%rev3A_1235] in [0] : vector<16xf32>, vector<16xi32> -> vector<16xf32>
    %min3A_1237 = arith.minimumf %min3A_1231, %rev3A_1236 : vector<16xf32>
    %slice3A_1238 = vector.extract_strided_slice %min3A_1237 {offsets = [0], sizes = [1], strides = [1]} : vector<16xf32> to vector<1xf32>
    %squeeze3A_1239 = vector.extract %slice3A_1238[0] : f32 from vector<1xf32>
    %slice3A_1240 = vector.extract_strided_slice %min3A_1237 {offsets = [1], sizes = [1], strides = [1]} : vector<16xf32> to vector<1xf32>
    %squeeze3A_1241 = vector.extract %slice3A_1240[0] : f32 from vector<1xf32>
    %min3A_1242 = arith.minimumf %squeeze3A_1239, %squeeze3A_1241 : f32
    %slice3A_1243 = vector.extract_strided_slice %min3A_1237 {offsets = [2], sizes = [1], strides = [1]} : vector<16xf32> to vector<1xf32>
    %squeeze3A_1244 = vector.extract %slice3A_1243[0] : f32 from vector<1xf32>
    %min3A_1245 = arith.minimumf %min3A_1242, %squeeze3A_1244 : f32
    %slice3A_1246 = vector.extract_strided_slice %min3A_1237 {offsets = [3], sizes = [1], strides = [1]} : vector<16xf32> to vector<1xf32>
    %squeeze3A_1247 = vector.extract %slice3A_1246[0] : f32 from vector<1xf32>
    %min3A_1248 = arith.minimumf %min3A_1245, %squeeze3A_1247 : f32
    %slice3A_1249 = vector.extract_strided_slice %min3A_1237 {offsets = [4], sizes = [1], strides = [1]} : vector<16xf32> to vector<1xf32>
    %squeeze3A_1250 = vector.extract %slice3A_1249[0] : f32 from vector<1xf32>
    %min3A_1251 = arith.minimumf %min3A_1248, %squeeze3A_1250 : f32
    %slice3A_1252 = vector.extract_strided_slice %min3A_1237 {offsets = [5], sizes = [1], strides = [1]} : vector<16xf32> to vector<1xf32>
    %squeeze3A_1253 = vector.extract %slice3A_1252[0] : f32 from vector<1xf32>
    %min3A_1254 = arith.minimumf %min3A_1251, %squeeze3A_1253 : f32
    %slice3A_1255 = vector.extract_strided_slice %min3A_1237 {offsets = [6], sizes = [1], strides = [1]} : vector<16xf32> to vector<1xf32>
    %squeeze3A_1256 = vector.extract %slice3A_1255[0] : f32 from vector<1xf32>
    %min3A_1257 = arith.minimumf %min3A_1254, %squeeze3A_1256 : f32
    %slice3A_1258 = vector.extract_strided_slice %min3A_1237 {offsets = [7], sizes = [1], strides = [1]} : vector<16xf32> to vector<1xf32>
    %squeeze3A_1259 = vector.extract %slice3A_1258[0] : f32 from vector<1xf32>
    %min3A_1260 = arith.minimumf %min3A_1257, %squeeze3A_1259 : f32
    %add3A_1261 = arith.constant 0.000000e+00 : f32
    %add3A_1262 = vector.broadcast %add3A_1261 : f32 to vector<16xf32>
    %add3A_1263 = arith.addf %convert_element_type3A, %add3A_1262 : vector<16xf32>
    %eq3A_1264 = vector.broadcast %min3A_1260 : f32 to vector<16xf32>
    %eq3A_1265 = arith.cmpf oeq, %add3A_1263, %eq3A_1264 : vector<16xf32>
    %jit3A_1266 = arith.constant 0xFF800000 : f32
    %broadcast_in_dim3A_1267 = vector.broadcast %jit3A_1266 : f32 to vector<16xf32>
    %select_n3A_1268 = arith.select %eq3A_1265, %broadcast_in_dim3A_1267, %select_n3A_1140 : vector<16xi1>, vector<16xf32>
    %add3A_1269 = arith.constant 1.600000e+01 : f32
    %add3A_1270 = vector.broadcast %add3A_1269 : f32 to vector<16xf32>
    %add3A_1271 = arith.addf %convert_element_type3A, %add3A_1270 : vector<16xf32>
    %eq3A_1272 = vector.broadcast %min3A_1260 : f32 to vector<16xf32>
    %eq3A_1273 = arith.cmpf oeq, %add3A_1271, %eq3A_1272 : vector<16xf32>
    %jit3A_1274 = arith.constant 0xFF800000 : f32
    %broadcast_in_dim3A_1275 = vector.broadcast %jit3A_1274 : f32 to vector<16xf32>
    %select_n3A_1276 = arith.select %eq3A_1273, %broadcast_in_dim3A_1275, %select_n3A_1148 : vector<16xi1>, vector<16xf32>
    %add3A_1277 = arith.constant 3.200000e+01 : f32
    %add3A_1278 = vector.broadcast %add3A_1277 : f32 to vector<16xf32>
    %add3A_1279 = arith.addf %convert_element_type3A, %add3A_1278 : vector<16xf32>
    %eq3A_1280 = vector.broadcast %min3A_1260 : f32 to vector<16xf32>
    %eq3A_1281 = arith.cmpf oeq, %add3A_1279, %eq3A_1280 : vector<16xf32>
    %jit3A_1282 = arith.constant 0xFF800000 : f32
    %broadcast_in_dim3A_1283 = vector.broadcast %jit3A_1282 : f32 to vector<16xf32>
    %select_n3A_1284 = arith.select %eq3A_1281, %broadcast_in_dim3A_1283, %select_n3A_1156 : vector<16xi1>, vector<16xf32>
    %add3A_1285 = arith.constant 4.800000e+01 : f32
    %add3A_1286 = vector.broadcast %add3A_1285 : f32 to vector<16xf32>
    %add3A_1287 = arith.addf %convert_element_type3A, %add3A_1286 : vector<16xf32>
    %eq3A_1288 = vector.broadcast %min3A_1260 : f32 to vector<16xf32>
    %eq3A_1289 = arith.cmpf oeq, %add3A_1287, %eq3A_1288 : vector<16xf32>
    %jit3A_1290 = arith.constant 0xFF800000 : f32
    %broadcast_in_dim3A_1291 = vector.broadcast %jit3A_1290 : f32 to vector<16xf32>
    %select_n3A_1292 = arith.select %eq3A_1289, %broadcast_in_dim3A_1291, %select_n3A_1164 : vector<16xi1>, vector<16xf32>
    %eq3A_1293 = arith.constant 0xFF800000 : f32
    %eq3A_1294 = vector.broadcast %eq3A_1293 : f32 to vector<16xf32>
    %eq3A_1295 = arith.cmpf oeq, %select_n3A_1268, %eq3A_1294 : vector<16xf32>
    %jit3A_1296 = arith.constant 0.000000e+00 : f32
    %broadcast_in_dim3A_1297 = vector.broadcast %jit3A_1296 : f32 to vector<16xf32>
    %select_n3A_1298 = arith.select %eq3A_1295, %get3A_6, %broadcast_in_dim3A_1297 : vector<16xi1>, vector<16xf32>
    %swap3A = arith.constant 0 : i32
    %swap3A_1299 = arith.index_cast %swap3A : i32 to index
    %swap3A_1300 = arith.constant 0 : index
    %swap3A_1301 = tpu.vector_load %arg5[%swap3A_1299, %swap3A_1300] {strides = array<i32>} : memref<2x64xf32, #tpu.memory_space<vmem>>, vector<1x16xf32>,
    %swap3A_1302 = vector.shape_cast %swap3A_1301 : vector<1x16xf32> to vector<16xf32>
    %swap3A_1303 = vector.shape_cast %select_n3A_1298 : vector<16xf32> to vector<1x16xf32>
    tpu.vector_store %arg5[%swap3A_1299, %swap3A_1300], %swap3A_1303 {strides = array<i32>} : memref<2x64xf32, #tpu.memory_space<vmem>>, vector<1x16xf32>,
    %eq3A_1304 = arith.constant 0xFF800000 : f32
    %eq3A_1305 = vector.broadcast %eq3A_1304 : f32 to vector<16xf32>
    %eq3A_1306 = arith.cmpf oeq, %select_n3A_1276, %eq3A_1305 : vector<16xf32>
    %jit3A_1307 = arith.constant 0.000000e+00 : f32
    %broadcast_in_dim3A_1308 = vector.broadcast %jit3A_1307 : f32 to vector<16xf32>
    %select_n3A_1309 = arith.select %eq3A_1306, %get3A_11, %broadcast_in_dim3A_1308 : vector<16xi1>, vector<16xf32>
    %swap3A_1310 = arith.constant 0 : i32
    %swap3A_1311 = arith.index_cast %swap3A_1310 : i32 to index
    %swap3A_1312 = arith.constant 16 : index
    %swap3A_1313 = tpu.vector_load %arg5[%swap3A_1311, %swap3A_1312] {strides = array<i32>} : memref<2x64xf32, #tpu.memory_space<vmem>>, vector<1x16xf32>,
    %swap3A_1314 = vector.shape_cast %swap3A_1313 : vector<1x16xf32> to vector<16xf32>
    %swap3A_1315 = vector.shape_cast %select_n3A_1309 : vector<16xf32> to vector<1x16xf32>
    tpu.vector_store %arg5[%swap3A_1311, %swap3A_1312], %swap3A_1315 {strides = array<i32>} : memref<2x64xf32, #tpu.memory_space<vmem>>, vector<1x16xf32>,
    %eq3A_1316 = arith.constant 0xFF800000 : f32
    %eq3A_1317 = vector.broadcast %eq3A_1316 : f32 to vector<16xf32>
    %eq3A_1318 = arith.cmpf oeq, %select_n3A_1284, %eq3A_1317 : vector<16xf32>
    %jit3A_1319 = arith.constant 0.000000e+00 : f32
    %broadcast_in_dim3A_1320 = vector.broadcast %jit3A_1319 : f32 to vector<16xf32>
    %select_n3A_1321 = arith.select %eq3A_1318, %get3A_16, %broadcast_in_dim3A_1320 : vector<16xi1>, vector<16xf32>
    %swap3A_1322 = arith.constant 0 : i32
    %swap3A_1323 = arith.index_cast %swap3A_1322 : i32 to index
    %swap3A_1324 = arith.constant 32 : index
    %swap3A_1325 = tpu.vector_load %arg5[%swap3A_1323, %swap3A_1324] {strides = array<i32>} : memref<2x64xf32, #tpu.memory_space<vmem>>, vector<1x16xf32>,
    %swap3A_1326 = vector.shape_cast %swap3A_1325 : vector<1x16xf32> to vector<16xf32>
    %swap3A_1327 = vector.shape_cast %select_n3A_1321 : vector<16xf32> to vector<1x16xf32>
    tpu.vector_store %arg5[%swap3A_1323, %swap3A_1324], %swap3A_1327 {strides = array<i32>} : memref<2x64xf32, #tpu.memory_space<vmem>>, vector<1x16xf32>,
    %eq3A_1328 = arith.constant 0xFF800000 : f32
    %eq3A_1329 = vector.broadcast %eq3A_1328 : f32 to vector<16xf32>
    %eq3A_1330 = arith.cmpf oeq, %select_n3A_1292, %eq3A_1329 : vector<16xf32>
    %jit3A_1331 = arith.constant 0.000000e+00 : f32
    %broadcast_in_dim3A_1332 = vector.broadcast %jit3A_1331 : f32 to vector<16xf32>
    %select_n3A_1333 = arith.select %eq3A_1330, %get3A_21, %broadcast_in_dim3A_1332 : vector<16xi1>, vector<16xf32>
    %swap3A_1334 = arith.constant 0 : i32
    %swap3A_1335 = arith.index_cast %swap3A_1334 : i32 to index
    %swap3A_1336 = arith.constant 48 : index
    %swap3A_1337 = tpu.vector_load %arg5[%swap3A_1335, %swap3A_1336] {strides = array<i32>} : memref<2x64xf32, #tpu.memory_space<vmem>>, vector<1x16xf32>,
    %swap3A_1338 = vector.shape_cast %swap3A_1337 : vector<1x16xf32> to vector<16xf32>
    %swap3A_1339 = vector.shape_cast %select_n3A_1333 : vector<16xf32> to vector<1x16xf32>
    tpu.vector_store %arg5[%swap3A_1335, %swap3A_1336], %swap3A_1339 {strides = array<i32>} : memref<2x64xf32, #tpu.memory_space<vmem>>, vector<1x16xf32>,
    %get3A_1340 = arith.constant 1 : i32
    %get3A_1341 = arith.index_cast %get3A_1340 : i32 to index
    %get3A_1342 = arith.constant 0 : index
    %get3A_1343 = tpu.vector_load %arg4[%get3A_1341, %get3A_1342] {strides = array<i32>} : memref<2x64xf32, #tpu.memory_space<vmem>>, vector<1x16xf32>,
    %get3A_1344 = vector.shape_cast %get3A_1343 : vector<1x16xf32> to vector<16xf32>
    %get3A_1345 = arith.constant 1 : i32
    %get3A_1346 = arith.index_cast %get3A_1345 : i32 to index
    %get3A_1347 = arith.constant 16 : index
    %get3A_1348 = tpu.vector_load %arg4[%get3A_1346, %get3A_1347] {strides = array<i32>} : memref<2x64xf32, #tpu.memory_space<vmem>>, vector<1x16xf32>,
    %get3A_1349 = vector.shape_cast %get3A_1348 : vector<1x16xf32> to vector<16xf32>
    %get3A_1350 = arith.constant 1 : i32
    %get3A_1351 = arith.index_cast %get3A_1350 : i32 to index
    %get3A_1352 = arith.constant 32 : index
    %get3A_1353 = tpu.vector_load %arg4[%get3A_1351, %get3A_1352] {strides = array<i32>} : memref<2x64xf32, #tpu.memory_space<vmem>>, vector<1x16xf32>,
    %get3A_1354 = vector.shape_cast %get3A_1353 : vector<1x16xf32> to vector<16xf32>
    %get3A_1355 = arith.constant 1 : i32
    %get3A_1356 = arith.index_cast %get3A_1355 : i32 to index
    %get3A_1357 = arith.constant 48 : index
    %get3A_1358 = tpu.vector_load %arg4[%get3A_1356, %get3A_1357] {strides = array<i32>} : memref<2x64xf32, #tpu.memory_space<vmem>>, vector<1x16xf32>,
    %get3A_1359 = vector.shape_cast %get3A_1358 : vector<1x16xf32> to vector<16xf32>
    %max3A_1360 = arith.maximumf %get3A_1344, %get3A_1349 : vector<16xf32>
    %max3A_1361 = arith.maximumf %get3A_1354, %get3A_1359 : vector<16xf32>
    %max3A_1362 = arith.maximumf %max3A_1360, %max3A_1361 : vector<16xf32>
    %rev3A_1363 = arith.constant 15 : i32
    %rev3A_1364 = vector.broadcast %rev3A_1363 : i32 to vector<16xi32>
    %rev3A_1365 = tpu.iota {dimensions = array<i32: 0>} : vector<16xi32>
    %rev3A_1366 = arith.subi %rev3A_1364, %rev3A_1365 : vector<16xi32>
    %rev3A_1367 = tpu.dynamic_gather %max3A_1362[%rev3A_1366] in [0] : vector<16xf32>, vector<16xi32> -> vector<16xf32>
    %max3A_1368 = arith.maximumf %max3A_1362, %rev3A_1367 : vector<16xf32>
    %slice3A_1369 = vector.extract_strided_slice %max3A_1368 {offsets = [0], sizes = [1], strides = [1]} : vector<16xf32> to vector<1xf32>
    %squeeze3A_1370 = vector.extract %slice3A_1369[0] : f32 from vector<1xf32>
    %slice3A_1371 = vector.extract_strided_slice %max3A_1368 {offsets = [1], sizes = [1], strides = [1]} : vector<16xf32> to vector<1xf32>
    %squeeze3A_1372 = vector.extract %slice3A_1371[0] : f32 from vector<1xf32>
    %max3A_1373 = arith.maximumf %squeeze3A_1370, %squeeze3A_1372 : f32
    %slice3A_1374 = vector.extract_strided_slice %max3A_1368 {offsets = [2], sizes = [1], strides = [1]} : vector<16xf32> to vector<1xf32>
    %squeeze3A_1375 = vector.extract %slice3A_1374[0] : f32 from vector<1xf32>
    %max3A_1376 = arith.maximumf %max3A_1373, %squeeze3A_1375 : f32
    %slice3A_1377 = vector.extract_strided_slice %max3A_1368 {offsets = [3], sizes = [1], strides = [1]} : vector<16xf32> to vector<1xf32>
    %squeeze3A_1378 = vector.extract %slice3A_1377[0] : f32 from vector<1xf32>
    %max3A_1379 = arith.maximumf %max3A_1376, %squeeze3A_1378 : f32
    %slice3A_1380 = vector.extract_strided_slice %max3A_1368 {offsets = [4], sizes = [1], strides = [1]} : vector<16xf32> to vector<1xf32>
    %squeeze3A_1381 = vector.extract %slice3A_1380[0] : f32 from vector<1xf32>
    %max3A_1382 = arith.maximumf %max3A_1379, %squeeze3A_1381 : f32
    %slice3A_1383 = vector.extract_strided_slice %max3A_1368 {offsets = [5], sizes = [1], strides = [1]} : vector<16xf32> to vector<1xf32>
    %squeeze3A_1384 = vector.extract %slice3A_1383[0] : f32 from vector<1xf32>
    %max3A_1385 = arith.maximumf %max3A_1382, %squeeze3A_1384 : f32
    %slice3A_1386 = vector.extract_strided_slice %max3A_1368 {offsets = [6], sizes = [1], strides = [1]} : vector<16xf32> to vector<1xf32>
    %squeeze3A_1387 = vector.extract %slice3A_1386[0] : f32 from vector<1xf32>
    %max3A_1388 = arith.maximumf %max3A_1385, %squeeze3A_1387 : f32
    %slice3A_1389 = vector.extract_strided_slice %max3A_1368 {offsets = [7], sizes = [1], strides = [1]} : vector<16xf32> to vector<1xf32>
    %squeeze3A_1390 = vector.extract %slice3A_1389[0] : f32 from vector<1xf32>
    %max3A_1391 = arith.maximumf %max3A_1388, %squeeze3A_1390 : f32
    %eq3A_1392 = vector.broadcast %max3A_1391 : f32 to vector<16xf32>
    %eq3A_1393 = arith.cmpf oeq, %get3A_1344, %eq3A_1392 : vector<16xf32>
    %add3A_1394 = arith.constant 0.000000e+00 : f32
    %add3A_1395 = vector.broadcast %add3A_1394 : f32 to vector<16xf32>
    %add3A_1396 = arith.addf %convert_element_type3A, %add3A_1395 : vector<16xf32>
    %jit3A_1397 = arith.constant 6.400000e+01 : f32
    %broadcast_in_dim3A_1398 = vector.broadcast %jit3A_1397 : f32 to vector<16xf32>
    %select_n3A_1399 = arith.select %eq3A_1393, %add3A_1396, %broadcast_in_dim3A_1398 : vector<16xi1>, vector<16xf32>
    %eq3A_1400 = vector.broadcast %max3A_1391 : f32 to vector<16xf32>
    %eq3A_1401 = arith.cmpf oeq, %get3A_1349, %eq3A_1400 : vector<16xf32>
    %add3A_1402 = arith.constant 1.600000e+01 : f32
    %add3A_1403 = vector.broadcast %add3A_1402 : f32 to vector<16xf32>
    %add3A_1404 = arith.addf %convert_element_type3A, %add3A_1403 : vector<16xf32>
    %jit3A_1405 = arith.constant 6.400000e+01 : f32
    %broadcast_in_dim3A_1406 = vector.broadcast %jit3A_1405 : f32 to vector<16xf32>
    %select_n3A_1407 = arith.select %eq3A_1401, %add3A_1404, %broadcast_in_dim3A_1406 : vector<16xi1>, vector<16xf32>
    %eq3A_1408 = vector.broadcast %max3A_1391 : f32 to vector<16xf32>
    %eq3A_1409 = arith.cmpf oeq, %get3A_1354, %eq3A_1408 : vector<16xf32>
    %add3A_1410 = arith.constant 3.200000e+01 : f32
    %add3A_1411 = vector.broadcast %add3A_1410 : f32 to vector<16xf32>
    %add3A_1412 = arith.addf %convert_element_type3A, %add3A_1411 : vector<16xf32>
    %jit3A_1413 = arith.constant 6.400000e+01 : f32
    %broadcast_in_dim3A_1414 = vector.broadcast %jit3A_1413 : f32 to vector<16xf32>
    %select_n3A_1415 = arith.select %eq3A_1409, %add3A_1412, %broadcast_in_dim3A_1414 : vector<16xi1>, vector<16xf32>
    %eq3A_1416 = vector.broadcast %max3A_1391 : f32 to vector<16xf32>
    %eq3A_1417 = arith.cmpf oeq, %get3A_1359, %eq3A_1416 : vector<16xf32>
    %add3A_1418 = arith.constant 4.800000e+01 : f32
    %add3A_1419 = vector.broadcast %add3A_1418 : f32 to vector<16xf32>
    %add3A_1420 = arith.addf %convert_element_type3A, %add3A_1419 : vector<16xf32>
    %jit3A_1421 = arith.constant 6.400000e+01 : f32
    %broadcast_in_dim3A_1422 = vector.broadcast %jit3A_1421 : f32 to vector<16xf32>
    %select_n3A_1423 = arith.select %eq3A_1417, %add3A_1420, %broadcast_in_dim3A_1422 : vector<16xi1>, vector<16xf32>
    %min3A_1424 = arith.minimumf %select_n3A_1399, %select_n3A_1407 : vector<16xf32>
    %min3A_1425 = arith.minimumf %select_n3A_1415, %select_n3A_1423 : vector<16xf32>
    %min3A_1426 = arith.minimumf %min3A_1424, %min3A_1425 : vector<16xf32>
    %rev3A_1427 = arith.constant 15 : i32
    %rev3A_1428 = vector.broadcast %rev3A_1427 : i32 to vector<16xi32>
    %rev3A_1429 = tpu.iota {dimensions = array<i32: 0>} : vector<16xi32>
    %rev3A_1430 = arith.subi %rev3A_1428, %rev3A_1429 : vector<16xi32>
    %rev3A_1431 = tpu.dynamic_gather %min3A_1426[%rev3A_1430] in [0] : vector<16xf32>, vector<16xi32> -> vector<16xf32>
    %min3A_1432 = arith.minimumf %min3A_1426, %rev3A_1431 : vector<16xf32>
    %slice3A_1433 = vector.extract_strided_slice %min3A_1432 {offsets = [0], sizes = [1], strides = [1]} : vector<16xf32> to vector<1xf32>
    %squeeze3A_1434 = vector.extract %slice3A_1433[0] : f32 from vector<1xf32>
    %slice3A_1435 = vector.extract_strided_slice %min3A_1432 {offsets = [1], sizes = [1], strides = [1]} : vector<16xf32> to vector<1xf32>
    %squeeze3A_1436 = vector.extract %slice3A_1435[0] : f32 from vector<1xf32>
    %min3A_1437 = arith.minimumf %squeeze3A_1434, %squeeze3A_1436 : f32
    %slice3A_1438 = vector.extract_strided_slice %min3A_1432 {offsets = [2], sizes = [1], strides = [1]} : vector<16xf32> to vector<1xf32>
    %squeeze3A_1439 = vector.extract %slice3A_1438[0] : f32 from vector<1xf32>
    %min3A_1440 = arith.minimumf %min3A_1437, %squeeze3A_1439 : f32
    %slice3A_1441 = vector.extract_strided_slice %min3A_1432 {offsets = [3], sizes = [1], strides = [1]} : vector<16xf32> to vector<1xf32>
    %squeeze3A_1442 = vector.extract %slice3A_1441[0] : f32 from vector<1xf32>
    %min3A_1443 = arith.minimumf %min3A_1440, %squeeze3A_1442 : f32
    %slice3A_1444 = vector.extract_strided_slice %min3A_1432 {offsets = [4], sizes = [1], strides = [1]} : vector<16xf32> to vector<1xf32>
    %squeeze3A_1445 = vector.extract %slice3A_1444[0] : f32 from vector<1xf32>
    %min3A_1446 = arith.minimumf %min3A_1443, %squeeze3A_1445 : f32
    %slice3A_1447 = vector.extract_strided_slice %min3A_1432 {offsets = [5], sizes = [1], strides = [1]} : vector<16xf32> to vector<1xf32>
    %squeeze3A_1448 = vector.extract %slice3A_1447[0] : f32 from vector<1xf32>
    %min3A_1449 = arith.minimumf %min3A_1446, %squeeze3A_1448 : f32
    %slice3A_1450 = vector.extract_strided_slice %min3A_1432 {offsets = [6], sizes = [1], strides = [1]} : vector<16xf32> to vector<1xf32>
    %squeeze3A_1451 = vector.extract %slice3A_1450[0] : f32 from vector<1xf32>
    %min3A_1452 = arith.minimumf %min3A_1449, %squeeze3A_1451 : f32
    %slice3A_1453 = vector.extract_strided_slice %min3A_1432 {offsets = [7], sizes = [1], strides = [1]} : vector<16xf32> to vector<1xf32>
    %squeeze3A_1454 = vector.extract %slice3A_1453[0] : f32 from vector<1xf32>
    %min3A_1455 = arith.minimumf %min3A_1452, %squeeze3A_1454 : f32
    %add3A_1456 = arith.constant 0.000000e+00 : f32
    %add3A_1457 = vector.broadcast %add3A_1456 : f32 to vector<16xf32>
    %add3A_1458 = arith.addf %convert_element_type3A, %add3A_1457 : vector<16xf32>
    %eq3A_1459 = vector.broadcast %min3A_1455 : f32 to vector<16xf32>
    %eq3A_1460 = arith.cmpf oeq, %add3A_1458, %eq3A_1459 : vector<16xf32>
    %jit3A_1461 = arith.constant 0xFF800000 : f32
    %broadcast_in_dim3A_1462 = vector.broadcast %jit3A_1461 : f32 to vector<16xf32>
    %select_n3A_1463 = arith.select %eq3A_1460, %broadcast_in_dim3A_1462, %get3A_1344 : vector<16xi1>, vector<16xf32>
    %add3A_1464 = arith.constant 1.600000e+01 : f32
    %add3A_1465 = vector.broadcast %add3A_1464 : f32 to vector<16xf32>
    %add3A_1466 = arith.addf %convert_element_type3A, %add3A_1465 : vector<16xf32>
    %eq3A_1467 = vector.broadcast %min3A_1455 : f32 to vector<16xf32>
    %eq3A_1468 = arith.cmpf oeq, %add3A_1466, %eq3A_1467 : vector<16xf32>
    %jit3A_1469 = arith.constant 0xFF800000 : f32
    %broadcast_in_dim3A_1470 = vector.broadcast %jit3A_1469 : f32 to vector<16xf32>
    %select_n3A_1471 = arith.select %eq3A_1468, %broadcast_in_dim3A_1470, %get3A_1349 : vector<16xi1>, vector<16xf32>
    %add3A_1472 = arith.constant 3.200000e+01 : f32
    %add3A_1473 = vector.broadcast %add3A_1472 : f32 to vector<16xf32>
    %add3A_1474 = arith.addf %convert_element_type3A, %add3A_1473 : vector<16xf32>
    %eq3A_1475 = vector.broadcast %min3A_1455 : f32 to vector<16xf32>
    %eq3A_1476 = arith.cmpf oeq, %add3A_1474, %eq3A_1475 : vector<16xf32>
    %jit3A_1477 = arith.constant 0xFF800000 : f32
    %broadcast_in_dim3A_1478 = vector.broadcast %jit3A_1477 : f32 to vector<16xf32>
    %select_n3A_1479 = arith.select %eq3A_1476, %broadcast_in_dim3A_1478, %get3A_1354 : vector<16xi1>, vector<16xf32>
    %add3A_1480 = arith.constant 4.800000e+01 : f32
    %add3A_1481 = vector.broadcast %add3A_1480 : f32 to vector<16xf32>
    %add3A_1482 = arith.addf %convert_element_type3A, %add3A_1481 : vector<16xf32>
    %eq3A_1483 = vector.broadcast %min3A_1455 : f32 to vector<16xf32>
    %eq3A_1484 = arith.cmpf oeq, %add3A_1482, %eq3A_1483 : vector<16xf32>
    %jit3A_1485 = arith.constant 0xFF800000 : f32
    %broadcast_in_dim3A_1486 = vector.broadcast %jit3A_1485 : f32 to vector<16xf32>
    %select_n3A_1487 = arith.select %eq3A_1484, %broadcast_in_dim3A_1486, %get3A_1359 : vector<16xi1>, vector<16xf32>
    %max3A_1488 = arith.maximumf %select_n3A_1463, %select_n3A_1471 : vector<16xf32>
    %max3A_1489 = arith.maximumf %select_n3A_1479, %select_n3A_1487 : vector<16xf32>
    %max3A_1490 = arith.maximumf %max3A_1488, %max3A_1489 : vector<16xf32>
    %rev3A_1491 = arith.constant 15 : i32
    %rev3A_1492 = vector.broadcast %rev3A_1491 : i32 to vector<16xi32>
    %rev3A_1493 = tpu.iota {dimensions = array<i32: 0>} : vector<16xi32>
    %rev3A_1494 = arith.subi %rev3A_1492, %rev3A_1493 : vector<16xi32>
    %rev3A_1495 = tpu.dynamic_gather %max3A_1490[%rev3A_1494] in [0] : vector<16xf32>, vector<16xi32> -> vector<16xf32>
    %max3A_1496 = arith.maximumf %max3A_1490, %rev3A_1495 : vector<16xf32>
    %slice3A_1497 = vector.extract_strided_slice %max3A_1496 {offsets = [0], sizes = [1], strides = [1]} : vector<16xf32> to vector<1xf32>
    %squeeze3A_1498 = vector.extract %slice3A_1497[0] : f32 from vector<1xf32>
    %slice3A_1499 = vector.extract_strided_slice %max3A_1496 {offsets = [1], sizes = [1], strides = [1]} : vector<16xf32> to vector<1xf32>
    %squeeze3A_1500 = vector.extract %slice3A_1499[0] : f32 from vector<1xf32>
    %max3A_1501 = arith.maximumf %squeeze3A_1498, %squeeze3A_1500 : f32
    %slice3A_1502 = vector.extract_strided_slice %max3A_1496 {offsets = [2], sizes = [1], strides = [1]} : vector<16xf32> to vector<1xf32>
    %squeeze3A_1503 = vector.extract %slice3A_1502[0] : f32 from vector<1xf32>
    %max3A_1504 = arith.maximumf %max3A_1501, %squeeze3A_1503 : f32
    %slice3A_1505 = vector.extract_strided_slice %max3A_1496 {offsets = [3], sizes = [1], strides = [1]} : vector<16xf32> to vector<1xf32>
    %squeeze3A_1506 = vector.extract %slice3A_1505[0] : f32 from vector<1xf32>
    %max3A_1507 = arith.maximumf %max3A_1504, %squeeze3A_1506 : f32
    %slice3A_1508 = vector.extract_strided_slice %max3A_1496 {offsets = [4], sizes = [1], strides = [1]} : vector<16xf32> to vector<1xf32>
    %squeeze3A_1509 = vector.extract %slice3A_1508[0] : f32 from vector<1xf32>
    %max3A_1510 = arith.maximumf %max3A_1507, %squeeze3A_1509 : f32
    %slice3A_1511 = vector.extract_strided_slice %max3A_1496 {offsets = [5], sizes = [1], strides = [1]} : vector<16xf32> to vector<1xf32>
    %squeeze3A_1512 = vector.extract %slice3A_1511[0] : f32 from vector<1xf32>
    %max3A_1513 = arith.maximumf %max3A_1510, %squeeze3A_1512 : f32
    %slice3A_1514 = vector.extract_strided_slice %max3A_1496 {offsets = [6], sizes = [1], strides = [1]} : vector<16xf32> to vector<1xf32>
    %squeeze3A_1515 = vector.extract %slice3A_1514[0] : f32 from vector<1xf32>
    %max3A_1516 = arith.maximumf %max3A_1513, %squeeze3A_1515 : f32
    %slice3A_1517 = vector.extract_strided_slice %max3A_1496 {offsets = [7], sizes = [1], strides = [1]} : vector<16xf32> to vector<1xf32>
    %squeeze3A_1518 = vector.extract %slice3A_1517[0] : f32 from vector<1xf32>
    %max3A_1519 = arith.maximumf %max3A_1516, %squeeze3A_1518 : f32
    %eq3A_1520 = vector.broadcast %max3A_1519 : f32 to vector<16xf32>
    %eq3A_1521 = arith.cmpf oeq, %select_n3A_1463, %eq3A_1520 : vector<16xf32>
    %add3A_1522 = arith.constant 0.000000e+00 : f32
    %add3A_1523 = vector.broadcast %add3A_1522 : f32 to vector<16xf32>
    %add3A_1524 = arith.addf %convert_element_type3A, %add3A_1523 : vector<16xf32>
    %jit3A_1525 = arith.constant 6.400000e+01 : f32
    %broadcast_in_dim3A_1526 = vector.broadcast %jit3A_1525 : f32 to vector<16xf32>
    %select_n3A_1527 = arith.select %eq3A_1521, %add3A_1524, %broadcast_in_dim3A_1526 : vector<16xi1>, vector<16xf32>
    %eq3A_1528 = vector.broadcast %max3A_1519 : f32 to vector<16xf32>
    %eq3A_1529 = arith.cmpf oeq, %select_n3A_1471, %eq3A_1528 : vector<16xf32>
    %add3A_1530 = arith.constant 1.600000e+01 : f32
    %add3A_1531 = vector.broadcast %add3A_1530 : f32 to vector<16xf32>
    %add3A_1532 = arith.addf %convert_element_type3A, %add3A_1531 : vector<16xf32>
    %jit3A_1533 = arith.constant 6.400000e+01 : f32
    %broadcast_in_dim3A_1534 = vector.broadcast %jit3A_1533 : f32 to vector<16xf32>
    %select_n3A_1535 = arith.select %eq3A_1529, %add3A_1532, %broadcast_in_dim3A_1534 : vector<16xi1>, vector<16xf32>
    %eq3A_1536 = vector.broadcast %max3A_1519 : f32 to vector<16xf32>
    %eq3A_1537 = arith.cmpf oeq, %select_n3A_1479, %eq3A_1536 : vector<16xf32>
    %add3A_1538 = arith.constant 3.200000e+01 : f32
    %add3A_1539 = vector.broadcast %add3A_1538 : f32 to vector<16xf32>
    %add3A_1540 = arith.addf %convert_element_type3A, %add3A_1539 : vector<16xf32>
    %jit3A_1541 = arith.constant 6.400000e+01 : f32
    %broadcast_in_dim3A_1542 = vector.broadcast %jit3A_1541 : f32 to vector<16xf32>
    %select_n3A_1543 = arith.select %eq3A_1537, %add3A_1540, %broadcast_in_dim3A_1542 : vector<16xi1>, vector<16xf32>
    %eq3A_1544 = vector.broadcast %max3A_1519 : f32 to vector<16xf32>
    %eq3A_1545 = arith.cmpf oeq, %select_n3A_1487, %eq3A_1544 : vector<16xf32>
    %add3A_1546 = arith.constant 4.800000e+01 : f32
    %add3A_1547 = vector.broadcast %add3A_1546 : f32 to vector<16xf32>
    %add3A_1548 = arith.addf %convert_element_type3A, %add3A_1547 : vector<16xf32>
    %jit3A_1549 = arith.constant 6.400000e+01 : f32
    %broadcast_in_dim3A_1550 = vector.broadcast %jit3A_1549 : f32 to vector<16xf32>
    %select_n3A_1551 = arith.select %eq3A_1545, %add3A_1548, %broadcast_in_dim3A_1550 : vector<16xi1>, vector<16xf32>
    %min3A_1552 = arith.minimumf %select_n3A_1527, %select_n3A_1535 : vector<16xf32>
    %min3A_1553 = arith.minimumf %select_n3A_1543, %select_n3A_1551 : vector<16xf32>
    %min3A_1554 = arith.minimumf %min3A_1552, %min3A_1553 : vector<16xf32>
    %rev3A_1555 = arith.constant 15 : i32
    %rev3A_1556 = vector.broadcast %rev3A_1555 : i32 to vector<16xi32>
    %rev3A_1557 = tpu.iota {dimensions = array<i32: 0>} : vector<16xi32>
    %rev3A_1558 = arith.subi %rev3A_1556, %rev3A_1557 : vector<16xi32>
    %rev3A_1559 = tpu.dynamic_gather %min3A_1554[%rev3A_1558] in [0] : vector<16xf32>, vector<16xi32> -> vector<16xf32>
    %min3A_1560 = arith.minimumf %min3A_1554, %rev3A_1559 : vector<16xf32>
    %slice3A_1561 = vector.extract_strided_slice %min3A_1560 {offsets = [0], sizes = [1], strides = [1]} : vector<16xf32> to vector<1xf32>
    %squeeze3A_1562 = vector.extract %slice3A_1561[0] : f32 from vector<1xf32>
    %slice3A_1563 = vector.extract_strided_slice %min3A_1560 {offsets = [1], sizes = [1], strides = [1]} : vector<16xf32> to vector<1xf32>
    %squeeze3A_1564 = vector.extract %slice3A_1563[0] : f32 from vector<1xf32>
    %min3A_1565 = arith.minimumf %squeeze3A_1562, %squeeze3A_1564 : f32
    %slice3A_1566 = vector.extract_strided_slice %min3A_1560 {offsets = [2], sizes = [1], strides = [1]} : vector<16xf32> to vector<1xf32>
    %squeeze3A_1567 = vector.extract %slice3A_1566[0] : f32 from vector<1xf32>
    %min3A_1568 = arith.minimumf %min3A_1565, %squeeze3A_1567 : f32
    %slice3A_1569 = vector.extract_strided_slice %min3A_1560 {offsets = [3], sizes = [1], strides = [1]} : vector<16xf32> to vector<1xf32>
    %squeeze3A_1570 = vector.extract %slice3A_1569[0] : f32 from vector<1xf32>
    %min3A_1571 = arith.minimumf %min3A_1568, %squeeze3A_1570 : f32
    %slice3A_1572 = vector.extract_strided_slice %min3A_1560 {offsets = [4], sizes = [1], strides = [1]} : vector<16xf32> to vector<1xf32>
    %squeeze3A_1573 = vector.extract %slice3A_1572[0] : f32 from vector<1xf32>
    %min3A_1574 = arith.minimumf %min3A_1571, %squeeze3A_1573 : f32
    %slice3A_1575 = vector.extract_strided_slice %min3A_1560 {offsets = [5], sizes = [1], strides = [1]} : vector<16xf32> to vector<1xf32>
    %squeeze3A_1576 = vector.extract %slice3A_1575[0] : f32 from vector<1xf32>
    %min3A_1577 = arith.minimumf %min3A_1574, %squeeze3A_1576 : f32
    %slice3A_1578 = vector.extract_strided_slice %min3A_1560 {offsets = [6], sizes = [1], strides = [1]} : vector<16xf32> to vector<1xf32>
    %squeeze3A_1579 = vector.extract %slice3A_1578[0] : f32 from vector<1xf32>
    %min3A_1580 = arith.minimumf %min3A_1577, %squeeze3A_1579 : f32
    %slice3A_1581 = vector.extract_strided_slice %min3A_1560 {offsets = [7], sizes = [1], strides = [1]} : vector<16xf32> to vector<1xf32>
    %squeeze3A_1582 = vector.extract %slice3A_1581[0] : f32 from vector<1xf32>
    %min3A_1583 = arith.minimumf %min3A_1580, %squeeze3A_1582 : f32
    %add3A_1584 = arith.constant 0.000000e+00 : f32
    %add3A_1585 = vector.broadcast %add3A_1584 : f32 to vector<16xf32>
    %add3A_1586 = arith.addf %convert_element_type3A, %add3A_1585 : vector<16xf32>
    %eq3A_1587 = vector.broadcast %min3A_1583 : f32 to vector<16xf32>
    %eq3A_1588 = arith.cmpf oeq, %add3A_1586, %eq3A_1587 : vector<16xf32>
    %jit3A_1589 = arith.constant 0xFF800000 : f32
    %broadcast_in_dim3A_1590 = vector.broadcast %jit3A_1589 : f32 to vector<16xf32>
    %select_n3A_1591 = arith.select %eq3A_1588, %broadcast_in_dim3A_1590, %select_n3A_1463 : vector<16xi1>, vector<16xf32>
    %add3A_1592 = arith.constant 1.600000e+01 : f32
    %add3A_1593 = vector.broadcast %add3A_1592 : f32 to vector<16xf32>
    %add3A_1594 = arith.addf %convert_element_type3A, %add3A_1593 : vector<16xf32>
    %eq3A_1595 = vector.broadcast %min3A_1583 : f32 to vector<16xf32>
    %eq3A_1596 = arith.cmpf oeq, %add3A_1594, %eq3A_1595 : vector<16xf32>
    %jit3A_1597 = arith.constant 0xFF800000 : f32
    %broadcast_in_dim3A_1598 = vector.broadcast %jit3A_1597 : f32 to vector<16xf32>
    %select_n3A_1599 = arith.select %eq3A_1596, %broadcast_in_dim3A_1598, %select_n3A_1471 : vector<16xi1>, vector<16xf32>
    %add3A_1600 = arith.constant 3.200000e+01 : f32
    %add3A_1601 = vector.broadcast %add3A_1600 : f32 to vector<16xf32>
    %add3A_1602 = arith.addf %convert_element_type3A, %add3A_1601 : vector<16xf32>
    %eq3A_1603 = vector.broadcast %min3A_1583 : f32 to vector<16xf32>
    %eq3A_1604 = arith.cmpf oeq, %add3A_1602, %eq3A_1603 : vector<16xf32>
    %jit3A_1605 = arith.constant 0xFF800000 : f32
    %broadcast_in_dim3A_1606 = vector.broadcast %jit3A_1605 : f32 to vector<16xf32>
    %select_n3A_1607 = arith.select %eq3A_1604, %broadcast_in_dim3A_1606, %select_n3A_1479 : vector<16xi1>, vector<16xf32>
    %add3A_1608 = arith.constant 4.800000e+01 : f32
    %add3A_1609 = vector.broadcast %add3A_1608 : f32 to vector<16xf32>
    %add3A_1610 = arith.addf %convert_element_type3A, %add3A_1609 : vector<16xf32>
    %eq3A_1611 = vector.broadcast %min3A_1583 : f32 to vector<16xf32>
    %eq3A_1612 = arith.cmpf oeq, %add3A_1610, %eq3A_1611 : vector<16xf32>
    %jit3A_1613 = arith.constant 0xFF800000 : f32
    %broadcast_in_dim3A_1614 = vector.broadcast %jit3A_1613 : f32 to vector<16xf32>
    %select_n3A_1615 = arith.select %eq3A_1612, %broadcast_in_dim3A_1614, %select_n3A_1487 : vector<16xi1>, vector<16xf32>
    %max3A_1616 = arith.maximumf %select_n3A_1591, %select_n3A_1599 : vector<16xf32>
    %max3A_1617 = arith.maximumf %select_n3A_1607, %select_n3A_1615 : vector<16xf32>
    %max3A_1618 = arith.maximumf %max3A_1616, %max3A_1617 : vector<16xf32>
    %rev3A_1619 = arith.constant 15 : i32
    %rev3A_1620 = vector.broadcast %rev3A_1619 : i32 to vector<16xi32>
    %rev3A_1621 = tpu.iota {dimensions = array<i32: 0>} : vector<16xi32>
    %rev3A_1622 = arith.subi %rev3A_1620, %rev3A_1621 : vector<16xi32>
    %rev3A_1623 = tpu.dynamic_gather %max3A_1618[%rev3A_1622] in [0] : vector<16xf32>, vector<16xi32> -> vector<16xf32>
    %max3A_1624 = arith.maximumf %max3A_1618, %rev3A_1623 : vector<16xf32>
    %slice3A_1625 = vector.extract_strided_slice %max3A_1624 {offsets = [0], sizes = [1], strides = [1]} : vector<16xf32> to vector<1xf32>
    %squeeze3A_1626 = vector.extract %slice3A_1625[0] : f32 from vector<1xf32>
    %slice3A_1627 = vector.extract_strided_slice %max3A_1624 {offsets = [1], sizes = [1], strides = [1]} : vector<16xf32> to vector<1xf32>
    %squeeze3A_1628 = vector.extract %slice3A_1627[0] : f32 from vector<1xf32>
    %max3A_1629 = arith.maximumf %squeeze3A_1626, %squeeze3A_1628 : f32
    %slice3A_1630 = vector.extract_strided_slice %max3A_1624 {offsets = [2], sizes = [1], strides = [1]} : vector<16xf32> to vector<1xf32>
    %squeeze3A_1631 = vector.extract %slice3A_1630[0] : f32 from vector<1xf32>
    %max3A_1632 = arith.maximumf %max3A_1629, %squeeze3A_1631 : f32
    %slice3A_1633 = vector.extract_strided_slice %max3A_1624 {offsets = [3], sizes = [1], strides = [1]} : vector<16xf32> to vector<1xf32>
    %squeeze3A_1634 = vector.extract %slice3A_1633[0] : f32 from vector<1xf32>
    %max3A_1635 = arith.maximumf %max3A_1632, %squeeze3A_1634 : f32
    %slice3A_1636 = vector.extract_strided_slice %max3A_1624 {offsets = [4], sizes = [1], strides = [1]} : vector<16xf32> to vector<1xf32>
    %squeeze3A_1637 = vector.extract %slice3A_1636[0] : f32 from vector<1xf32>
    %max3A_1638 = arith.maximumf %max3A_1635, %squeeze3A_1637 : f32
    %slice3A_1639 = vector.extract_strided_slice %max3A_1624 {offsets = [5], sizes = [1], strides = [1]} : vector<16xf32> to vector<1xf32>
    %squeeze3A_1640 = vector.extract %slice3A_1639[0] : f32 from vector<1xf32>
    %max3A_1641 = arith.maximumf %max3A_1638, %squeeze3A_1640 : f32
    %slice3A_1642 = vector.extract_strided_slice %max3A_1624 {offsets = [6], sizes = [1], strides = [1]} : vector<16xf32> to vector<1xf32>
    %squeeze3A_1643 = vector.extract %slice3A_1642[0] : f32 from vector<1xf32>
    %max3A_1644 = arith.maximumf %max3A_1641, %squeeze3A_1643 : f32
    %slice3A_1645 = vector.extract_strided_slice %max3A_1624 {offsets = [7], sizes = [1], strides = [1]} : vector<16xf32> to vector<1xf32>
    %squeeze3A_1646 = vector.extract %slice3A_1645[0] : f32 from vector<1xf32>
    %max3A_1647 = arith.maximumf %max3A_1644, %squeeze3A_1646 : f32
    %eq3A_1648 = vector.broadcast %max3A_1647 : f32 to vector<16xf32>
    %eq3A_1649 = arith.cmpf oeq, %select_n3A_1591, %eq3A_1648 : vector<16xf32>
    %add3A_1650 = arith.constant 0.000000e+00 : f32
    %add3A_1651 = vector.broadcast %add3A_1650 : f32 to vector<16xf32>
    %add3A_1652 = arith.addf %convert_element_type3A, %add3A_1651 : vector<16xf32>
    %jit3A_1653 = arith.constant 6.400000e+01 : f32
    %broadcast_in_dim3A_1654 = vector.broadcast %jit3A_1653 : f32 to vector<16xf32>
    %select_n3A_1655 = arith.select %eq3A_1649, %add3A_1652, %broadcast_in_dim3A_1654 : vector<16xi1>, vector<16xf32>
    %eq3A_1656 = vector.broadcast %max3A_1647 : f32 to vector<16xf32>
    %eq3A_1657 = arith.cmpf oeq, %select_n3A_1599, %eq3A_1656 : vector<16xf32>
    %add3A_1658 = arith.constant 1.600000e+01 : f32
    %add3A_1659 = vector.broadcast %add3A_1658 : f32 to vector<16xf32>
    %add3A_1660 = arith.addf %convert_element_type3A, %add3A_1659 : vector<16xf32>
    %jit3A_1661 = arith.constant 6.400000e+01 : f32
    %broadcast_in_dim3A_1662 = vector.broadcast %jit3A_1661 : f32 to vector<16xf32>
    %select_n3A_1663 = arith.select %eq3A_1657, %add3A_1660, %broadcast_in_dim3A_1662 : vector<16xi1>, vector<16xf32>
    %eq3A_1664 = vector.broadcast %max3A_1647 : f32 to vector<16xf32>
    %eq3A_1665 = arith.cmpf oeq, %select_n3A_1607, %eq3A_1664 : vector<16xf32>
    %add3A_1666 = arith.constant 3.200000e+01 : f32
    %add3A_1667 = vector.broadcast %add3A_1666 : f32 to vector<16xf32>
    %add3A_1668 = arith.addf %convert_element_type3A, %add3A_1667 : vector<16xf32>
    %jit3A_1669 = arith.constant 6.400000e+01 : f32
    %broadcast_in_dim3A_1670 = vector.broadcast %jit3A_1669 : f32 to vector<16xf32>
    %select_n3A_1671 = arith.select %eq3A_1665, %add3A_1668, %broadcast_in_dim3A_1670 : vector<16xi1>, vector<16xf32>
    %eq3A_1672 = vector.broadcast %max3A_1647 : f32 to vector<16xf32>
    %eq3A_1673 = arith.cmpf oeq, %select_n3A_1615, %eq3A_1672 : vector<16xf32>
    %add3A_1674 = arith.constant 4.800000e+01 : f32
    %add3A_1675 = vector.broadcast %add3A_1674 : f32 to vector<16xf32>
    %add3A_1676 = arith.addf %convert_element_type3A, %add3A_1675 : vector<16xf32>
    %jit3A_1677 = arith.constant 6.400000e+01 : f32
    %broadcast_in_dim3A_1678 = vector.broadcast %jit3A_1677 : f32 to vector<16xf32>
    %select_n3A_1679 = arith.select %eq3A_1673, %add3A_1676, %broadcast_in_dim3A_1678 : vector<16xi1>, vector<16xf32>
    %min3A_1680 = arith.minimumf %select_n3A_1655, %select_n3A_1663 : vector<16xf32>
    %min3A_1681 = arith.minimumf %select_n3A_1671, %select_n3A_1679 : vector<16xf32>
    %min3A_1682 = arith.minimumf %min3A_1680, %min3A_1681 : vector<16xf32>
    %rev3A_1683 = arith.constant 15 : i32
    %rev3A_1684 = vector.broadcast %rev3A_1683 : i32 to vector<16xi32>
    %rev3A_1685 = tpu.iota {dimensions = array<i32: 0>} : vector<16xi32>
    %rev3A_1686 = arith.subi %rev3A_1684, %rev3A_1685 : vector<16xi32>
    %rev3A_1687 = tpu.dynamic_gather %min3A_1682[%rev3A_1686] in [0] : vector<16xf32>, vector<16xi32> -> vector<16xf32>
    %min3A_1688 = arith.minimumf %min3A_1682, %rev3A_1687 : vector<16xf32>
    %slice3A_1689 = vector.extract_strided_slice %min3A_1688 {offsets = [0], sizes = [1], strides = [1]} : vector<16xf32> to vector<1xf32>
    %squeeze3A_1690 = vector.extract %slice3A_1689[0] : f32 from vector<1xf32>
    %slice3A_1691 = vector.extract_strided_slice %min3A_1688 {offsets = [1], sizes = [1], strides = [1]} : vector<16xf32> to vector<1xf32>
    %squeeze3A_1692 = vector.extract %slice3A_1691[0] : f32 from vector<1xf32>
    %min3A_1693 = arith.minimumf %squeeze3A_1690, %squeeze3A_1692 : f32
    %slice3A_1694 = vector.extract_strided_slice %min3A_1688 {offsets = [2], sizes = [1], strides = [1]} : vector<16xf32> to vector<1xf32>
    %squeeze3A_1695 = vector.extract %slice3A_1694[0] : f32 from vector<1xf32>
    %min3A_1696 = arith.minimumf %min3A_1693, %squeeze3A_1695 : f32
    %slice3A_1697 = vector.extract_strided_slice %min3A_1688 {offsets = [3], sizes = [1], strides = [1]} : vector<16xf32> to vector<1xf32>
    %squeeze3A_1698 = vector.extract %slice3A_1697[0] : f32 from vector<1xf32>
    %min3A_1699 = arith.minimumf %min3A_1696, %squeeze3A_1698 : f32
    %slice3A_1700 = vector.extract_strided_slice %min3A_1688 {offsets = [4], sizes = [1], strides = [1]} : vector<16xf32> to vector<1xf32>
    %squeeze3A_1701 = vector.extract %slice3A_1700[0] : f32 from vector<1xf32>
    %min3A_1702 = arith.minimumf %min3A_1699, %squeeze3A_1701 : f32
    %slice3A_1703 = vector.extract_strided_slice %min3A_1688 {offsets = [5], sizes = [1], strides = [1]} : vector<16xf32> to vector<1xf32>
    %squeeze3A_1704 = vector.extract %slice3A_1703[0] : f32 from vector<1xf32>
    %min3A_1705 = arith.minimumf %min3A_1702, %squeeze3A_1704 : f32
    %slice3A_1706 = vector.extract_strided_slice %min3A_1688 {offsets = [6], sizes = [1], strides = [1]} : vector<16xf32> to vector<1xf32>
    %squeeze3A_1707 = vector.extract %slice3A_1706[0] : f32 from vector<1xf32>
    %min3A_1708 = arith.minimumf %min3A_1705, %squeeze3A_1707 : f32
    %slice3A_1709 = vector.extract_strided_slice %min3A_1688 {offsets = [7], sizes = [1], strides = [1]} : vector<16xf32> to vector<1xf32>
    %squeeze3A_1710 = vector.extract %slice3A_1709[0] : f32 from vector<1xf32>
    %min3A_1711 = arith.minimumf %min3A_1708, %squeeze3A_1710 : f32
    %add3A_1712 = arith.constant 0.000000e+00 : f32
    %add3A_1713 = vector.broadcast %add3A_1712 : f32 to vector<16xf32>
    %add3A_1714 = arith.addf %convert_element_type3A, %add3A_1713 : vector<16xf32>
    %eq3A_1715 = vector.broadcast %min3A_1711 : f32 to vector<16xf32>
    %eq3A_1716 = arith.cmpf oeq, %add3A_1714, %eq3A_1715 : vector<16xf32>
    %jit3A_1717 = arith.constant 0xFF800000 : f32
    %broadcast_in_dim3A_1718 = vector.broadcast %jit3A_1717 : f32 to vector<16xf32>
    %select_n3A_1719 = arith.select %eq3A_1716, %broadcast_in_dim3A_1718, %select_n3A_1591 : vector<16xi1>, vector<16xf32>
    %add3A_1720 = arith.constant 1.600000e+01 : f32
    %add3A_1721 = vector.broadcast %add3A_1720 : f32 to vector<16xf32>
    %add3A_1722 = arith.addf %convert_element_type3A, %add3A_1721 : vector<16xf32>
    %eq3A_1723 = vector.broadcast %min3A_1711 : f32 to vector<16xf32>
    %eq3A_1724 = arith.cmpf oeq, %add3A_1722, %eq3A_1723 : vector<16xf32>
    %jit3A_1725 = arith.constant 0xFF800000 : f32
    %broadcast_in_dim3A_1726 = vector.broadcast %jit3A_1725 : f32 to vector<16xf32>
    %select_n3A_1727 = arith.select %eq3A_1724, %broadcast_in_dim3A_1726, %select_n3A_1599 : vector<16xi1>, vector<16xf32>
    %add3A_1728 = arith.constant 3.200000e+01 : f32
    %add3A_1729 = vector.broadcast %add3A_1728 : f32 to vector<16xf32>
    %add3A_1730 = arith.addf %convert_element_type3A, %add3A_1729 : vector<16xf32>
    %eq3A_1731 = vector.broadcast %min3A_1711 : f32 to vector<16xf32>
    %eq3A_1732 = arith.cmpf oeq, %add3A_1730, %eq3A_1731 : vector<16xf32>
    %jit3A_1733 = arith.constant 0xFF800000 : f32
    %broadcast_in_dim3A_1734 = vector.broadcast %jit3A_1733 : f32 to vector<16xf32>
    %select_n3A_1735 = arith.select %eq3A_1732, %broadcast_in_dim3A_1734, %select_n3A_1607 : vector<16xi1>, vector<16xf32>
    %add3A_1736 = arith.constant 4.800000e+01 : f32
    %add3A_1737 = vector.broadcast %add3A_1736 : f32 to vector<16xf32>
    %add3A_1738 = arith.addf %convert_element_type3A, %add3A_1737 : vector<16xf32>
    %eq3A_1739 = vector.broadcast %min3A_1711 : f32 to vector<16xf32>
    %eq3A_1740 = arith.cmpf oeq, %add3A_1738, %eq3A_1739 : vector<16xf32>
    %jit3A_1741 = arith.constant 0xFF800000 : f32
    %broadcast_in_dim3A_1742 = vector.broadcast %jit3A_1741 : f32 to vector<16xf32>
    %select_n3A_1743 = arith.select %eq3A_1740, %broadcast_in_dim3A_1742, %select_n3A_1615 : vector<16xi1>, vector<16xf32>
    %max3A_1744 = arith.maximumf %select_n3A_1719, %select_n3A_1727 : vector<16xf32>
    %max3A_1745 = arith.maximumf %select_n3A_1735, %select_n3A_1743 : vector<16xf32>
    %max3A_1746 = arith.maximumf %max3A_1744, %max3A_1745 : vector<16xf32>
    %rev3A_1747 = arith.constant 15 : i32
    %rev3A_1748 = vector.broadcast %rev3A_1747 : i32 to vector<16xi32>
    %rev3A_1749 = tpu.iota {dimensions = array<i32: 0>} : vector<16xi32>
    %rev3A_1750 = arith.subi %rev3A_1748, %rev3A_1749 : vector<16xi32>
    %rev3A_1751 = tpu.dynamic_gather %max3A_1746[%rev3A_1750] in [0] : vector<16xf32>, vector<16xi32> -> vector<16xf32>
    %max3A_1752 = arith.maximumf %max3A_1746, %rev3A_1751 : vector<16xf32>
    %slice3A_1753 = vector.extract_strided_slice %max3A_1752 {offsets = [0], sizes = [1], strides = [1]} : vector<16xf32> to vector<1xf32>
    %squeeze3A_1754 = vector.extract %slice3A_1753[0] : f32 from vector<1xf32>
    %slice3A_1755 = vector.extract_strided_slice %max3A_1752 {offsets = [1], sizes = [1], strides = [1]} : vector<16xf32> to vector<1xf32>
    %squeeze3A_1756 = vector.extract %slice3A_1755[0] : f32 from vector<1xf32>
    %max3A_1757 = arith.maximumf %squeeze3A_1754, %squeeze3A_1756 : f32
    %slice3A_1758 = vector.extract_strided_slice %max3A_1752 {offsets = [2], sizes = [1], strides = [1]} : vector<16xf32> to vector<1xf32>
    %squeeze3A_1759 = vector.extract %slice3A_1758[0] : f32 from vector<1xf32>
    %max3A_1760 = arith.maximumf %max3A_1757, %squeeze3A_1759 : f32
    %slice3A_1761 = vector.extract_strided_slice %max3A_1752 {offsets = [3], sizes = [1], strides = [1]} : vector<16xf32> to vector<1xf32>
    %squeeze3A_1762 = vector.extract %slice3A_1761[0] : f32 from vector<1xf32>
    %max3A_1763 = arith.maximumf %max3A_1760, %squeeze3A_1762 : f32
    %slice3A_1764 = vector.extract_strided_slice %max3A_1752 {offsets = [4], sizes = [1], strides = [1]} : vector<16xf32> to vector<1xf32>
    %squeeze3A_1765 = vector.extract %slice3A_1764[0] : f32 from vector<1xf32>
    %max3A_1766 = arith.maximumf %max3A_1763, %squeeze3A_1765 : f32
    %slice3A_1767 = vector.extract_strided_slice %max3A_1752 {offsets = [5], sizes = [1], strides = [1]} : vector<16xf32> to vector<1xf32>
    %squeeze3A_1768 = vector.extract %slice3A_1767[0] : f32 from vector<1xf32>
    %max3A_1769 = arith.maximumf %max3A_1766, %squeeze3A_1768 : f32
    %slice3A_1770 = vector.extract_strided_slice %max3A_1752 {offsets = [6], sizes = [1], strides = [1]} : vector<16xf32> to vector<1xf32>
    %squeeze3A_1771 = vector.extract %slice3A_1770[0] : f32 from vector<1xf32>
    %max3A_1772 = arith.maximumf %max3A_1769, %squeeze3A_1771 : f32
    %slice3A_1773 = vector.extract_strided_slice %max3A_1752 {offsets = [7], sizes = [1], strides = [1]} : vector<16xf32> to vector<1xf32>
    %squeeze3A_1774 = vector.extract %slice3A_1773[0] : f32 from vector<1xf32>
    %max3A_1775 = arith.maximumf %max3A_1772, %squeeze3A_1774 : f32
    %eq3A_1776 = vector.broadcast %max3A_1775 : f32 to vector<16xf32>
    %eq3A_1777 = arith.cmpf oeq, %select_n3A_1719, %eq3A_1776 : vector<16xf32>
    %add3A_1778 = arith.constant 0.000000e+00 : f32
    %add3A_1779 = vector.broadcast %add3A_1778 : f32 to vector<16xf32>
    %add3A_1780 = arith.addf %convert_element_type3A, %add3A_1779 : vector<16xf32>
    %jit3A_1781 = arith.constant 6.400000e+01 : f32
    %broadcast_in_dim3A_1782 = vector.broadcast %jit3A_1781 : f32 to vector<16xf32>
    %select_n3A_1783 = arith.select %eq3A_1777, %add3A_1780, %broadcast_in_dim3A_1782 : vector<16xi1>, vector<16xf32>
    %eq3A_1784 = vector.broadcast %max3A_1775 : f32 to vector<16xf32>
    %eq3A_1785 = arith.cmpf oeq, %select_n3A_1727, %eq3A_1784 : vector<16xf32>
    %add3A_1786 = arith.constant 1.600000e+01 : f32
    %add3A_1787 = vector.broadcast %add3A_1786 : f32 to vector<16xf32>
    %add3A_1788 = arith.addf %convert_element_type3A, %add3A_1787 : vector<16xf32>
    %jit3A_1789 = arith.constant 6.400000e+01 : f32
    %broadcast_in_dim3A_1790 = vector.broadcast %jit3A_1789 : f32 to vector<16xf32>
    %select_n3A_1791 = arith.select %eq3A_1785, %add3A_1788, %broadcast_in_dim3A_1790 : vector<16xi1>, vector<16xf32>
    %eq3A_1792 = vector.broadcast %max3A_1775 : f32 to vector<16xf32>
    %eq3A_1793 = arith.cmpf oeq, %select_n3A_1735, %eq3A_1792 : vector<16xf32>
    %add3A_1794 = arith.constant 3.200000e+01 : f32
    %add3A_1795 = vector.broadcast %add3A_1794 : f32 to vector<16xf32>
    %add3A_1796 = arith.addf %convert_element_type3A, %add3A_1795 : vector<16xf32>
    %jit3A_1797 = arith.constant 6.400000e+01 : f32
    %broadcast_in_dim3A_1798 = vector.broadcast %jit3A_1797 : f32 to vector<16xf32>
    %select_n3A_1799 = arith.select %eq3A_1793, %add3A_1796, %broadcast_in_dim3A_1798 : vector<16xi1>, vector<16xf32>
    %eq3A_1800 = vector.broadcast %max3A_1775 : f32 to vector<16xf32>
    %eq3A_1801 = arith.cmpf oeq, %select_n3A_1743, %eq3A_1800 : vector<16xf32>
    %add3A_1802 = arith.constant 4.800000e+01 : f32
    %add3A_1803 = vector.broadcast %add3A_1802 : f32 to vector<16xf32>
    %add3A_1804 = arith.addf %convert_element_type3A, %add3A_1803 : vector<16xf32>
    %jit3A_1805 = arith.constant 6.400000e+01 : f32
    %broadcast_in_dim3A_1806 = vector.broadcast %jit3A_1805 : f32 to vector<16xf32>
    %select_n3A_1807 = arith.select %eq3A_1801, %add3A_1804, %broadcast_in_dim3A_1806 : vector<16xi1>, vector<16xf32>
    %min3A_1808 = arith.minimumf %select_n3A_1783, %select_n3A_1791 : vector<16xf32>
    %min3A_1809 = arith.minimumf %select_n3A_1799, %select_n3A_1807 : vector<16xf32>
    %min3A_1810 = arith.minimumf %min3A_1808, %min3A_1809 : vector<16xf32>
    %rev3A_1811 = arith.constant 15 : i32
    %rev3A_1812 = vector.broadcast %rev3A_1811 : i32 to vector<16xi32>
    %rev3A_1813 = tpu.iota {dimensions = array<i32: 0>} : vector<16xi32>
    %rev3A_1814 = arith.subi %rev3A_1812, %rev3A_1813 : vector<16xi32>
    %rev3A_1815 = tpu.dynamic_gather %min3A_1810[%rev3A_1814] in [0] : vector<16xf32>, vector<16xi32> -> vector<16xf32>
    %min3A_1816 = arith.minimumf %min3A_1810, %rev3A_1815 : vector<16xf32>
    %slice3A_1817 = vector.extract_strided_slice %min3A_1816 {offsets = [0], sizes = [1], strides = [1]} : vector<16xf32> to vector<1xf32>
    %squeeze3A_1818 = vector.extract %slice3A_1817[0] : f32 from vector<1xf32>
    %slice3A_1819 = vector.extract_strided_slice %min3A_1816 {offsets = [1], sizes = [1], strides = [1]} : vector<16xf32> to vector<1xf32>
    %squeeze3A_1820 = vector.extract %slice3A_1819[0] : f32 from vector<1xf32>
    %min3A_1821 = arith.minimumf %squeeze3A_1818, %squeeze3A_1820 : f32
    %slice3A_1822 = vector.extract_strided_slice %min3A_1816 {offsets = [2], sizes = [1], strides = [1]} : vector<16xf32> to vector<1xf32>
    %squeeze3A_1823 = vector.extract %slice3A_1822[0] : f32 from vector<1xf32>
    %min3A_1824 = arith.minimumf %min3A_1821, %squeeze3A_1823 : f32
    %slice3A_1825 = vector.extract_strided_slice %min3A_1816 {offsets = [3], sizes = [1], strides = [1]} : vector<16xf32> to vector<1xf32>
    %squeeze3A_1826 = vector.extract %slice3A_1825[0] : f32 from vector<1xf32>
    %min3A_1827 = arith.minimumf %min3A_1824, %squeeze3A_1826 : f32
    %slice3A_1828 = vector.extract_strided_slice %min3A_1816 {offsets = [4], sizes = [1], strides = [1]} : vector<16xf32> to vector<1xf32>
    %squeeze3A_1829 = vector.extract %slice3A_1828[0] : f32 from vector<1xf32>
    %min3A_1830 = arith.minimumf %min3A_1827, %squeeze3A_1829 : f32
    %slice3A_1831 = vector.extract_strided_slice %min3A_1816 {offsets = [5], sizes = [1], strides = [1]} : vector<16xf32> to vector<1xf32>
    %squeeze3A_1832 = vector.extract %slice3A_1831[0] : f32 from vector<1xf32>
    %min3A_1833 = arith.minimumf %min3A_1830, %squeeze3A_1832 : f32
    %slice3A_1834 = vector.extract_strided_slice %min3A_1816 {offsets = [6], sizes = [1], strides = [1]} : vector<16xf32> to vector<1xf32>
    %squeeze3A_1835 = vector.extract %slice3A_1834[0] : f32 from vector<1xf32>
    %min3A_1836 = arith.minimumf %min3A_1833, %squeeze3A_1835 : f32
    %slice3A_1837 = vector.extract_strided_slice %min3A_1816 {offsets = [7], sizes = [1], strides = [1]} : vector<16xf32> to vector<1xf32>
    %squeeze3A_1838 = vector.extract %slice3A_1837[0] : f32 from vector<1xf32>
    %min3A_1839 = arith.minimumf %min3A_1836, %squeeze3A_1838 : f32
    %add3A_1840 = arith.constant 0.000000e+00 : f32
    %add3A_1841 = vector.broadcast %add3A_1840 : f32 to vector<16xf32>
    %add3A_1842 = arith.addf %convert_element_type3A, %add3A_1841 : vector<16xf32>
    %eq3A_1843 = vector.broadcast %min3A_1839 : f32 to vector<16xf32>
    %eq3A_1844 = arith.cmpf oeq, %add3A_1842, %eq3A_1843 : vector<16xf32>
    %jit3A_1845 = arith.constant 0xFF800000 : f32
    %broadcast_in_dim3A_1846 = vector.broadcast %jit3A_1845 : f32 to vector<16xf32>
    %select_n3A_1847 = arith.select %eq3A_1844, %broadcast_in_dim3A_1846, %select_n3A_1719 : vector<16xi1>, vector<16xf32>
    %add3A_1848 = arith.constant 1.600000e+01 : f32
    %add3A_1849 = vector.broadcast %add3A_1848 : f32 to vector<16xf32>
    %add3A_1850 = arith.addf %convert_element_type3A, %add3A_1849 : vector<16xf32>
    %eq3A_1851 = vector.broadcast %min3A_1839 : f32 to vector<16xf32>
    %eq3A_1852 = arith.cmpf oeq, %add3A_1850, %eq3A_1851 : vector<16xf32>
    %jit3A_1853 = arith.constant 0xFF800000 : f32
    %broadcast_in_dim3A_1854 = vector.broadcast %jit3A_1853 : f32 to vector<16xf32>
    %select_n3A_1855 = arith.select %eq3A_1852, %broadcast_in_dim3A_1854, %select_n3A_1727 : vector<16xi1>, vector<16xf32>
    %add3A_1856 = arith.constant 3.200000e+01 : f32
    %add3A_1857 = vector.broadcast %add3A_1856 : f32 to vector<16xf32>
    %add3A_1858 = arith.addf %convert_element_type3A, %add3A_1857 : vector<16xf32>
    %eq3A_1859 = vector.broadcast %min3A_1839 : f32 to vector<16xf32>
    %eq3A_1860 = arith.cmpf oeq, %add3A_1858, %eq3A_1859 : vector<16xf32>
    %jit3A_1861 = arith.constant 0xFF800000 : f32
    %broadcast_in_dim3A_1862 = vector.broadcast %jit3A_1861 : f32 to vector<16xf32>
    %select_n3A_1863 = arith.select %eq3A_1860, %broadcast_in_dim3A_1862, %select_n3A_1735 : vector<16xi1>, vector<16xf32>
    %add3A_1864 = arith.constant 4.800000e+01 : f32
    %add3A_1865 = vector.broadcast %add3A_1864 : f32 to vector<16xf32>
    %add3A_1866 = arith.addf %convert_element_type3A, %add3A_1865 : vector<16xf32>
    %eq3A_1867 = vector.broadcast %min3A_1839 : f32 to vector<16xf32>
    %eq3A_1868 = arith.cmpf oeq, %add3A_1866, %eq3A_1867 : vector<16xf32>
    %jit3A_1869 = arith.constant 0xFF800000 : f32
    %broadcast_in_dim3A_1870 = vector.broadcast %jit3A_1869 : f32 to vector<16xf32>
    %select_n3A_1871 = arith.select %eq3A_1868, %broadcast_in_dim3A_1870, %select_n3A_1743 : vector<16xi1>, vector<16xf32>
    %max3A_1872 = arith.maximumf %select_n3A_1847, %select_n3A_1855 : vector<16xf32>
    %max3A_1873 = arith.maximumf %select_n3A_1863, %select_n3A_1871 : vector<16xf32>
    %max3A_1874 = arith.maximumf %max3A_1872, %max3A_1873 : vector<16xf32>
    %rev3A_1875 = arith.constant 15 : i32
    %rev3A_1876 = vector.broadcast %rev3A_1875 : i32 to vector<16xi32>
    %rev3A_1877 = tpu.iota {dimensions = array<i32: 0>} : vector<16xi32>
    %rev3A_1878 = arith.subi %rev3A_1876, %rev3A_1877 : vector<16xi32>
    %rev3A_1879 = tpu.dynamic_gather %max3A_1874[%rev3A_1878] in [0] : vector<16xf32>, vector<16xi32> -> vector<16xf32>
    %max3A_1880 = arith.maximumf %max3A_1874, %rev3A_1879 : vector<16xf32>
    %slice3A_1881 = vector.extract_strided_slice %max3A_1880 {offsets = [0], sizes = [1], strides = [1]} : vector<16xf32> to vector<1xf32>
    %squeeze3A_1882 = vector.extract %slice3A_1881[0] : f32 from vector<1xf32>
    %slice3A_1883 = vector.extract_strided_slice %max3A_1880 {offsets = [1], sizes = [1], strides = [1]} : vector<16xf32> to vector<1xf32>
    %squeeze3A_1884 = vector.extract %slice3A_1883[0] : f32 from vector<1xf32>
    %max3A_1885 = arith.maximumf %squeeze3A_1882, %squeeze3A_1884 : f32
    %slice3A_1886 = vector.extract_strided_slice %max3A_1880 {offsets = [2], sizes = [1], strides = [1]} : vector<16xf32> to vector<1xf32>
    %squeeze3A_1887 = vector.extract %slice3A_1886[0] : f32 from vector<1xf32>
    %max3A_1888 = arith.maximumf %max3A_1885, %squeeze3A_1887 : f32
    %slice3A_1889 = vector.extract_strided_slice %max3A_1880 {offsets = [3], sizes = [1], strides = [1]} : vector<16xf32> to vector<1xf32>
    %squeeze3A_1890 = vector.extract %slice3A_1889[0] : f32 from vector<1xf32>
    %max3A_1891 = arith.maximumf %max3A_1888, %squeeze3A_1890 : f32
    %slice3A_1892 = vector.extract_strided_slice %max3A_1880 {offsets = [4], sizes = [1], strides = [1]} : vector<16xf32> to vector<1xf32>
    %squeeze3A_1893 = vector.extract %slice3A_1892[0] : f32 from vector<1xf32>
    %max3A_1894 = arith.maximumf %max3A_1891, %squeeze3A_1893 : f32
    %slice3A_1895 = vector.extract_strided_slice %max3A_1880 {offsets = [5], sizes = [1], strides = [1]} : vector<16xf32> to vector<1xf32>
    %squeeze3A_1896 = vector.extract %slice3A_1895[0] : f32 from vector<1xf32>
    %max3A_1897 = arith.maximumf %max3A_1894, %squeeze3A_1896 : f32
    %slice3A_1898 = vector.extract_strided_slice %max3A_1880 {offsets = [6], sizes = [1], strides = [1]} : vector<16xf32> to vector<1xf32>
    %squeeze3A_1899 = vector.extract %slice3A_1898[0] : f32 from vector<1xf32>
    %max3A_1900 = arith.maximumf %max3A_1897, %squeeze3A_1899 : f32
    %slice3A_1901 = vector.extract_strided_slice %max3A_1880 {offsets = [7], sizes = [1], strides = [1]} : vector<16xf32> to vector<1xf32>
    %squeeze3A_1902 = vector.extract %slice3A_1901[0] : f32 from vector<1xf32>
    %max3A_1903 = arith.maximumf %max3A_1900, %squeeze3A_1902 : f32
    %eq3A_1904 = vector.broadcast %max3A_1903 : f32 to vector<16xf32>
    %eq3A_1905 = arith.cmpf oeq, %select_n3A_1847, %eq3A_1904 : vector<16xf32>
    %add3A_1906 = arith.constant 0.000000e+00 : f32
    %add3A_1907 = vector.broadcast %add3A_1906 : f32 to vector<16xf32>
    %add3A_1908 = arith.addf %convert_element_type3A, %add3A_1907 : vector<16xf32>
    %jit3A_1909 = arith.constant 6.400000e+01 : f32
    %broadcast_in_dim3A_1910 = vector.broadcast %jit3A_1909 : f32 to vector<16xf32>
    %select_n3A_1911 = arith.select %eq3A_1905, %add3A_1908, %broadcast_in_dim3A_1910 : vector<16xi1>, vector<16xf32>
    %eq3A_1912 = vector.broadcast %max3A_1903 : f32 to vector<16xf32>
    %eq3A_1913 = arith.cmpf oeq, %select_n3A_1855, %eq3A_1912 : vector<16xf32>
    %add3A_1914 = arith.constant 1.600000e+01 : f32
    %add3A_1915 = vector.broadcast %add3A_1914 : f32 to vector<16xf32>
    %add3A_1916 = arith.addf %convert_element_type3A, %add3A_1915 : vector<16xf32>
    %jit3A_1917 = arith.constant 6.400000e+01 : f32
    %broadcast_in_dim3A_1918 = vector.broadcast %jit3A_1917 : f32 to vector<16xf32>
    %select_n3A_1919 = arith.select %eq3A_1913, %add3A_1916, %broadcast_in_dim3A_1918 : vector<16xi1>, vector<16xf32>
    %eq3A_1920 = vector.broadcast %max3A_1903 : f32 to vector<16xf32>
    %eq3A_1921 = arith.cmpf oeq, %select_n3A_1863, %eq3A_1920 : vector<16xf32>
    %add3A_1922 = arith.constant 3.200000e+01 : f32
    %add3A_1923 = vector.broadcast %add3A_1922 : f32 to vector<16xf32>
    %add3A_1924 = arith.addf %convert_element_type3A, %add3A_1923 : vector<16xf32>
    %jit3A_1925 = arith.constant 6.400000e+01 : f32
    %broadcast_in_dim3A_1926 = vector.broadcast %jit3A_1925 : f32 to vector<16xf32>
    %select_n3A_1927 = arith.select %eq3A_1921, %add3A_1924, %broadcast_in_dim3A_1926 : vector<16xi1>, vector<16xf32>
    %eq3A_1928 = vector.broadcast %max3A_1903 : f32 to vector<16xf32>
    %eq3A_1929 = arith.cmpf oeq, %select_n3A_1871, %eq3A_1928 : vector<16xf32>
    %add3A_1930 = arith.constant 4.800000e+01 : f32
    %add3A_1931 = vector.broadcast %add3A_1930 : f32 to vector<16xf32>
    %add3A_1932 = arith.addf %convert_element_type3A, %add3A_1931 : vector<16xf32>
    %jit3A_1933 = arith.constant 6.400000e+01 : f32
    %broadcast_in_dim3A_1934 = vector.broadcast %jit3A_1933 : f32 to vector<16xf32>
    %select_n3A_1935 = arith.select %eq3A_1929, %add3A_1932, %broadcast_in_dim3A_1934 : vector<16xi1>, vector<16xf32>
    %min3A_1936 = arith.minimumf %select_n3A_1911, %select_n3A_1919 : vector<16xf32>
    %min3A_1937 = arith.minimumf %select_n3A_1927, %select_n3A_1935 : vector<16xf32>
    %min3A_1938 = arith.minimumf %min3A_1936, %min3A_1937 : vector<16xf32>
    %rev3A_1939 = arith.constant 15 : i32
    %rev3A_1940 = vector.broadcast %rev3A_1939 : i32 to vector<16xi32>
    %rev3A_1941 = tpu.iota {dimensions = array<i32: 0>} : vector<16xi32>
    %rev3A_1942 = arith.subi %rev3A_1940, %rev3A_1941 : vector<16xi32>
    %rev3A_1943 = tpu.dynamic_gather %min3A_1938[%rev3A_1942] in [0] : vector<16xf32>, vector<16xi32> -> vector<16xf32>
    %min3A_1944 = arith.minimumf %min3A_1938, %rev3A_1943 : vector<16xf32>
    %slice3A_1945 = vector.extract_strided_slice %min3A_1944 {offsets = [0], sizes = [1], strides = [1]} : vector<16xf32> to vector<1xf32>
    %squeeze3A_1946 = vector.extract %slice3A_1945[0] : f32 from vector<1xf32>
    %slice3A_1947 = vector.extract_strided_slice %min3A_1944 {offsets = [1], sizes = [1], strides = [1]} : vector<16xf32> to vector<1xf32>
    %squeeze3A_1948 = vector.extract %slice3A_1947[0] : f32 from vector<1xf32>
    %min3A_1949 = arith.minimumf %squeeze3A_1946, %squeeze3A_1948 : f32
    %slice3A_1950 = vector.extract_strided_slice %min3A_1944 {offsets = [2], sizes = [1], strides = [1]} : vector<16xf32> to vector<1xf32>
    %squeeze3A_1951 = vector.extract %slice3A_1950[0] : f32 from vector<1xf32>
    %min3A_1952 = arith.minimumf %min3A_1949, %squeeze3A_1951 : f32
    %slice3A_1953 = vector.extract_strided_slice %min3A_1944 {offsets = [3], sizes = [1], strides = [1]} : vector<16xf32> to vector<1xf32>
    %squeeze3A_1954 = vector.extract %slice3A_1953[0] : f32 from vector<1xf32>
    %min3A_1955 = arith.minimumf %min3A_1952, %squeeze3A_1954 : f32
    %slice3A_1956 = vector.extract_strided_slice %min3A_1944 {offsets = [4], sizes = [1], strides = [1]} : vector<16xf32> to vector<1xf32>
    %squeeze3A_1957 = vector.extract %slice3A_1956[0] : f32 from vector<1xf32>
    %min3A_1958 = arith.minimumf %min3A_1955, %squeeze3A_1957 : f32
    %slice3A_1959 = vector.extract_strided_slice %min3A_1944 {offsets = [5], sizes = [1], strides = [1]} : vector<16xf32> to vector<1xf32>
    %squeeze3A_1960 = vector.extract %slice3A_1959[0] : f32 from vector<1xf32>
    %min3A_1961 = arith.minimumf %min3A_1958, %squeeze3A_1960 : f32
    %slice3A_1962 = vector.extract_strided_slice %min3A_1944 {offsets = [6], sizes = [1], strides = [1]} : vector<16xf32> to vector<1xf32>
    %squeeze3A_1963 = vector.extract %slice3A_1962[0] : f32 from vector<1xf32>
    %min3A_1964 = arith.minimumf %min3A_1961, %squeeze3A_1963 : f32
    %slice3A_1965 = vector.extract_strided_slice %min3A_1944 {offsets = [7], sizes = [1], strides = [1]} : vector<16xf32> to vector<1xf32>
    %squeeze3A_1966 = vector.extract %slice3A_1965[0] : f32 from vector<1xf32>
    %min3A_1967 = arith.minimumf %min3A_1964, %squeeze3A_1966 : f32
    %add3A_1968 = arith.constant 0.000000e+00 : f32
    %add3A_1969 = vector.broadcast %add3A_1968 : f32 to vector<16xf32>
    %add3A_1970 = arith.addf %convert_element_type3A, %add3A_1969 : vector<16xf32>
    %eq3A_1971 = vector.broadcast %min3A_1967 : f32 to vector<16xf32>
    %eq3A_1972 = arith.cmpf oeq, %add3A_1970, %eq3A_1971 : vector<16xf32>
    %jit3A_1973 = arith.constant 0xFF800000 : f32
    %broadcast_in_dim3A_1974 = vector.broadcast %jit3A_1973 : f32 to vector<16xf32>
    %select_n3A_1975 = arith.select %eq3A_1972, %broadcast_in_dim3A_1974, %select_n3A_1847 : vector<16xi1>, vector<16xf32>
    %add3A_1976 = arith.constant 1.600000e+01 : f32
    %add3A_1977 = vector.broadcast %add3A_1976 : f32 to vector<16xf32>
    %add3A_1978 = arith.addf %convert_element_type3A, %add3A_1977 : vector<16xf32>
    %eq3A_1979 = vector.broadcast %min3A_1967 : f32 to vector<16xf32>
    %eq3A_1980 = arith.cmpf oeq, %add3A_1978, %eq3A_1979 : vector<16xf32>
    %jit3A_1981 = arith.constant 0xFF800000 : f32
    %broadcast_in_dim3A_1982 = vector.broadcast %jit3A_1981 : f32 to vector<16xf32>
    %select_n3A_1983 = arith.select %eq3A_1980, %broadcast_in_dim3A_1982, %select_n3A_1855 : vector<16xi1>, vector<16xf32>
    %add3A_1984 = arith.constant 3.200000e+01 : f32
    %add3A_1985 = vector.broadcast %add3A_1984 : f32 to vector<16xf32>
    %add3A_1986 = arith.addf %convert_element_type3A, %add3A_1985 : vector<16xf32>
    %eq3A_1987 = vector.broadcast %min3A_1967 : f32 to vector<16xf32>
    %eq3A_1988 = arith.cmpf oeq, %add3A_1986, %eq3A_1987 : vector<16xf32>
    %jit3A_1989 = arith.constant 0xFF800000 : f32
    %broadcast_in_dim3A_1990 = vector.broadcast %jit3A_1989 : f32 to vector<16xf32>
    %select_n3A_1991 = arith.select %eq3A_1988, %broadcast_in_dim3A_1990, %select_n3A_1863 : vector<16xi1>, vector<16xf32>
    %add3A_1992 = arith.constant 4.800000e+01 : f32
    %add3A_1993 = vector.broadcast %add3A_1992 : f32 to vector<16xf32>
    %add3A_1994 = arith.addf %convert_element_type3A, %add3A_1993 : vector<16xf32>
    %eq3A_1995 = vector.broadcast %min3A_1967 : f32 to vector<16xf32>
    %eq3A_1996 = arith.cmpf oeq, %add3A_1994, %eq3A_1995 : vector<16xf32>
    %jit3A_1997 = arith.constant 0xFF800000 : f32
    %broadcast_in_dim3A_1998 = vector.broadcast %jit3A_1997 : f32 to vector<16xf32>
    %select_n3A_1999 = arith.select %eq3A_1996, %broadcast_in_dim3A_1998, %select_n3A_1871 : vector<16xi1>, vector<16xf32>
    %max3A_2000 = arith.maximumf %select_n3A_1975, %select_n3A_1983 : vector<16xf32>
    %max3A_2001 = arith.maximumf %select_n3A_1991, %select_n3A_1999 : vector<16xf32>
    %max3A_2002 = arith.maximumf %max3A_2000, %max3A_2001 : vector<16xf32>
    %rev3A_2003 = arith.constant 15 : i32
    %rev3A_2004 = vector.broadcast %rev3A_2003 : i32 to vector<16xi32>
    %rev3A_2005 = tpu.iota {dimensions = array<i32: 0>} : vector<16xi32>
    %rev3A_2006 = arith.subi %rev3A_2004, %rev3A_2005 : vector<16xi32>
    %rev3A_2007 = tpu.dynamic_gather %max3A_2002[%rev3A_2006] in [0] : vector<16xf32>, vector<16xi32> -> vector<16xf32>
    %max3A_2008 = arith.maximumf %max3A_2002, %rev3A_2007 : vector<16xf32>
    %slice3A_2009 = vector.extract_strided_slice %max3A_2008 {offsets = [0], sizes = [1], strides = [1]} : vector<16xf32> to vector<1xf32>
    %squeeze3A_2010 = vector.extract %slice3A_2009[0] : f32 from vector<1xf32>
    %slice3A_2011 = vector.extract_strided_slice %max3A_2008 {offsets = [1], sizes = [1], strides = [1]} : vector<16xf32> to vector<1xf32>
    %squeeze3A_2012 = vector.extract %slice3A_2011[0] : f32 from vector<1xf32>
    %max3A_2013 = arith.maximumf %squeeze3A_2010, %squeeze3A_2012 : f32
    %slice3A_2014 = vector.extract_strided_slice %max3A_2008 {offsets = [2], sizes = [1], strides = [1]} : vector<16xf32> to vector<1xf32>
    %squeeze3A_2015 = vector.extract %slice3A_2014[0] : f32 from vector<1xf32>
    %max3A_2016 = arith.maximumf %max3A_2013, %squeeze3A_2015 : f32
    %slice3A_2017 = vector.extract_strided_slice %max3A_2008 {offsets = [3], sizes = [1], strides = [1]} : vector<16xf32> to vector<1xf32>
    %squeeze3A_2018 = vector.extract %slice3A_2017[0] : f32 from vector<1xf32>
    %max3A_2019 = arith.maximumf %max3A_2016, %squeeze3A_2018 : f32
    %slice3A_2020 = vector.extract_strided_slice %max3A_2008 {offsets = [4], sizes = [1], strides = [1]} : vector<16xf32> to vector<1xf32>
    %squeeze3A_2021 = vector.extract %slice3A_2020[0] : f32 from vector<1xf32>
    %max3A_2022 = arith.maximumf %max3A_2019, %squeeze3A_2021 : f32
    %slice3A_2023 = vector.extract_strided_slice %max3A_2008 {offsets = [5], sizes = [1], strides = [1]} : vector<16xf32> to vector<1xf32>
    %squeeze3A_2024 = vector.extract %slice3A_2023[0] : f32 from vector<1xf32>
    %max3A_2025 = arith.maximumf %max3A_2022, %squeeze3A_2024 : f32
    %slice3A_2026 = vector.extract_strided_slice %max3A_2008 {offsets = [6], sizes = [1], strides = [1]} : vector<16xf32> to vector<1xf32>
    %squeeze3A_2027 = vector.extract %slice3A_2026[0] : f32 from vector<1xf32>
    %max3A_2028 = arith.maximumf %max3A_2025, %squeeze3A_2027 : f32
    %slice3A_2029 = vector.extract_strided_slice %max3A_2008 {offsets = [7], sizes = [1], strides = [1]} : vector<16xf32> to vector<1xf32>
    %squeeze3A_2030 = vector.extract %slice3A_2029[0] : f32 from vector<1xf32>
    %max3A_2031 = arith.maximumf %max3A_2028, %squeeze3A_2030 : f32
    %eq3A_2032 = vector.broadcast %max3A_2031 : f32 to vector<16xf32>
    %eq3A_2033 = arith.cmpf oeq, %select_n3A_1975, %eq3A_2032 : vector<16xf32>
    %add3A_2034 = arith.constant 0.000000e+00 : f32
    %add3A_2035 = vector.broadcast %add3A_2034 : f32 to vector<16xf32>
    %add3A_2036 = arith.addf %convert_element_type3A, %add3A_2035 : vector<16xf32>
    %jit3A_2037 = arith.constant 6.400000e+01 : f32
    %broadcast_in_dim3A_2038 = vector.broadcast %jit3A_2037 : f32 to vector<16xf32>
    %select_n3A_2039 = arith.select %eq3A_2033, %add3A_2036, %broadcast_in_dim3A_2038 : vector<16xi1>, vector<16xf32>
    %eq3A_2040 = vector.broadcast %max3A_2031 : f32 to vector<16xf32>
    %eq3A_2041 = arith.cmpf oeq, %select_n3A_1983, %eq3A_2040 : vector<16xf32>
    %add3A_2042 = arith.constant 1.600000e+01 : f32
    %add3A_2043 = vector.broadcast %add3A_2042 : f32 to vector<16xf32>
    %add3A_2044 = arith.addf %convert_element_type3A, %add3A_2043 : vector<16xf32>
    %jit3A_2045 = arith.constant 6.400000e+01 : f32
    %broadcast_in_dim3A_2046 = vector.broadcast %jit3A_2045 : f32 to vector<16xf32>
    %select_n3A_2047 = arith.select %eq3A_2041, %add3A_2044, %broadcast_in_dim3A_2046 : vector<16xi1>, vector<16xf32>
    %eq3A_2048 = vector.broadcast %max3A_2031 : f32 to vector<16xf32>
    %eq3A_2049 = arith.cmpf oeq, %select_n3A_1991, %eq3A_2048 : vector<16xf32>
    %add3A_2050 = arith.constant 3.200000e+01 : f32
    %add3A_2051 = vector.broadcast %add3A_2050 : f32 to vector<16xf32>
    %add3A_2052 = arith.addf %convert_element_type3A, %add3A_2051 : vector<16xf32>
    %jit3A_2053 = arith.constant 6.400000e+01 : f32
    %broadcast_in_dim3A_2054 = vector.broadcast %jit3A_2053 : f32 to vector<16xf32>
    %select_n3A_2055 = arith.select %eq3A_2049, %add3A_2052, %broadcast_in_dim3A_2054 : vector<16xi1>, vector<16xf32>
    %eq3A_2056 = vector.broadcast %max3A_2031 : f32 to vector<16xf32>
    %eq3A_2057 = arith.cmpf oeq, %select_n3A_1999, %eq3A_2056 : vector<16xf32>
    %add3A_2058 = arith.constant 4.800000e+01 : f32
    %add3A_2059 = vector.broadcast %add3A_2058 : f32 to vector<16xf32>
    %add3A_2060 = arith.addf %convert_element_type3A, %add3A_2059 : vector<16xf32>
    %jit3A_2061 = arith.constant 6.400000e+01 : f32
    %broadcast_in_dim3A_2062 = vector.broadcast %jit3A_2061 : f32 to vector<16xf32>
    %select_n3A_2063 = arith.select %eq3A_2057, %add3A_2060, %broadcast_in_dim3A_2062 : vector<16xi1>, vector<16xf32>
    %min3A_2064 = arith.minimumf %select_n3A_2039, %select_n3A_2047 : vector<16xf32>
    %min3A_2065 = arith.minimumf %select_n3A_2055, %select_n3A_2063 : vector<16xf32>
    %min3A_2066 = arith.minimumf %min3A_2064, %min3A_2065 : vector<16xf32>
    %rev3A_2067 = arith.constant 15 : i32
    %rev3A_2068 = vector.broadcast %rev3A_2067 : i32 to vector<16xi32>
    %rev3A_2069 = tpu.iota {dimensions = array<i32: 0>} : vector<16xi32>
    %rev3A_2070 = arith.subi %rev3A_2068, %rev3A_2069 : vector<16xi32>
    %rev3A_2071 = tpu.dynamic_gather %min3A_2066[%rev3A_2070] in [0] : vector<16xf32>, vector<16xi32> -> vector<16xf32>
    %min3A_2072 = arith.minimumf %min3A_2066, %rev3A_2071 : vector<16xf32>
    %slice3A_2073 = vector.extract_strided_slice %min3A_2072 {offsets = [0], sizes = [1], strides = [1]} : vector<16xf32> to vector<1xf32>
    %squeeze3A_2074 = vector.extract %slice3A_2073[0] : f32 from vector<1xf32>
    %slice3A_2075 = vector.extract_strided_slice %min3A_2072 {offsets = [1], sizes = [1], strides = [1]} : vector<16xf32> to vector<1xf32>
    %squeeze3A_2076 = vector.extract %slice3A_2075[0] : f32 from vector<1xf32>
    %min3A_2077 = arith.minimumf %squeeze3A_2074, %squeeze3A_2076 : f32
    %slice3A_2078 = vector.extract_strided_slice %min3A_2072 {offsets = [2], sizes = [1], strides = [1]} : vector<16xf32> to vector<1xf32>
    %squeeze3A_2079 = vector.extract %slice3A_2078[0] : f32 from vector<1xf32>
    %min3A_2080 = arith.minimumf %min3A_2077, %squeeze3A_2079 : f32
    %slice3A_2081 = vector.extract_strided_slice %min3A_2072 {offsets = [3], sizes = [1], strides = [1]} : vector<16xf32> to vector<1xf32>
    %squeeze3A_2082 = vector.extract %slice3A_2081[0] : f32 from vector<1xf32>
    %min3A_2083 = arith.minimumf %min3A_2080, %squeeze3A_2082 : f32
    %slice3A_2084 = vector.extract_strided_slice %min3A_2072 {offsets = [4], sizes = [1], strides = [1]} : vector<16xf32> to vector<1xf32>
    %squeeze3A_2085 = vector.extract %slice3A_2084[0] : f32 from vector<1xf32>
    %min3A_2086 = arith.minimumf %min3A_2083, %squeeze3A_2085 : f32
    %slice3A_2087 = vector.extract_strided_slice %min3A_2072 {offsets = [5], sizes = [1], strides = [1]} : vector<16xf32> to vector<1xf32>
    %squeeze3A_2088 = vector.extract %slice3A_2087[0] : f32 from vector<1xf32>
    %min3A_2089 = arith.minimumf %min3A_2086, %squeeze3A_2088 : f32
    %slice3A_2090 = vector.extract_strided_slice %min3A_2072 {offsets = [6], sizes = [1], strides = [1]} : vector<16xf32> to vector<1xf32>
    %squeeze3A_2091 = vector.extract %slice3A_2090[0] : f32 from vector<1xf32>
    %min3A_2092 = arith.minimumf %min3A_2089, %squeeze3A_2091 : f32
    %slice3A_2093 = vector.extract_strided_slice %min3A_2072 {offsets = [7], sizes = [1], strides = [1]} : vector<16xf32> to vector<1xf32>
    %squeeze3A_2094 = vector.extract %slice3A_2093[0] : f32 from vector<1xf32>
    %min3A_2095 = arith.minimumf %min3A_2092, %squeeze3A_2094 : f32
    %add3A_2096 = arith.constant 0.000000e+00 : f32
    %add3A_2097 = vector.broadcast %add3A_2096 : f32 to vector<16xf32>
    %add3A_2098 = arith.addf %convert_element_type3A, %add3A_2097 : vector<16xf32>
    %eq3A_2099 = vector.broadcast %min3A_2095 : f32 to vector<16xf32>
    %eq3A_2100 = arith.cmpf oeq, %add3A_2098, %eq3A_2099 : vector<16xf32>
    %jit3A_2101 = arith.constant 0xFF800000 : f32
    %broadcast_in_dim3A_2102 = vector.broadcast %jit3A_2101 : f32 to vector<16xf32>
    %select_n3A_2103 = arith.select %eq3A_2100, %broadcast_in_dim3A_2102, %select_n3A_1975 : vector<16xi1>, vector<16xf32>
    %add3A_2104 = arith.constant 1.600000e+01 : f32
    %add3A_2105 = vector.broadcast %add3A_2104 : f32 to vector<16xf32>
    %add3A_2106 = arith.addf %convert_element_type3A, %add3A_2105 : vector<16xf32>
    %eq3A_2107 = vector.broadcast %min3A_2095 : f32 to vector<16xf32>
    %eq3A_2108 = arith.cmpf oeq, %add3A_2106, %eq3A_2107 : vector<16xf32>
    %jit3A_2109 = arith.constant 0xFF800000 : f32
    %broadcast_in_dim3A_2110 = vector.broadcast %jit3A_2109 : f32 to vector<16xf32>
    %select_n3A_2111 = arith.select %eq3A_2108, %broadcast_in_dim3A_2110, %select_n3A_1983 : vector<16xi1>, vector<16xf32>
    %add3A_2112 = arith.constant 3.200000e+01 : f32
    %add3A_2113 = vector.broadcast %add3A_2112 : f32 to vector<16xf32>
    %add3A_2114 = arith.addf %convert_element_type3A, %add3A_2113 : vector<16xf32>
    %eq3A_2115 = vector.broadcast %min3A_2095 : f32 to vector<16xf32>
    %eq3A_2116 = arith.cmpf oeq, %add3A_2114, %eq3A_2115 : vector<16xf32>
    %jit3A_2117 = arith.constant 0xFF800000 : f32
    %broadcast_in_dim3A_2118 = vector.broadcast %jit3A_2117 : f32 to vector<16xf32>
    %select_n3A_2119 = arith.select %eq3A_2116, %broadcast_in_dim3A_2118, %select_n3A_1991 : vector<16xi1>, vector<16xf32>
    %add3A_2120 = arith.constant 4.800000e+01 : f32
    %add3A_2121 = vector.broadcast %add3A_2120 : f32 to vector<16xf32>
    %add3A_2122 = arith.addf %convert_element_type3A, %add3A_2121 : vector<16xf32>
    %eq3A_2123 = vector.broadcast %min3A_2095 : f32 to vector<16xf32>
    %eq3A_2124 = arith.cmpf oeq, %add3A_2122, %eq3A_2123 : vector<16xf32>
    %jit3A_2125 = arith.constant 0xFF800000 : f32
    %broadcast_in_dim3A_2126 = vector.broadcast %jit3A_2125 : f32 to vector<16xf32>
    %select_n3A_2127 = arith.select %eq3A_2124, %broadcast_in_dim3A_2126, %select_n3A_1999 : vector<16xi1>, vector<16xf32>
    %max3A_2128 = arith.maximumf %select_n3A_2103, %select_n3A_2111 : vector<16xf32>
    %max3A_2129 = arith.maximumf %select_n3A_2119, %select_n3A_2127 : vector<16xf32>
    %max3A_2130 = arith.maximumf %max3A_2128, %max3A_2129 : vector<16xf32>
    %rev3A_2131 = arith.constant 15 : i32
    %rev3A_2132 = vector.broadcast %rev3A_2131 : i32 to vector<16xi32>
    %rev3A_2133 = tpu.iota {dimensions = array<i32: 0>} : vector<16xi32>
    %rev3A_2134 = arith.subi %rev3A_2132, %rev3A_2133 : vector<16xi32>
    %rev3A_2135 = tpu.dynamic_gather %max3A_2130[%rev3A_2134] in [0] : vector<16xf32>, vector<16xi32> -> vector<16xf32>
    %max3A_2136 = arith.maximumf %max3A_2130, %rev3A_2135 : vector<16xf32>
    %slice3A_2137 = vector.extract_strided_slice %max3A_2136 {offsets = [0], sizes = [1], strides = [1]} : vector<16xf32> to vector<1xf32>
    %squeeze3A_2138 = vector.extract %slice3A_2137[0] : f32 from vector<1xf32>
    %slice3A_2139 = vector.extract_strided_slice %max3A_2136 {offsets = [1], sizes = [1], strides = [1]} : vector<16xf32> to vector<1xf32>
    %squeeze3A_2140 = vector.extract %slice3A_2139[0] : f32 from vector<1xf32>
    %max3A_2141 = arith.maximumf %squeeze3A_2138, %squeeze3A_2140 : f32
    %slice3A_2142 = vector.extract_strided_slice %max3A_2136 {offsets = [2], sizes = [1], strides = [1]} : vector<16xf32> to vector<1xf32>
    %squeeze3A_2143 = vector.extract %slice3A_2142[0] : f32 from vector<1xf32>
    %max3A_2144 = arith.maximumf %max3A_2141, %squeeze3A_2143 : f32
    %slice3A_2145 = vector.extract_strided_slice %max3A_2136 {offsets = [3], sizes = [1], strides = [1]} : vector<16xf32> to vector<1xf32>
    %squeeze3A_2146 = vector.extract %slice3A_2145[0] : f32 from vector<1xf32>
    %max3A_2147 = arith.maximumf %max3A_2144, %squeeze3A_2146 : f32
    %slice3A_2148 = vector.extract_strided_slice %max3A_2136 {offsets = [4], sizes = [1], strides = [1]} : vector<16xf32> to vector<1xf32>
    %squeeze3A_2149 = vector.extract %slice3A_2148[0] : f32 from vector<1xf32>
    %max3A_2150 = arith.maximumf %max3A_2147, %squeeze3A_2149 : f32
    %slice3A_2151 = vector.extract_strided_slice %max3A_2136 {offsets = [5], sizes = [1], strides = [1]} : vector<16xf32> to vector<1xf32>
    %squeeze3A_2152 = vector.extract %slice3A_2151[0] : f32 from vector<1xf32>
    %max3A_2153 = arith.maximumf %max3A_2150, %squeeze3A_2152 : f32
    %slice3A_2154 = vector.extract_strided_slice %max3A_2136 {offsets = [6], sizes = [1], strides = [1]} : vector<16xf32> to vector<1xf32>
    %squeeze3A_2155 = vector.extract %slice3A_2154[0] : f32 from vector<1xf32>
    %max3A_2156 = arith.maximumf %max3A_2153, %squeeze3A_2155 : f32
    %slice3A_2157 = vector.extract_strided_slice %max3A_2136 {offsets = [7], sizes = [1], strides = [1]} : vector<16xf32> to vector<1xf32>
    %squeeze3A_2158 = vector.extract %slice3A_2157[0] : f32 from vector<1xf32>
    %max3A_2159 = arith.maximumf %max3A_2156, %squeeze3A_2158 : f32
    %eq3A_2160 = vector.broadcast %max3A_2159 : f32 to vector<16xf32>
    %eq3A_2161 = arith.cmpf oeq, %select_n3A_2103, %eq3A_2160 : vector<16xf32>
    %add3A_2162 = arith.constant 0.000000e+00 : f32
    %add3A_2163 = vector.broadcast %add3A_2162 : f32 to vector<16xf32>
    %add3A_2164 = arith.addf %convert_element_type3A, %add3A_2163 : vector<16xf32>
    %jit3A_2165 = arith.constant 6.400000e+01 : f32
    %broadcast_in_dim3A_2166 = vector.broadcast %jit3A_2165 : f32 to vector<16xf32>
    %select_n3A_2167 = arith.select %eq3A_2161, %add3A_2164, %broadcast_in_dim3A_2166 : vector<16xi1>, vector<16xf32>
    %eq3A_2168 = vector.broadcast %max3A_2159 : f32 to vector<16xf32>
    %eq3A_2169 = arith.cmpf oeq, %select_n3A_2111, %eq3A_2168 : vector<16xf32>
    %add3A_2170 = arith.constant 1.600000e+01 : f32
    %add3A_2171 = vector.broadcast %add3A_2170 : f32 to vector<16xf32>
    %add3A_2172 = arith.addf %convert_element_type3A, %add3A_2171 : vector<16xf32>
    %jit3A_2173 = arith.constant 6.400000e+01 : f32
    %broadcast_in_dim3A_2174 = vector.broadcast %jit3A_2173 : f32 to vector<16xf32>
    %select_n3A_2175 = arith.select %eq3A_2169, %add3A_2172, %broadcast_in_dim3A_2174 : vector<16xi1>, vector<16xf32>
    %eq3A_2176 = vector.broadcast %max3A_2159 : f32 to vector<16xf32>
    %eq3A_2177 = arith.cmpf oeq, %select_n3A_2119, %eq3A_2176 : vector<16xf32>
    %add3A_2178 = arith.constant 3.200000e+01 : f32
    %add3A_2179 = vector.broadcast %add3A_2178 : f32 to vector<16xf32>
    %add3A_2180 = arith.addf %convert_element_type3A, %add3A_2179 : vector<16xf32>
    %jit3A_2181 = arith.constant 6.400000e+01 : f32
    %broadcast_in_dim3A_2182 = vector.broadcast %jit3A_2181 : f32 to vector<16xf32>
    %select_n3A_2183 = arith.select %eq3A_2177, %add3A_2180, %broadcast_in_dim3A_2182 : vector<16xi1>, vector<16xf32>
    %eq3A_2184 = vector.broadcast %max3A_2159 : f32 to vector<16xf32>
    %eq3A_2185 = arith.cmpf oeq, %select_n3A_2127, %eq3A_2184 : vector<16xf32>
    %add3A_2186 = arith.constant 4.800000e+01 : f32
    %add3A_2187 = vector.broadcast %add3A_2186 : f32 to vector<16xf32>
    %add3A_2188 = arith.addf %convert_element_type3A, %add3A_2187 : vector<16xf32>
    %jit3A_2189 = arith.constant 6.400000e+01 : f32
    %broadcast_in_dim3A_2190 = vector.broadcast %jit3A_2189 : f32 to vector<16xf32>
    %select_n3A_2191 = arith.select %eq3A_2185, %add3A_2188, %broadcast_in_dim3A_2190 : vector<16xi1>, vector<16xf32>
    %min3A_2192 = arith.minimumf %select_n3A_2167, %select_n3A_2175 : vector<16xf32>
    %min3A_2193 = arith.minimumf %select_n3A_2183, %select_n3A_2191 : vector<16xf32>
    %min3A_2194 = arith.minimumf %min3A_2192, %min3A_2193 : vector<16xf32>
    %rev3A_2195 = arith.constant 15 : i32
    %rev3A_2196 = vector.broadcast %rev3A_2195 : i32 to vector<16xi32>
    %rev3A_2197 = tpu.iota {dimensions = array<i32: 0>} : vector<16xi32>
    %rev3A_2198 = arith.subi %rev3A_2196, %rev3A_2197 : vector<16xi32>
    %rev3A_2199 = tpu.dynamic_gather %min3A_2194[%rev3A_2198] in [0] : vector<16xf32>, vector<16xi32> -> vector<16xf32>
    %min3A_2200 = arith.minimumf %min3A_2194, %rev3A_2199 : vector<16xf32>
    %slice3A_2201 = vector.extract_strided_slice %min3A_2200 {offsets = [0], sizes = [1], strides = [1]} : vector<16xf32> to vector<1xf32>
    %squeeze3A_2202 = vector.extract %slice3A_2201[0] : f32 from vector<1xf32>
    %slice3A_2203 = vector.extract_strided_slice %min3A_2200 {offsets = [1], sizes = [1], strides = [1]} : vector<16xf32> to vector<1xf32>
    %squeeze3A_2204 = vector.extract %slice3A_2203[0] : f32 from vector<1xf32>
    %min3A_2205 = arith.minimumf %squeeze3A_2202, %squeeze3A_2204 : f32
    %slice3A_2206 = vector.extract_strided_slice %min3A_2200 {offsets = [2], sizes = [1], strides = [1]} : vector<16xf32> to vector<1xf32>
    %squeeze3A_2207 = vector.extract %slice3A_2206[0] : f32 from vector<1xf32>
    %min3A_2208 = arith.minimumf %min3A_2205, %squeeze3A_2207 : f32
    %slice3A_2209 = vector.extract_strided_slice %min3A_2200 {offsets = [3], sizes = [1], strides = [1]} : vector<16xf32> to vector<1xf32>
    %squeeze3A_2210 = vector.extract %slice3A_2209[0] : f32 from vector<1xf32>
    %min3A_2211 = arith.minimumf %min3A_2208, %squeeze3A_2210 : f32
    %slice3A_2212 = vector.extract_strided_slice %min3A_2200 {offsets = [4], sizes = [1], strides = [1]} : vector<16xf32> to vector<1xf32>
    %squeeze3A_2213 = vector.extract %slice3A_2212[0] : f32 from vector<1xf32>
    %min3A_2214 = arith.minimumf %min3A_2211, %squeeze3A_2213 : f32
    %slice3A_2215 = vector.extract_strided_slice %min3A_2200 {offsets = [5], sizes = [1], strides = [1]} : vector<16xf32> to vector<1xf32>
    %squeeze3A_2216 = vector.extract %slice3A_2215[0] : f32 from vector<1xf32>
    %min3A_2217 = arith.minimumf %min3A_2214, %squeeze3A_2216 : f32
    %slice3A_2218 = vector.extract_strided_slice %min3A_2200 {offsets = [6], sizes = [1], strides = [1]} : vector<16xf32> to vector<1xf32>
    %squeeze3A_2219 = vector.extract %slice3A_2218[0] : f32 from vector<1xf32>
    %min3A_2220 = arith.minimumf %min3A_2217, %squeeze3A_2219 : f32
    %slice3A_2221 = vector.extract_strided_slice %min3A_2200 {offsets = [7], sizes = [1], strides = [1]} : vector<16xf32> to vector<1xf32>
    %squeeze3A_2222 = vector.extract %slice3A_2221[0] : f32 from vector<1xf32>
    %min3A_2223 = arith.minimumf %min3A_2220, %squeeze3A_2222 : f32
    %add3A_2224 = arith.constant 0.000000e+00 : f32
    %add3A_2225 = vector.broadcast %add3A_2224 : f32 to vector<16xf32>
    %add3A_2226 = arith.addf %convert_element_type3A, %add3A_2225 : vector<16xf32>
    %eq3A_2227 = vector.broadcast %min3A_2223 : f32 to vector<16xf32>
    %eq3A_2228 = arith.cmpf oeq, %add3A_2226, %eq3A_2227 : vector<16xf32>
    %jit3A_2229 = arith.constant 0xFF800000 : f32
    %broadcast_in_dim3A_2230 = vector.broadcast %jit3A_2229 : f32 to vector<16xf32>
    %select_n3A_2231 = arith.select %eq3A_2228, %broadcast_in_dim3A_2230, %select_n3A_2103 : vector<16xi1>, vector<16xf32>
    %add3A_2232 = arith.constant 1.600000e+01 : f32
    %add3A_2233 = vector.broadcast %add3A_2232 : f32 to vector<16xf32>
    %add3A_2234 = arith.addf %convert_element_type3A, %add3A_2233 : vector<16xf32>
    %eq3A_2235 = vector.broadcast %min3A_2223 : f32 to vector<16xf32>
    %eq3A_2236 = arith.cmpf oeq, %add3A_2234, %eq3A_2235 : vector<16xf32>
    %jit3A_2237 = arith.constant 0xFF800000 : f32
    %broadcast_in_dim3A_2238 = vector.broadcast %jit3A_2237 : f32 to vector<16xf32>
    %select_n3A_2239 = arith.select %eq3A_2236, %broadcast_in_dim3A_2238, %select_n3A_2111 : vector<16xi1>, vector<16xf32>
    %add3A_2240 = arith.constant 3.200000e+01 : f32
    %add3A_2241 = vector.broadcast %add3A_2240 : f32 to vector<16xf32>
    %add3A_2242 = arith.addf %convert_element_type3A, %add3A_2241 : vector<16xf32>
    %eq3A_2243 = vector.broadcast %min3A_2223 : f32 to vector<16xf32>
    %eq3A_2244 = arith.cmpf oeq, %add3A_2242, %eq3A_2243 : vector<16xf32>
    %jit3A_2245 = arith.constant 0xFF800000 : f32
    %broadcast_in_dim3A_2246 = vector.broadcast %jit3A_2245 : f32 to vector<16xf32>
    %select_n3A_2247 = arith.select %eq3A_2244, %broadcast_in_dim3A_2246, %select_n3A_2119 : vector<16xi1>, vector<16xf32>
    %add3A_2248 = arith.constant 4.800000e+01 : f32
    %add3A_2249 = vector.broadcast %add3A_2248 : f32 to vector<16xf32>
    %add3A_2250 = arith.addf %convert_element_type3A, %add3A_2249 : vector<16xf32>
    %eq3A_2251 = vector.broadcast %min3A_2223 : f32 to vector<16xf32>
    %eq3A_2252 = arith.cmpf oeq, %add3A_2250, %eq3A_2251 : vector<16xf32>
    %jit3A_2253 = arith.constant 0xFF800000 : f32
    %broadcast_in_dim3A_2254 = vector.broadcast %jit3A_2253 : f32 to vector<16xf32>
    %select_n3A_2255 = arith.select %eq3A_2252, %broadcast_in_dim3A_2254, %select_n3A_2127 : vector<16xi1>, vector<16xf32>
    %max3A_2256 = arith.maximumf %select_n3A_2231, %select_n3A_2239 : vector<16xf32>
    %max3A_2257 = arith.maximumf %select_n3A_2247, %select_n3A_2255 : vector<16xf32>
    %max3A_2258 = arith.maximumf %max3A_2256, %max3A_2257 : vector<16xf32>
    %rev3A_2259 = arith.constant 15 : i32
    %rev3A_2260 = vector.broadcast %rev3A_2259 : i32 to vector<16xi32>
    %rev3A_2261 = tpu.iota {dimensions = array<i32: 0>} : vector<16xi32>
    %rev3A_2262 = arith.subi %rev3A_2260, %rev3A_2261 : vector<16xi32>
    %rev3A_2263 = tpu.dynamic_gather %max3A_2258[%rev3A_2262] in [0] : vector<16xf32>, vector<16xi32> -> vector<16xf32>
    %max3A_2264 = arith.maximumf %max3A_2258, %rev3A_2263 : vector<16xf32>
    %slice3A_2265 = vector.extract_strided_slice %max3A_2264 {offsets = [0], sizes = [1], strides = [1]} : vector<16xf32> to vector<1xf32>
    %squeeze3A_2266 = vector.extract %slice3A_2265[0] : f32 from vector<1xf32>
    %slice3A_2267 = vector.extract_strided_slice %max3A_2264 {offsets = [1], sizes = [1], strides = [1]} : vector<16xf32> to vector<1xf32>
    %squeeze3A_2268 = vector.extract %slice3A_2267[0] : f32 from vector<1xf32>
    %max3A_2269 = arith.maximumf %squeeze3A_2266, %squeeze3A_2268 : f32
    %slice3A_2270 = vector.extract_strided_slice %max3A_2264 {offsets = [2], sizes = [1], strides = [1]} : vector<16xf32> to vector<1xf32>
    %squeeze3A_2271 = vector.extract %slice3A_2270[0] : f32 from vector<1xf32>
    %max3A_2272 = arith.maximumf %max3A_2269, %squeeze3A_2271 : f32
    %slice3A_2273 = vector.extract_strided_slice %max3A_2264 {offsets = [3], sizes = [1], strides = [1]} : vector<16xf32> to vector<1xf32>
    %squeeze3A_2274 = vector.extract %slice3A_2273[0] : f32 from vector<1xf32>
    %max3A_2275 = arith.maximumf %max3A_2272, %squeeze3A_2274 : f32
    %slice3A_2276 = vector.extract_strided_slice %max3A_2264 {offsets = [4], sizes = [1], strides = [1]} : vector<16xf32> to vector<1xf32>
    %squeeze3A_2277 = vector.extract %slice3A_2276[0] : f32 from vector<1xf32>
    %max3A_2278 = arith.maximumf %max3A_2275, %squeeze3A_2277 : f32
    %slice3A_2279 = vector.extract_strided_slice %max3A_2264 {offsets = [5], sizes = [1], strides = [1]} : vector<16xf32> to vector<1xf32>
    %squeeze3A_2280 = vector.extract %slice3A_2279[0] : f32 from vector<1xf32>
    %max3A_2281 = arith.maximumf %max3A_2278, %squeeze3A_2280 : f32
    %slice3A_2282 = vector.extract_strided_slice %max3A_2264 {offsets = [6], sizes = [1], strides = [1]} : vector<16xf32> to vector<1xf32>
    %squeeze3A_2283 = vector.extract %slice3A_2282[0] : f32 from vector<1xf32>
    %max3A_2284 = arith.maximumf %max3A_2281, %squeeze3A_2283 : f32
    %slice3A_2285 = vector.extract_strided_slice %max3A_2264 {offsets = [7], sizes = [1], strides = [1]} : vector<16xf32> to vector<1xf32>
    %squeeze3A_2286 = vector.extract %slice3A_2285[0] : f32 from vector<1xf32>
    %max3A_2287 = arith.maximumf %max3A_2284, %squeeze3A_2286 : f32
    %eq3A_2288 = vector.broadcast %max3A_2287 : f32 to vector<16xf32>
    %eq3A_2289 = arith.cmpf oeq, %select_n3A_2231, %eq3A_2288 : vector<16xf32>
    %add3A_2290 = arith.constant 0.000000e+00 : f32
    %add3A_2291 = vector.broadcast %add3A_2290 : f32 to vector<16xf32>
    %add3A_2292 = arith.addf %convert_element_type3A, %add3A_2291 : vector<16xf32>
    %jit3A_2293 = arith.constant 6.400000e+01 : f32
    %broadcast_in_dim3A_2294 = vector.broadcast %jit3A_2293 : f32 to vector<16xf32>
    %select_n3A_2295 = arith.select %eq3A_2289, %add3A_2292, %broadcast_in_dim3A_2294 : vector<16xi1>, vector<16xf32>
    %eq3A_2296 = vector.broadcast %max3A_2287 : f32 to vector<16xf32>
    %eq3A_2297 = arith.cmpf oeq, %select_n3A_2239, %eq3A_2296 : vector<16xf32>
    %add3A_2298 = arith.constant 1.600000e+01 : f32
    %add3A_2299 = vector.broadcast %add3A_2298 : f32 to vector<16xf32>
    %add3A_2300 = arith.addf %convert_element_type3A, %add3A_2299 : vector<16xf32>
    %jit3A_2301 = arith.constant 6.400000e+01 : f32
    %broadcast_in_dim3A_2302 = vector.broadcast %jit3A_2301 : f32 to vector<16xf32>
    %select_n3A_2303 = arith.select %eq3A_2297, %add3A_2300, %broadcast_in_dim3A_2302 : vector<16xi1>, vector<16xf32>
    %eq3A_2304 = vector.broadcast %max3A_2287 : f32 to vector<16xf32>
    %eq3A_2305 = arith.cmpf oeq, %select_n3A_2247, %eq3A_2304 : vector<16xf32>
    %add3A_2306 = arith.constant 3.200000e+01 : f32
    %add3A_2307 = vector.broadcast %add3A_2306 : f32 to vector<16xf32>
    %add3A_2308 = arith.addf %convert_element_type3A, %add3A_2307 : vector<16xf32>
    %jit3A_2309 = arith.constant 6.400000e+01 : f32
    %broadcast_in_dim3A_2310 = vector.broadcast %jit3A_2309 : f32 to vector<16xf32>
    %select_n3A_2311 = arith.select %eq3A_2305, %add3A_2308, %broadcast_in_dim3A_2310 : vector<16xi1>, vector<16xf32>
    %eq3A_2312 = vector.broadcast %max3A_2287 : f32 to vector<16xf32>
    %eq3A_2313 = arith.cmpf oeq, %select_n3A_2255, %eq3A_2312 : vector<16xf32>
    %add3A_2314 = arith.constant 4.800000e+01 : f32
    %add3A_2315 = vector.broadcast %add3A_2314 : f32 to vector<16xf32>
    %add3A_2316 = arith.addf %convert_element_type3A, %add3A_2315 : vector<16xf32>
    %jit3A_2317 = arith.constant 6.400000e+01 : f32
    %broadcast_in_dim3A_2318 = vector.broadcast %jit3A_2317 : f32 to vector<16xf32>
    %select_n3A_2319 = arith.select %eq3A_2313, %add3A_2316, %broadcast_in_dim3A_2318 : vector<16xi1>, vector<16xf32>
    %min3A_2320 = arith.minimumf %select_n3A_2295, %select_n3A_2303 : vector<16xf32>
    %min3A_2321 = arith.minimumf %select_n3A_2311, %select_n3A_2319 : vector<16xf32>
    %min3A_2322 = arith.minimumf %min3A_2320, %min3A_2321 : vector<16xf32>
    %rev3A_2323 = arith.constant 15 : i32
    %rev3A_2324 = vector.broadcast %rev3A_2323 : i32 to vector<16xi32>
    %rev3A_2325 = tpu.iota {dimensions = array<i32: 0>} : vector<16xi32>
    %rev3A_2326 = arith.subi %rev3A_2324, %rev3A_2325 : vector<16xi32>
    %rev3A_2327 = tpu.dynamic_gather %min3A_2322[%rev3A_2326] in [0] : vector<16xf32>, vector<16xi32> -> vector<16xf32>
    %min3A_2328 = arith.minimumf %min3A_2322, %rev3A_2327 : vector<16xf32>
    %slice3A_2329 = vector.extract_strided_slice %min3A_2328 {offsets = [0], sizes = [1], strides = [1]} : vector<16xf32> to vector<1xf32>
    %squeeze3A_2330 = vector.extract %slice3A_2329[0] : f32 from vector<1xf32>
    %slice3A_2331 = vector.extract_strided_slice %min3A_2328 {offsets = [1], sizes = [1], strides = [1]} : vector<16xf32> to vector<1xf32>
    %squeeze3A_2332 = vector.extract %slice3A_2331[0] : f32 from vector<1xf32>
    %min3A_2333 = arith.minimumf %squeeze3A_2330, %squeeze3A_2332 : f32
    %slice3A_2334 = vector.extract_strided_slice %min3A_2328 {offsets = [2], sizes = [1], strides = [1]} : vector<16xf32> to vector<1xf32>
    %squeeze3A_2335 = vector.extract %slice3A_2334[0] : f32 from vector<1xf32>
    %min3A_2336 = arith.minimumf %min3A_2333, %squeeze3A_2335 : f32
    %slice3A_2337 = vector.extract_strided_slice %min3A_2328 {offsets = [3], sizes = [1], strides = [1]} : vector<16xf32> to vector<1xf32>
    %squeeze3A_2338 = vector.extract %slice3A_2337[0] : f32 from vector<1xf32>
    %min3A_2339 = arith.minimumf %min3A_2336, %squeeze3A_2338 : f32
    %slice3A_2340 = vector.extract_strided_slice %min3A_2328 {offsets = [4], sizes = [1], strides = [1]} : vector<16xf32> to vector<1xf32>
    %squeeze3A_2341 = vector.extract %slice3A_2340[0] : f32 from vector<1xf32>
    %min3A_2342 = arith.minimumf %min3A_2339, %squeeze3A_2341 : f32
    %slice3A_2343 = vector.extract_strided_slice %min3A_2328 {offsets = [5], sizes = [1], strides = [1]} : vector<16xf32> to vector<1xf32>
    %squeeze3A_2344 = vector.extract %slice3A_2343[0] : f32 from vector<1xf32>
    %min3A_2345 = arith.minimumf %min3A_2342, %squeeze3A_2344 : f32
    %slice3A_2346 = vector.extract_strided_slice %min3A_2328 {offsets = [6], sizes = [1], strides = [1]} : vector<16xf32> to vector<1xf32>
    %squeeze3A_2347 = vector.extract %slice3A_2346[0] : f32 from vector<1xf32>
    %min3A_2348 = arith.minimumf %min3A_2345, %squeeze3A_2347 : f32
    %slice3A_2349 = vector.extract_strided_slice %min3A_2328 {offsets = [7], sizes = [1], strides = [1]} : vector<16xf32> to vector<1xf32>
    %squeeze3A_2350 = vector.extract %slice3A_2349[0] : f32 from vector<1xf32>
    %min3A_2351 = arith.minimumf %min3A_2348, %squeeze3A_2350 : f32
    %add3A_2352 = arith.constant 0.000000e+00 : f32
    %add3A_2353 = vector.broadcast %add3A_2352 : f32 to vector<16xf32>
    %add3A_2354 = arith.addf %convert_element_type3A, %add3A_2353 : vector<16xf32>
    %eq3A_2355 = vector.broadcast %min3A_2351 : f32 to vector<16xf32>
    %eq3A_2356 = arith.cmpf oeq, %add3A_2354, %eq3A_2355 : vector<16xf32>
    %jit3A_2357 = arith.constant 0xFF800000 : f32
    %broadcast_in_dim3A_2358 = vector.broadcast %jit3A_2357 : f32 to vector<16xf32>
    %select_n3A_2359 = arith.select %eq3A_2356, %broadcast_in_dim3A_2358, %select_n3A_2231 : vector<16xi1>, vector<16xf32>
    %add3A_2360 = arith.constant 1.600000e+01 : f32
    %add3A_2361 = vector.broadcast %add3A_2360 : f32 to vector<16xf32>
    %add3A_2362 = arith.addf %convert_element_type3A, %add3A_2361 : vector<16xf32>
    %eq3A_2363 = vector.broadcast %min3A_2351 : f32 to vector<16xf32>
    %eq3A_2364 = arith.cmpf oeq, %add3A_2362, %eq3A_2363 : vector<16xf32>
    %jit3A_2365 = arith.constant 0xFF800000 : f32
    %broadcast_in_dim3A_2366 = vector.broadcast %jit3A_2365 : f32 to vector<16xf32>
    %select_n3A_2367 = arith.select %eq3A_2364, %broadcast_in_dim3A_2366, %select_n3A_2239 : vector<16xi1>, vector<16xf32>
    %add3A_2368 = arith.constant 3.200000e+01 : f32
    %add3A_2369 = vector.broadcast %add3A_2368 : f32 to vector<16xf32>
    %add3A_2370 = arith.addf %convert_element_type3A, %add3A_2369 : vector<16xf32>
    %eq3A_2371 = vector.broadcast %min3A_2351 : f32 to vector<16xf32>
    %eq3A_2372 = arith.cmpf oeq, %add3A_2370, %eq3A_2371 : vector<16xf32>
    %jit3A_2373 = arith.constant 0xFF800000 : f32
    %broadcast_in_dim3A_2374 = vector.broadcast %jit3A_2373 : f32 to vector<16xf32>
    %select_n3A_2375 = arith.select %eq3A_2372, %broadcast_in_dim3A_2374, %select_n3A_2247 : vector<16xi1>, vector<16xf32>
    %add3A_2376 = arith.constant 4.800000e+01 : f32
    %add3A_2377 = vector.broadcast %add3A_2376 : f32 to vector<16xf32>
    %add3A_2378 = arith.addf %convert_element_type3A, %add3A_2377 : vector<16xf32>
    %eq3A_2379 = vector.broadcast %min3A_2351 : f32 to vector<16xf32>
    %eq3A_2380 = arith.cmpf oeq, %add3A_2378, %eq3A_2379 : vector<16xf32>
    %jit3A_2381 = arith.constant 0xFF800000 : f32
    %broadcast_in_dim3A_2382 = vector.broadcast %jit3A_2381 : f32 to vector<16xf32>
    %select_n3A_2383 = arith.select %eq3A_2380, %broadcast_in_dim3A_2382, %select_n3A_2255 : vector<16xi1>, vector<16xf32>
    %max3A_2384 = arith.maximumf %select_n3A_2359, %select_n3A_2367 : vector<16xf32>
    %max3A_2385 = arith.maximumf %select_n3A_2375, %select_n3A_2383 : vector<16xf32>
    %max3A_2386 = arith.maximumf %max3A_2384, %max3A_2385 : vector<16xf32>
    %rev3A_2387 = arith.constant 15 : i32
    %rev3A_2388 = vector.broadcast %rev3A_2387 : i32 to vector<16xi32>
    %rev3A_2389 = tpu.iota {dimensions = array<i32: 0>} : vector<16xi32>
    %rev3A_2390 = arith.subi %rev3A_2388, %rev3A_2389 : vector<16xi32>
    %rev3A_2391 = tpu.dynamic_gather %max3A_2386[%rev3A_2390] in [0] : vector<16xf32>, vector<16xi32> -> vector<16xf32>
    %max3A_2392 = arith.maximumf %max3A_2386, %rev3A_2391 : vector<16xf32>
    %slice3A_2393 = vector.extract_strided_slice %max3A_2392 {offsets = [0], sizes = [1], strides = [1]} : vector<16xf32> to vector<1xf32>
    %squeeze3A_2394 = vector.extract %slice3A_2393[0] : f32 from vector<1xf32>
    %slice3A_2395 = vector.extract_strided_slice %max3A_2392 {offsets = [1], sizes = [1], strides = [1]} : vector<16xf32> to vector<1xf32>
    %squeeze3A_2396 = vector.extract %slice3A_2395[0] : f32 from vector<1xf32>
    %max3A_2397 = arith.maximumf %squeeze3A_2394, %squeeze3A_2396 : f32
    %slice3A_2398 = vector.extract_strided_slice %max3A_2392 {offsets = [2], sizes = [1], strides = [1]} : vector<16xf32> to vector<1xf32>
    %squeeze3A_2399 = vector.extract %slice3A_2398[0] : f32 from vector<1xf32>
    %max3A_2400 = arith.maximumf %max3A_2397, %squeeze3A_2399 : f32
    %slice3A_2401 = vector.extract_strided_slice %max3A_2392 {offsets = [3], sizes = [1], strides = [1]} : vector<16xf32> to vector<1xf32>
    %squeeze3A_2402 = vector.extract %slice3A_2401[0] : f32 from vector<1xf32>
    %max3A_2403 = arith.maximumf %max3A_2400, %squeeze3A_2402 : f32
    %slice3A_2404 = vector.extract_strided_slice %max3A_2392 {offsets = [4], sizes = [1], strides = [1]} : vector<16xf32> to vector<1xf32>
    %squeeze3A_2405 = vector.extract %slice3A_2404[0] : f32 from vector<1xf32>
    %max3A_2406 = arith.maximumf %max3A_2403, %squeeze3A_2405 : f32
    %slice3A_2407 = vector.extract_strided_slice %max3A_2392 {offsets = [5], sizes = [1], strides = [1]} : vector<16xf32> to vector<1xf32>
    %squeeze3A_2408 = vector.extract %slice3A_2407[0] : f32 from vector<1xf32>
    %max3A_2409 = arith.maximumf %max3A_2406, %squeeze3A_2408 : f32
    %slice3A_2410 = vector.extract_strided_slice %max3A_2392 {offsets = [6], sizes = [1], strides = [1]} : vector<16xf32> to vector<1xf32>
    %squeeze3A_2411 = vector.extract %slice3A_2410[0] : f32 from vector<1xf32>
    %max3A_2412 = arith.maximumf %max3A_2409, %squeeze3A_2411 : f32
    %slice3A_2413 = vector.extract_strided_slice %max3A_2392 {offsets = [7], sizes = [1], strides = [1]} : vector<16xf32> to vector<1xf32>
    %squeeze3A_2414 = vector.extract %slice3A_2413[0] : f32 from vector<1xf32>
    %max3A_2415 = arith.maximumf %max3A_2412, %squeeze3A_2414 : f32
    %eq3A_2416 = vector.broadcast %max3A_2415 : f32 to vector<16xf32>
    %eq3A_2417 = arith.cmpf oeq, %select_n3A_2359, %eq3A_2416 : vector<16xf32>
    %add3A_2418 = arith.constant 0.000000e+00 : f32
    %add3A_2419 = vector.broadcast %add3A_2418 : f32 to vector<16xf32>
    %add3A_2420 = arith.addf %convert_element_type3A, %add3A_2419 : vector<16xf32>
    %jit3A_2421 = arith.constant 6.400000e+01 : f32
    %broadcast_in_dim3A_2422 = vector.broadcast %jit3A_2421 : f32 to vector<16xf32>
    %select_n3A_2423 = arith.select %eq3A_2417, %add3A_2420, %broadcast_in_dim3A_2422 : vector<16xi1>, vector<16xf32>
    %eq3A_2424 = vector.broadcast %max3A_2415 : f32 to vector<16xf32>
    %eq3A_2425 = arith.cmpf oeq, %select_n3A_2367, %eq3A_2424 : vector<16xf32>
    %add3A_2426 = arith.constant 1.600000e+01 : f32
    %add3A_2427 = vector.broadcast %add3A_2426 : f32 to vector<16xf32>
    %add3A_2428 = arith.addf %convert_element_type3A, %add3A_2427 : vector<16xf32>
    %jit3A_2429 = arith.constant 6.400000e+01 : f32
    %broadcast_in_dim3A_2430 = vector.broadcast %jit3A_2429 : f32 to vector<16xf32>
    %select_n3A_2431 = arith.select %eq3A_2425, %add3A_2428, %broadcast_in_dim3A_2430 : vector<16xi1>, vector<16xf32>
    %eq3A_2432 = vector.broadcast %max3A_2415 : f32 to vector<16xf32>
    %eq3A_2433 = arith.cmpf oeq, %select_n3A_2375, %eq3A_2432 : vector<16xf32>
    %add3A_2434 = arith.constant 3.200000e+01 : f32
    %add3A_2435 = vector.broadcast %add3A_2434 : f32 to vector<16xf32>
    %add3A_2436 = arith.addf %convert_element_type3A, %add3A_2435 : vector<16xf32>
    %jit3A_2437 = arith.constant 6.400000e+01 : f32
    %broadcast_in_dim3A_2438 = vector.broadcast %jit3A_2437 : f32 to vector<16xf32>
    %select_n3A_2439 = arith.select %eq3A_2433, %add3A_2436, %broadcast_in_dim3A_2438 : vector<16xi1>, vector<16xf32>
    %eq3A_2440 = vector.broadcast %max3A_2415 : f32 to vector<16xf32>
    %eq3A_2441 = arith.cmpf oeq, %select_n3A_2383, %eq3A_2440 : vector<16xf32>
    %add3A_2442 = arith.constant 4.800000e+01 : f32
    %add3A_2443 = vector.broadcast %add3A_2442 : f32 to vector<16xf32>
    %add3A_2444 = arith.addf %convert_element_type3A, %add3A_2443 : vector<16xf32>
    %jit3A_2445 = arith.constant 6.400000e+01 : f32
    %broadcast_in_dim3A_2446 = vector.broadcast %jit3A_2445 : f32 to vector<16xf32>
    %select_n3A_2447 = arith.select %eq3A_2441, %add3A_2444, %broadcast_in_dim3A_2446 : vector<16xi1>, vector<16xf32>
    %min3A_2448 = arith.minimumf %select_n3A_2423, %select_n3A_2431 : vector<16xf32>
    %min3A_2449 = arith.minimumf %select_n3A_2439, %select_n3A_2447 : vector<16xf32>
    %min3A_2450 = arith.minimumf %min3A_2448, %min3A_2449 : vector<16xf32>
    %rev3A_2451 = arith.constant 15 : i32
    %rev3A_2452 = vector.broadcast %rev3A_2451 : i32 to vector<16xi32>
    %rev3A_2453 = tpu.iota {dimensions = array<i32: 0>} : vector<16xi32>
    %rev3A_2454 = arith.subi %rev3A_2452, %rev3A_2453 : vector<16xi32>
    %rev3A_2455 = tpu.dynamic_gather %min3A_2450[%rev3A_2454] in [0] : vector<16xf32>, vector<16xi32> -> vector<16xf32>
    %min3A_2456 = arith.minimumf %min3A_2450, %rev3A_2455 : vector<16xf32>
    %slice3A_2457 = vector.extract_strided_slice %min3A_2456 {offsets = [0], sizes = [1], strides = [1]} : vector<16xf32> to vector<1xf32>
    %squeeze3A_2458 = vector.extract %slice3A_2457[0] : f32 from vector<1xf32>
    %slice3A_2459 = vector.extract_strided_slice %min3A_2456 {offsets = [1], sizes = [1], strides = [1]} : vector<16xf32> to vector<1xf32>
    %squeeze3A_2460 = vector.extract %slice3A_2459[0] : f32 from vector<1xf32>
    %min3A_2461 = arith.minimumf %squeeze3A_2458, %squeeze3A_2460 : f32
    %slice3A_2462 = vector.extract_strided_slice %min3A_2456 {offsets = [2], sizes = [1], strides = [1]} : vector<16xf32> to vector<1xf32>
    %squeeze3A_2463 = vector.extract %slice3A_2462[0] : f32 from vector<1xf32>
    %min3A_2464 = arith.minimumf %min3A_2461, %squeeze3A_2463 : f32
    %slice3A_2465 = vector.extract_strided_slice %min3A_2456 {offsets = [3], sizes = [1], strides = [1]} : vector<16xf32> to vector<1xf32>
    %squeeze3A_2466 = vector.extract %slice3A_2465[0] : f32 from vector<1xf32>
    %min3A_2467 = arith.minimumf %min3A_2464, %squeeze3A_2466 : f32
    %slice3A_2468 = vector.extract_strided_slice %min3A_2456 {offsets = [4], sizes = [1], strides = [1]} : vector<16xf32> to vector<1xf32>
    %squeeze3A_2469 = vector.extract %slice3A_2468[0] : f32 from vector<1xf32>
    %min3A_2470 = arith.minimumf %min3A_2467, %squeeze3A_2469 : f32
    %slice3A_2471 = vector.extract_strided_slice %min3A_2456 {offsets = [5], sizes = [1], strides = [1]} : vector<16xf32> to vector<1xf32>
    %squeeze3A_2472 = vector.extract %slice3A_2471[0] : f32 from vector<1xf32>
    %min3A_2473 = arith.minimumf %min3A_2470, %squeeze3A_2472 : f32
    %slice3A_2474 = vector.extract_strided_slice %min3A_2456 {offsets = [6], sizes = [1], strides = [1]} : vector<16xf32> to vector<1xf32>
    %squeeze3A_2475 = vector.extract %slice3A_2474[0] : f32 from vector<1xf32>
    %min3A_2476 = arith.minimumf %min3A_2473, %squeeze3A_2475 : f32
    %slice3A_2477 = vector.extract_strided_slice %min3A_2456 {offsets = [7], sizes = [1], strides = [1]} : vector<16xf32> to vector<1xf32>
    %squeeze3A_2478 = vector.extract %slice3A_2477[0] : f32 from vector<1xf32>
    %min3A_2479 = arith.minimumf %min3A_2476, %squeeze3A_2478 : f32
    %add3A_2480 = arith.constant 0.000000e+00 : f32
    %add3A_2481 = vector.broadcast %add3A_2480 : f32 to vector<16xf32>
    %add3A_2482 = arith.addf %convert_element_type3A, %add3A_2481 : vector<16xf32>
    %eq3A_2483 = vector.broadcast %min3A_2479 : f32 to vector<16xf32>
    %eq3A_2484 = arith.cmpf oeq, %add3A_2482, %eq3A_2483 : vector<16xf32>
    %jit3A_2485 = arith.constant 0xFF800000 : f32
    %broadcast_in_dim3A_2486 = vector.broadcast %jit3A_2485 : f32 to vector<16xf32>
    %select_n3A_2487 = arith.select %eq3A_2484, %broadcast_in_dim3A_2486, %select_n3A_2359 : vector<16xi1>, vector<16xf32>
    %add3A_2488 = arith.constant 1.600000e+01 : f32
    %add3A_2489 = vector.broadcast %add3A_2488 : f32 to vector<16xf32>
    %add3A_2490 = arith.addf %convert_element_type3A, %add3A_2489 : vector<16xf32>
    %eq3A_2491 = vector.broadcast %min3A_2479 : f32 to vector<16xf32>
    %eq3A_2492 = arith.cmpf oeq, %add3A_2490, %eq3A_2491 : vector<16xf32>
    %jit3A_2493 = arith.constant 0xFF800000 : f32
    %broadcast_in_dim3A_2494 = vector.broadcast %jit3A_2493 : f32 to vector<16xf32>
    %select_n3A_2495 = arith.select %eq3A_2492, %broadcast_in_dim3A_2494, %select_n3A_2367 : vector<16xi1>, vector<16xf32>
    %add3A_2496 = arith.constant 3.200000e+01 : f32
    %add3A_2497 = vector.broadcast %add3A_2496 : f32 to vector<16xf32>
    %add3A_2498 = arith.addf %convert_element_type3A, %add3A_2497 : vector<16xf32>
    %eq3A_2499 = vector.broadcast %min3A_2479 : f32 to vector<16xf32>
    %eq3A_2500 = arith.cmpf oeq, %add3A_2498, %eq3A_2499 : vector<16xf32>
    %jit3A_2501 = arith.constant 0xFF800000 : f32
    %broadcast_in_dim3A_2502 = vector.broadcast %jit3A_2501 : f32 to vector<16xf32>
    %select_n3A_2503 = arith.select %eq3A_2500, %broadcast_in_dim3A_2502, %select_n3A_2375 : vector<16xi1>, vector<16xf32>
    %add3A_2504 = arith.constant 4.800000e+01 : f32
    %add3A_2505 = vector.broadcast %add3A_2504 : f32 to vector<16xf32>
    %add3A_2506 = arith.addf %convert_element_type3A, %add3A_2505 : vector<16xf32>
    %eq3A_2507 = vector.broadcast %min3A_2479 : f32 to vector<16xf32>
    %eq3A_2508 = arith.cmpf oeq, %add3A_2506, %eq3A_2507 : vector<16xf32>
    %jit3A_2509 = arith.constant 0xFF800000 : f32
    %broadcast_in_dim3A_2510 = vector.broadcast %jit3A_2509 : f32 to vector<16xf32>
    %select_n3A_2511 = arith.select %eq3A_2508, %broadcast_in_dim3A_2510, %select_n3A_2383 : vector<16xi1>, vector<16xf32>
    %max3A_2512 = arith.maximumf %select_n3A_2487, %select_n3A_2495 : vector<16xf32>
    %max3A_2513 = arith.maximumf %select_n3A_2503, %select_n3A_2511 : vector<16xf32>
    %max3A_2514 = arith.maximumf %max3A_2512, %max3A_2513 : vector<16xf32>
    %rev3A_2515 = arith.constant 15 : i32
    %rev3A_2516 = vector.broadcast %rev3A_2515 : i32 to vector<16xi32>
    %rev3A_2517 = tpu.iota {dimensions = array<i32: 0>} : vector<16xi32>
    %rev3A_2518 = arith.subi %rev3A_2516, %rev3A_2517 : vector<16xi32>
    %rev3A_2519 = tpu.dynamic_gather %max3A_2514[%rev3A_2518] in [0] : vector<16xf32>, vector<16xi32> -> vector<16xf32>
    %max3A_2520 = arith.maximumf %max3A_2514, %rev3A_2519 : vector<16xf32>
    %slice3A_2521 = vector.extract_strided_slice %max3A_2520 {offsets = [0], sizes = [1], strides = [1]} : vector<16xf32> to vector<1xf32>
    %squeeze3A_2522 = vector.extract %slice3A_2521[0] : f32 from vector<1xf32>
    %slice3A_2523 = vector.extract_strided_slice %max3A_2520 {offsets = [1], sizes = [1], strides = [1]} : vector<16xf32> to vector<1xf32>
    %squeeze3A_2524 = vector.extract %slice3A_2523[0] : f32 from vector<1xf32>
    %max3A_2525 = arith.maximumf %squeeze3A_2522, %squeeze3A_2524 : f32
    %slice3A_2526 = vector.extract_strided_slice %max3A_2520 {offsets = [2], sizes = [1], strides = [1]} : vector<16xf32> to vector<1xf32>
    %squeeze3A_2527 = vector.extract %slice3A_2526[0] : f32 from vector<1xf32>
    %max3A_2528 = arith.maximumf %max3A_2525, %squeeze3A_2527 : f32
    %slice3A_2529 = vector.extract_strided_slice %max3A_2520 {offsets = [3], sizes = [1], strides = [1]} : vector<16xf32> to vector<1xf32>
    %squeeze3A_2530 = vector.extract %slice3A_2529[0] : f32 from vector<1xf32>
    %max3A_2531 = arith.maximumf %max3A_2528, %squeeze3A_2530 : f32
    %slice3A_2532 = vector.extract_strided_slice %max3A_2520 {offsets = [4], sizes = [1], strides = [1]} : vector<16xf32> to vector<1xf32>
    %squeeze3A_2533 = vector.extract %slice3A_2532[0] : f32 from vector<1xf32>
    %max3A_2534 = arith.maximumf %max3A_2531, %squeeze3A_2533 : f32
    %slice3A_2535 = vector.extract_strided_slice %max3A_2520 {offsets = [5], sizes = [1], strides = [1]} : vector<16xf32> to vector<1xf32>
    %squeeze3A_2536 = vector.extract %slice3A_2535[0] : f32 from vector<1xf32>
    %max3A_2537 = arith.maximumf %max3A_2534, %squeeze3A_2536 : f32
    %slice3A_2538 = vector.extract_strided_slice %max3A_2520 {offsets = [6], sizes = [1], strides = [1]} : vector<16xf32> to vector<1xf32>
    %squeeze3A_2539 = vector.extract %slice3A_2538[0] : f32 from vector<1xf32>
    %max3A_2540 = arith.maximumf %max3A_2537, %squeeze3A_2539 : f32
    %slice3A_2541 = vector.extract_strided_slice %max3A_2520 {offsets = [7], sizes = [1], strides = [1]} : vector<16xf32> to vector<1xf32>
    %squeeze3A_2542 = vector.extract %slice3A_2541[0] : f32 from vector<1xf32>
    %max3A_2543 = arith.maximumf %max3A_2540, %squeeze3A_2542 : f32
    %eq3A_2544 = vector.broadcast %max3A_2543 : f32 to vector<16xf32>
    %eq3A_2545 = arith.cmpf oeq, %select_n3A_2487, %eq3A_2544 : vector<16xf32>
    %add3A_2546 = arith.constant 0.000000e+00 : f32
    %add3A_2547 = vector.broadcast %add3A_2546 : f32 to vector<16xf32>
    %add3A_2548 = arith.addf %convert_element_type3A, %add3A_2547 : vector<16xf32>
    %jit3A_2549 = arith.constant 6.400000e+01 : f32
    %broadcast_in_dim3A_2550 = vector.broadcast %jit3A_2549 : f32 to vector<16xf32>
    %select_n3A_2551 = arith.select %eq3A_2545, %add3A_2548, %broadcast_in_dim3A_2550 : vector<16xi1>, vector<16xf32>
    %eq3A_2552 = vector.broadcast %max3A_2543 : f32 to vector<16xf32>
    %eq3A_2553 = arith.cmpf oeq, %select_n3A_2495, %eq3A_2552 : vector<16xf32>
    %add3A_2554 = arith.constant 1.600000e+01 : f32
    %add3A_2555 = vector.broadcast %add3A_2554 : f32 to vector<16xf32>
    %add3A_2556 = arith.addf %convert_element_type3A, %add3A_2555 : vector<16xf32>
    %jit3A_2557 = arith.constant 6.400000e+01 : f32
    %broadcast_in_dim3A_2558 = vector.broadcast %jit3A_2557 : f32 to vector<16xf32>
    %select_n3A_2559 = arith.select %eq3A_2553, %add3A_2556, %broadcast_in_dim3A_2558 : vector<16xi1>, vector<16xf32>
    %eq3A_2560 = vector.broadcast %max3A_2543 : f32 to vector<16xf32>
    %eq3A_2561 = arith.cmpf oeq, %select_n3A_2503, %eq3A_2560 : vector<16xf32>
    %add3A_2562 = arith.constant 3.200000e+01 : f32
    %add3A_2563 = vector.broadcast %add3A_2562 : f32 to vector<16xf32>
    %add3A_2564 = arith.addf %convert_element_type3A, %add3A_2563 : vector<16xf32>
    %jit3A_2565 = arith.constant 6.400000e+01 : f32
    %broadcast_in_dim3A_2566 = vector.broadcast %jit3A_2565 : f32 to vector<16xf32>
    %select_n3A_2567 = arith.select %eq3A_2561, %add3A_2564, %broadcast_in_dim3A_2566 : vector<16xi1>, vector<16xf32>
    %eq3A_2568 = vector.broadcast %max3A_2543 : f32 to vector<16xf32>
    %eq3A_2569 = arith.cmpf oeq, %select_n3A_2511, %eq3A_2568 : vector<16xf32>
    %add3A_2570 = arith.constant 4.800000e+01 : f32
    %add3A_2571 = vector.broadcast %add3A_2570 : f32 to vector<16xf32>
    %add3A_2572 = arith.addf %convert_element_type3A, %add3A_2571 : vector<16xf32>
    %jit3A_2573 = arith.constant 6.400000e+01 : f32
    %broadcast_in_dim3A_2574 = vector.broadcast %jit3A_2573 : f32 to vector<16xf32>
    %select_n3A_2575 = arith.select %eq3A_2569, %add3A_2572, %broadcast_in_dim3A_2574 : vector<16xi1>, vector<16xf32>
    %min3A_2576 = arith.minimumf %select_n3A_2551, %select_n3A_2559 : vector<16xf32>
    %min3A_2577 = arith.minimumf %select_n3A_2567, %select_n3A_2575 : vector<16xf32>
    %min3A_2578 = arith.minimumf %min3A_2576, %min3A_2577 : vector<16xf32>
    %rev3A_2579 = arith.constant 15 : i32
    %rev3A_2580 = vector.broadcast %rev3A_2579 : i32 to vector<16xi32>
    %rev3A_2581 = tpu.iota {dimensions = array<i32: 0>} : vector<16xi32>
    %rev3A_2582 = arith.subi %rev3A_2580, %rev3A_2581 : vector<16xi32>
    %rev3A_2583 = tpu.dynamic_gather %min3A_2578[%rev3A_2582] in [0] : vector<16xf32>, vector<16xi32> -> vector<16xf32>
    %min3A_2584 = arith.minimumf %min3A_2578, %rev3A_2583 : vector<16xf32>
    %slice3A_2585 = vector.extract_strided_slice %min3A_2584 {offsets = [0], sizes = [1], strides = [1]} : vector<16xf32> to vector<1xf32>
    %squeeze3A_2586 = vector.extract %slice3A_2585[0] : f32 from vector<1xf32>
    %slice3A_2587 = vector.extract_strided_slice %min3A_2584 {offsets = [1], sizes = [1], strides = [1]} : vector<16xf32> to vector<1xf32>
    %squeeze3A_2588 = vector.extract %slice3A_2587[0] : f32 from vector<1xf32>
    %min3A_2589 = arith.minimumf %squeeze3A_2586, %squeeze3A_2588 : f32
    %slice3A_2590 = vector.extract_strided_slice %min3A_2584 {offsets = [2], sizes = [1], strides = [1]} : vector<16xf32> to vector<1xf32>
    %squeeze3A_2591 = vector.extract %slice3A_2590[0] : f32 from vector<1xf32>
    %min3A_2592 = arith.minimumf %min3A_2589, %squeeze3A_2591 : f32
    %slice3A_2593 = vector.extract_strided_slice %min3A_2584 {offsets = [3], sizes = [1], strides = [1]} : vector<16xf32> to vector<1xf32>
    %squeeze3A_2594 = vector.extract %slice3A_2593[0] : f32 from vector<1xf32>
    %min3A_2595 = arith.minimumf %min3A_2592, %squeeze3A_2594 : f32
    %slice3A_2596 = vector.extract_strided_slice %min3A_2584 {offsets = [4], sizes = [1], strides = [1]} : vector<16xf32> to vector<1xf32>
    %squeeze3A_2597 = vector.extract %slice3A_2596[0] : f32 from vector<1xf32>
    %min3A_2598 = arith.minimumf %min3A_2595, %squeeze3A_2597 : f32
    %slice3A_2599 = vector.extract_strided_slice %min3A_2584 {offsets = [5], sizes = [1], strides = [1]} : vector<16xf32> to vector<1xf32>
    %squeeze3A_2600 = vector.extract %slice3A_2599[0] : f32 from vector<1xf32>
    %min3A_2601 = arith.minimumf %min3A_2598, %squeeze3A_2600 : f32
    %slice3A_2602 = vector.extract_strided_slice %min3A_2584 {offsets = [6], sizes = [1], strides = [1]} : vector<16xf32> to vector<1xf32>
    %squeeze3A_2603 = vector.extract %slice3A_2602[0] : f32 from vector<1xf32>
    %min3A_2604 = arith.minimumf %min3A_2601, %squeeze3A_2603 : f32
    %slice3A_2605 = vector.extract_strided_slice %min3A_2584 {offsets = [7], sizes = [1], strides = [1]} : vector<16xf32> to vector<1xf32>
    %squeeze3A_2606 = vector.extract %slice3A_2605[0] : f32 from vector<1xf32>
    %min3A_2607 = arith.minimumf %min3A_2604, %squeeze3A_2606 : f32
    %add3A_2608 = arith.constant 0.000000e+00 : f32
    %add3A_2609 = vector.broadcast %add3A_2608 : f32 to vector<16xf32>
    %add3A_2610 = arith.addf %convert_element_type3A, %add3A_2609 : vector<16xf32>
    %eq3A_2611 = vector.broadcast %min3A_2607 : f32 to vector<16xf32>
    %eq3A_2612 = arith.cmpf oeq, %add3A_2610, %eq3A_2611 : vector<16xf32>
    %jit3A_2613 = arith.constant 0xFF800000 : f32
    %broadcast_in_dim3A_2614 = vector.broadcast %jit3A_2613 : f32 to vector<16xf32>
    %select_n3A_2615 = arith.select %eq3A_2612, %broadcast_in_dim3A_2614, %select_n3A_2487 : vector<16xi1>, vector<16xf32>
    %add3A_2616 = arith.constant 1.600000e+01 : f32
    %add3A_2617 = vector.broadcast %add3A_2616 : f32 to vector<16xf32>
    %add3A_2618 = arith.addf %convert_element_type3A, %add3A_2617 : vector<16xf32>
    %eq3A_2619 = vector.broadcast %min3A_2607 : f32 to vector<16xf32>
    %eq3A_2620 = arith.cmpf oeq, %add3A_2618, %eq3A_2619 : vector<16xf32>
    %jit3A_2621 = arith.constant 0xFF800000 : f32
    %broadcast_in_dim3A_2622 = vector.broadcast %jit3A_2621 : f32 to vector<16xf32>
    %select_n3A_2623 = arith.select %eq3A_2620, %broadcast_in_dim3A_2622, %select_n3A_2495 : vector<16xi1>, vector<16xf32>
    %add3A_2624 = arith.constant 3.200000e+01 : f32
    %add3A_2625 = vector.broadcast %add3A_2624 : f32 to vector<16xf32>
    %add3A_2626 = arith.addf %convert_element_type3A, %add3A_2625 : vector<16xf32>
    %eq3A_2627 = vector.broadcast %min3A_2607 : f32 to vector<16xf32>
    %eq3A_2628 = arith.cmpf oeq, %add3A_2626, %eq3A_2627 : vector<16xf32>
    %jit3A_2629 = arith.constant 0xFF800000 : f32
    %broadcast_in_dim3A_2630 = vector.broadcast %jit3A_2629 : f32 to vector<16xf32>
    %select_n3A_2631 = arith.select %eq3A_2628, %broadcast_in_dim3A_2630, %select_n3A_2503 : vector<16xi1>, vector<16xf32>
    %add3A_2632 = arith.constant 4.800000e+01 : f32
    %add3A_2633 = vector.broadcast %add3A_2632 : f32 to vector<16xf32>
    %add3A_2634 = arith.addf %convert_element_type3A, %add3A_2633 : vector<16xf32>
    %eq3A_2635 = vector.broadcast %min3A_2607 : f32 to vector<16xf32>
    %eq3A_2636 = arith.cmpf oeq, %add3A_2634, %eq3A_2635 : vector<16xf32>
    %jit3A_2637 = arith.constant 0xFF800000 : f32
    %broadcast_in_dim3A_2638 = vector.broadcast %jit3A_2637 : f32 to vector<16xf32>
    %select_n3A_2639 = arith.select %eq3A_2636, %broadcast_in_dim3A_2638, %select_n3A_2511 : vector<16xi1>, vector<16xf32>
    %eq3A_2640 = arith.constant 0xFF800000 : f32
    %eq3A_2641 = vector.broadcast %eq3A_2640 : f32 to vector<16xf32>
    %eq3A_2642 = arith.cmpf oeq, %select_n3A_2615, %eq3A_2641 : vector<16xf32>
    %jit3A_2643 = arith.constant 0.000000e+00 : f32
    %broadcast_in_dim3A_2644 = vector.broadcast %jit3A_2643 : f32 to vector<16xf32>
    %select_n3A_2645 = arith.select %eq3A_2642, %get3A_1344, %broadcast_in_dim3A_2644 : vector<16xi1>, vector<16xf32>
    %swap3A_2646 = arith.constant 1 : i32
    %swap3A_2647 = arith.index_cast %swap3A_2646 : i32 to index
    %swap3A_2648 = arith.constant 0 : index
    %swap3A_2649 = tpu.vector_load %arg5[%swap3A_2647, %swap3A_2648] {strides = array<i32>} : memref<2x64xf32, #tpu.memory_space<vmem>>, vector<1x16xf32>,
    %swap3A_2650 = vector.shape_cast %swap3A_2649 : vector<1x16xf32> to vector<16xf32>
    %swap3A_2651 = vector.shape_cast %select_n3A_2645 : vector<16xf32> to vector<1x16xf32>
    tpu.vector_store %arg5[%swap3A_2647, %swap3A_2648], %swap3A_2651 {strides = array<i32>} : memref<2x64xf32, #tpu.memory_space<vmem>>, vector<1x16xf32>,
    %eq3A_2652 = arith.constant 0xFF800000 : f32
    %eq3A_2653 = vector.broadcast %eq3A_2652 : f32 to vector<16xf32>
    %eq3A_2654 = arith.cmpf oeq, %select_n3A_2623, %eq3A_2653 : vector<16xf32>
    %jit3A_2655 = arith.constant 0.000000e+00 : f32
    %broadcast_in_dim3A_2656 = vector.broadcast %jit3A_2655 : f32 to vector<16xf32>
    %select_n3A_2657 = arith.select %eq3A_2654, %get3A_1349, %broadcast_in_dim3A_2656 : vector<16xi1>, vector<16xf32>
    %swap3A_2658 = arith.constant 1 : i32
    %swap3A_2659 = arith.index_cast %swap3A_2658 : i32 to index
    %swap3A_2660 = arith.constant 16 : index
    %swap3A_2661 = tpu.vector_load %arg5[%swap3A_2659, %swap3A_2660] {strides = array<i32>} : memref<2x64xf32, #tpu.memory_space<vmem>>, vector<1x16xf32>,
    %swap3A_2662 = vector.shape_cast %swap3A_2661 : vector<1x16xf32> to vector<16xf32>
    %swap3A_2663 = vector.shape_cast %select_n3A_2657 : vector<16xf32> to vector<1x16xf32>
    tpu.vector_store %arg5[%swap3A_2659, %swap3A_2660], %swap3A_2663 {strides = array<i32>} : memref<2x64xf32, #tpu.memory_space<vmem>>, vector<1x16xf32>,
    %eq3A_2664 = arith.constant 0xFF800000 : f32
    %eq3A_2665 = vector.broadcast %eq3A_2664 : f32 to vector<16xf32>
    %eq3A_2666 = arith.cmpf oeq, %select_n3A_2631, %eq3A_2665 : vector<16xf32>
    %jit3A_2667 = arith.constant 0.000000e+00 : f32
    %broadcast_in_dim3A_2668 = vector.broadcast %jit3A_2667 : f32 to vector<16xf32>
    %select_n3A_2669 = arith.select %eq3A_2666, %get3A_1354, %broadcast_in_dim3A_2668 : vector<16xi1>, vector<16xf32>
    %swap3A_2670 = arith.constant 1 : i32
    %swap3A_2671 = arith.index_cast %swap3A_2670 : i32 to index
    %swap3A_2672 = arith.constant 32 : index
    %swap3A_2673 = tpu.vector_load %arg5[%swap3A_2671, %swap3A_2672] {strides = array<i32>} : memref<2x64xf32, #tpu.memory_space<vmem>>, vector<1x16xf32>,
    %swap3A_2674 = vector.shape_cast %swap3A_2673 : vector<1x16xf32> to vector<16xf32>
    %swap3A_2675 = vector.shape_cast %select_n3A_2669 : vector<16xf32> to vector<1x16xf32>
    tpu.vector_store %arg5[%swap3A_2671, %swap3A_2672], %swap3A_2675 {strides = array<i32>} : memref<2x64xf32, #tpu.memory_space<vmem>>, vector<1x16xf32>,
    %eq3A_2676 = arith.constant 0xFF800000 : f32
    %eq3A_2677 = vector.broadcast %eq3A_2676 : f32 to vector<16xf32>
    %eq3A_2678 = arith.cmpf oeq, %select_n3A_2639, %eq3A_2677 : vector<16xf32>
    %jit3A_2679 = arith.constant 0.000000e+00 : f32
    %broadcast_in_dim3A_2680 = vector.broadcast %jit3A_2679 : f32 to vector<16xf32>
    %select_n3A_2681 = arith.select %eq3A_2678, %get3A_1359, %broadcast_in_dim3A_2680 : vector<16xi1>, vector<16xf32>
    %swap3A_2682 = arith.constant 1 : i32
    %swap3A_2683 = arith.index_cast %swap3A_2682 : i32 to index
    %swap3A_2684 = arith.constant 48 : index
    %swap3A_2685 = tpu.vector_load %arg5[%swap3A_2683, %swap3A_2684] {strides = array<i32>} : memref<2x64xf32, #tpu.memory_space<vmem>>, vector<1x16xf32>,
    %swap3A_2686 = vector.shape_cast %swap3A_2685 : vector<1x16xf32> to vector<16xf32>
    %swap3A_2687 = vector.shape_cast %select_n3A_2681 : vector<16xf32> to vector<1x16xf32>
    tpu.vector_store %arg5[%swap3A_2683, %swap3A_2684], %swap3A_2687 {strides = array<i32>} : memref<2x64xf32, #tpu.memory_space<vmem>>, vector<1x16xf32>,
    "tpu.region"() ({
      %run_scoped3A = tpu.sem_alloc : memref<!tpu.dma_semaphore, #tpu.memory_space<semaphore_mem>>
      %dma_start3A = arith.constant 0 : i32
      %dma_start3A_2688 = tpu.memref_slice %arg3[%mul3A_2, %dma_start3A] : memref<64x64xf32, #tpu.memory_space<hbm>> -> memref<2x64xf32, #tpu.memory_space<hbm>>
      %dma_start3A_2689 = arith.constant 0 : i32
      %dma_start3A_2690 = tpu.memref_slice %arg3[%mul3A_2, %dma_start3A_2689] : memref<64x64xf32, #tpu.memory_space<hbm>> -> memref<2x64xf32, #tpu.memory_space<hbm>>
      tpu.enqueue_dma source(%arg5 : memref<2x64xf32, #tpu.memory_space<vmem>>) target(%dma_start3A_2690 : memref<2x64xf32, #tpu.memory_space<hbm>>) target_semaphore(%run_scoped3A : memref<!tpu.dma_semaphore, #tpu.memory_space<semaphore_mem>>)
      %dma_wait3A = arith.constant 0 : i32
      %dma_wait3A_2691 = tpu.memref_slice %arg3[%mul3A_2, %dma_wait3A] : memref<64x64xf32, #tpu.memory_space<hbm>> -> memref<2x64xf32, #tpu.memory_space<hbm>>
      %dma_wait3A_2692 = arith.constant 0 : i32
      %dma_wait3A_2693 = tpu.memref_slice %arg3[%mul3A_2, %dma_wait3A_2692] : memref<64x64xf32, #tpu.memory_space<hbm>> -> memref<2x64xf32, #tpu.memory_space<hbm>>
      tpu.wait_dma2 semaphore(%run_scoped3A : memref<!tpu.dma_semaphore, #tpu.memory_space<semaphore_mem>>) src(%arg5 : memref<2x64xf32, #tpu.memory_space<vmem>>) dst(%dma_wait3A_2693 : memref<2x64xf32, #tpu.memory_space<hbm>>)
      tpu.yield
    }) : () -> ()
    return
  }
}

module attributes {stable_mosaic.version = 14 : i64} {
  func.func @_head_kernel(%arg0: memref<64x256xf32, #tpu.memory_space<vmem>>, %arg1: memref<256x128xf32, #tpu.memory_space<vmem>>, %arg2: memref<1x128xf32, #tpu.memory_space<vmem>>, %arg3: memref<1x128xf32, #tpu.memory_space<vmem>>, %arg4: memref<1x128xf32, #tpu.memory_space<vmem>>, %arg5: memref<128x64xf32, #tpu.memory_space<vmem>>, %arg6: memref<1x64xf32, #tpu.memory_space<vmem>>, %arg7: memref<64x100xf32, #tpu.memory_space<vmem>>, %arg8: memref<1x100xf32, #tpu.memory_space<vmem>>, %arg9: memref<64x64xf32, #tpu.memory_space<vmem>>, %arg10: memref<64x100xf32, #tpu.memory_space<vmem>>) attributes {dimension_semantics = [], scalar_prefetch = 0 : i64, scratch_operands = 0 : i64, tpu.core_type = #tpu.core_type<tc>} {
    %get3A = arith.constant 0 : index
    %get3A_0 = arith.constant 0 : index
    %get3A_1 = vector.load %arg0[%get3A, %get3A_0] : memref<64x256xf32, #tpu.memory_space<vmem>>, vector<64x256xf32>
    %convert_element_type3A = arith.truncf %get3A_1 : vector<64x256xf32> to vector<64x256xbf16>
    %get3A_2 = arith.constant 0 : index
    %get3A_3 = arith.constant 0 : index
    %get3A_4 = vector.load %arg1[%get3A_2, %get3A_3] : memref<256x128xf32, #tpu.memory_space<vmem>>, vector<256x128xf32>
    %convert_element_type3A_5 = arith.truncf %get3A_4 : vector<256x128xf32> to vector<256x128xbf16>
    %dot_general3A = arith.constant dense<0.000000e+00> : vector<64x128xf32>
    %dot_general3A_6 = tpu.matmul %convert_element_type3A, %convert_element_type3A_5, %dot_general3A {dimension_numbers = #tpu.dot_dimension_numbers<[1], [0], [0], [1], [0, 0, 1, 1], [], []>, transpose_lhs_hint = false} : vector<64x256xbf16>, vector<256x128xbf16>, vector<64x128xf32> -> vector<64x128xf32>
    %get3A_7 = arith.constant 0 : index
    %get3A_8 = arith.constant 0 : index
    %get3A_9 = vector.load %arg2[%get3A_7, %get3A_8] : memref<1x128xf32, #tpu.memory_space<vmem>>, vector<1x128xf32>
    %add3A = vector.broadcast %get3A_9 : vector<1x128xf32> to vector<64x128xf32>
    %add3A_10 = arith.addf %dot_general3A_6, %add3A : vector<64x128xf32>
    %max3A = arith.constant 0.000000e+00 : f32
    %max3A_11 = vector.broadcast %max3A : f32 to vector<64x128xf32>
    %max3A_12 = arith.maximumf %add3A_10, %max3A_11 : vector<64x128xf32>
    %reduce_sum3A = arith.constant dense<0.000000e+00> : vector<128xf32>
    %reduce_sum3A_13 = vector.multi_reduction <add>, %max3A_12, %reduce_sum3A [0] : vector<64x128xf32> to vector<128xf32>
    %broadcast_in_dim3A = vector.shape_cast %reduce_sum3A_13 : vector<128xf32> to vector<1x128xf32>
    %div3A = arith.constant 6.400000e+01 : f32
    %div3A_14 = vector.broadcast %div3A : f32 to vector<1x128xf32>
    %div3A_15 = arith.divf %broadcast_in_dim3A, %div3A_14 : vector<1x128xf32>
    %sub3A = vector.broadcast %div3A_15 : vector<1x128xf32> to vector<64x128xf32>
    %sub3A_16 = arith.subf %max3A_12, %sub3A : vector<64x128xf32>
    %sub3A_17 = vector.broadcast %div3A_15 : vector<1x128xf32> to vector<64x128xf32>
    %sub3A_18 = arith.subf %max3A_12, %sub3A_17 : vector<64x128xf32>
    %mul3A = arith.mulf %sub3A_16, %sub3A_18 : vector<64x128xf32>
    %reduce_sum3A_19 = arith.constant dense<0.000000e+00> : vector<128xf32>
    %reduce_sum3A_20 = vector.multi_reduction <add>, %mul3A, %reduce_sum3A_19 [0] : vector<64x128xf32> to vector<128xf32>
    %broadcast_in_dim3A_21 = vector.shape_cast %reduce_sum3A_20 : vector<128xf32> to vector<1x128xf32>
    %div3A_22 = arith.constant 6.400000e+01 : f32
    %div3A_23 = vector.broadcast %div3A_22 : f32 to vector<1x128xf32>
    %div3A_24 = arith.divf %broadcast_in_dim3A_21, %div3A_23 : vector<1x128xf32>
    %sub3A_25 = vector.broadcast %div3A_15 : vector<1x128xf32> to vector<64x128xf32>
    %sub3A_26 = arith.subf %max3A_12, %sub3A_25 : vector<64x128xf32>
    %add3A_27 = arith.constant 9.99999974E-6 : f32
    %add3A_28 = vector.broadcast %add3A_27 : f32 to vector<1x128xf32>
    %add3A_29 = arith.addf %div3A_24, %add3A_28 : vector<1x128xf32>
    %sqrt3A = math.sqrt %add3A_29 : vector<1x128xf32>
    %div3A_30 = vector.broadcast %sqrt3A : vector<1x128xf32> to vector<64x128xf32>
    %div3A_31 = arith.divf %sub3A_26, %div3A_30 : vector<64x128xf32>
    %get3A_32 = arith.constant 0 : index
    %get3A_33 = arith.constant 0 : index
    %get3A_34 = vector.load %arg3[%get3A_32, %get3A_33] : memref<1x128xf32, #tpu.memory_space<vmem>>, vector<1x128xf32>
    %mul3A_35 = vector.broadcast %get3A_34 : vector<1x128xf32> to vector<64x128xf32>
    %mul3A_36 = arith.mulf %div3A_31, %mul3A_35 : vector<64x128xf32>
    %get3A_37 = arith.constant 0 : index
    %get3A_38 = arith.constant 0 : index
    %get3A_39 = vector.load %arg4[%get3A_37, %get3A_38] : memref<1x128xf32, #tpu.memory_space<vmem>>, vector<1x128xf32>
    %add3A_40 = vector.broadcast %get3A_39 : vector<1x128xf32> to vector<64x128xf32>
    %add3A_41 = arith.addf %mul3A_36, %add3A_40 : vector<64x128xf32>
    %convert_element_type3A_42 = arith.truncf %add3A_41 : vector<64x128xf32> to vector<64x128xbf16>
    %get3A_43 = arith.constant 0 : index
    %get3A_44 = arith.constant 0 : index
    %get3A_45 = vector.load %arg5[%get3A_43, %get3A_44] : memref<128x64xf32, #tpu.memory_space<vmem>>, vector<128x64xf32>
    %convert_element_type3A_46 = arith.truncf %get3A_45 : vector<128x64xf32> to vector<128x64xbf16>
    %dot_general3A_47 = arith.constant dense<0.000000e+00> : vector<64x64xf32>
    %dot_general3A_48 = tpu.matmul %convert_element_type3A_42, %convert_element_type3A_46, %dot_general3A_47 {dimension_numbers = #tpu.dot_dimension_numbers<[1], [0], [0], [1], [0, 0, 1, 1], [], []>, transpose_lhs_hint = false} : vector<64x128xbf16>, vector<128x64xbf16>, vector<64x64xf32> -> vector<64x64xf32>
    %get3A_49 = arith.constant 0 : index
    %get3A_50 = arith.constant 0 : index
    %get3A_51 = vector.load %arg6[%get3A_49, %get3A_50] : memref<1x64xf32, #tpu.memory_space<vmem>>, vector<1x64xf32>
    %add3A_52 = vector.broadcast %get3A_51 : vector<1x64xf32> to vector<64x64xf32>
    %add3A_53 = arith.addf %dot_general3A_48, %add3A_52 : vector<64x64xf32>
    %convert_element_type3A_54 = arith.truncf %add3A_53 : vector<64x64xf32> to vector<64x64xbf16>
    %get3A_55 = arith.constant 0 : index
    %get3A_56 = arith.constant 0 : index
    %get3A_57 = vector.load %arg7[%get3A_55, %get3A_56] : memref<64x100xf32, #tpu.memory_space<vmem>>, vector<64x100xf32>
    %convert_element_type3A_58 = arith.truncf %get3A_57 : vector<64x100xf32> to vector<64x100xbf16>
    %dot_general3A_59 = arith.constant dense<0.000000e+00> : vector<64x100xf32>
    %dot_general3A_60 = tpu.matmul %convert_element_type3A_54, %convert_element_type3A_58, %dot_general3A_59 {dimension_numbers = #tpu.dot_dimension_numbers<[1], [0], [0], [1], [0, 0, 1, 1], [], []>, transpose_lhs_hint = false} : vector<64x64xbf16>, vector<64x100xbf16>, vector<64x100xf32> -> vector<64x100xf32>
    %get3A_61 = arith.constant 0 : index
    %get3A_62 = arith.constant 0 : index
    %get3A_63 = vector.load %arg8[%get3A_61, %get3A_62] : memref<1x100xf32, #tpu.memory_space<vmem>>, vector<1x100xf32>
    %add3A_64 = vector.broadcast %get3A_63 : vector<1x100xf32> to vector<64x100xf32>
    %add3A_65 = arith.addf %dot_general3A_60, %add3A_64 : vector<64x100xf32>
    %swap3A = arith.constant 0 : index
    %swap3A_66 = arith.constant 0 : index
    %swap3A_67 = vector.load %arg9[%swap3A, %swap3A_66] : memref<64x64xf32, #tpu.memory_space<vmem>>, vector<64x64xf32>
    tpu.vector_store %arg9[%swap3A, %swap3A_66], %add3A_53 {strides = array<i32>} : memref<64x64xf32, #tpu.memory_space<vmem>>, vector<64x64xf32>,
    %neg3A = arith.constant 0.000000e+00 : f32
    %neg3A_68 = vector.broadcast %neg3A : f32 to vector<64x100xf32>
    %neg3A_69 = arith.subf %neg3A_68, %add3A_65 : vector<64x100xf32>
    %exp3A = math.exp %neg3A_69 : vector<64x100xf32>
    %add3A_70 = arith.constant 1.000000e+00 : f32
    %add3A_71 = vector.broadcast %add3A_70 : f32 to vector<64x100xf32>
    %add3A_72 = arith.addf %add3A_71, %exp3A : vector<64x100xf32>
    %div3A_73 = arith.constant 1.000000e+00 : f32
    %div3A_74 = vector.broadcast %div3A_73 : f32 to vector<64x100xf32>
    %div3A_75 = arith.divf %div3A_74, %add3A_72 : vector<64x100xf32>
    %swap3A_76 = arith.constant 0 : index
    %swap3A_77 = arith.constant 0 : index
    %swap3A_78 = vector.load %arg10[%swap3A_76, %swap3A_77] : memref<64x100xf32, #tpu.memory_space<vmem>>, vector<64x100xf32>
    tpu.vector_store %arg10[%swap3A_76, %swap3A_77], %div3A_75 {strides = array<i32>} : memref<64x100xf32, #tpu.memory_space<vmem>>, vector<64x100xf32>,
    return
  }
}

</mosaic_0001>

<sc_bundles>
// kernel: kernel.4.cloned.1.call-start
scs
__scs_entry_jumppad:
0x0: {  	(pc) =	sbr.rel $0x88, $3  }
0x1: {  	(tag) =	ssettag $0x0;
	lr =	simm.s32 $0x1  }
0x2: {  	[smem:$0x3F88] =	sst lr;
	_ =	strace $0xD0000000  }
0x3: {  	_ = 	snop  }
0x4: {  	_ = 	snop  }
0x5: {  	_ = 	snop  }
0x6: {  	_ = 	snop  }
0x7: {  	_ = 	snop  }
__scs_overlays_trampoline_lowered:
0x8: {  	[smem:$0x3F97] =	sst s0  }
0x9: {  	[smem:$0x3F98] =	sst s1  }
0xa: {  	[smem:$0x3F99] =	sst s2  }
0xb: {  	[smem:$0x3F9A] =	sst s3  }
0xc: {  	[smem:$0x3F9B] =	sst s4  }
0xd: {  	[smem:$0x3F9C] =	sst s5  }
0xe: {  	[smem:$0x3F9D] =	sst s6  }
0xf: {  	[smem:$0x3F9E] =	sst s7  }
0x10: {  	[smem:$0x3F9F] =	sst s8  }
0x11: {  	[smem:$0x3FA0] =	sst s9;
	s0 =	simm.s32 @!p0 $0x0  }
0x12: {  	s1 =	sld [smem:$0x3F86];
	s0 =	simm.s32 @p0 $0x1  }
0x13: {  	[smem:$0x3FA1] =	sst s0;
	s0 =	simm.s32 @!p1 $0x0  }
0x14: {  	s2 =	sld [smem:$0x3F85];
	s0 =	simm.s32 @p1 $0x1  }
0x15: {  	[smem:$0x3FA2] =	sst s0;
	s0 =	simm.s32 @!p2 $0x0  }
0x16: {  	s3 =	sld [smem:$0x3FDB];
	s0 =	simm.s32 @p2 $0x1  }
0x17: {  	s4 =	simm.s32 $0x1BF5;
	[smem:$0x3FA4] =	sst s0  }
0x18: {  	s0 =	sld [smem:$0x3F87];
	_ =	swait.ge [sflag:s4], $0x0  }
0x19: {  	s7 =	sld [smem:$0x3F88]  }
0x1a: {  	s8 =	sadd.s32 $0xFFFFE003, lr  }
0x1b: {  	s9 =	sadd.s32 $0xFFFFFEF7, lr;
	s5 =	simm.s32 $0xFFFFFFFF;
	p2 =	slt.u32 s8, $0xFFFFF086  }
0x1c: {  	p1 =	slt.u32 s9, $0xF7A;
	s5 =	simm.s32 @!p2 $0x0  }
0x1d: {  	s5 =	simm.s32 @p1 $0x1;
	p0 =	seq.s32 s7, s2  }
0x1e: {  	s7 =	smul.u32 @!p0 $0xF7A, s2;
	p2 =	seq.s32 @!p0 s5, $0x0  }
0x1f: {  	s9 =	smul.u32 $0xF7A, s1;
	s8 =	simm.s32 @!p0 $0x1BF5;
	p2 =	por !p2, p0  }
0x20: {  	[sflag:s8] =	ssyncset.s32 @!p0 $0xFFFFF086;
	s6 =	sadd.s32 @!p0 s3, s7;
	s7 =	simm.s32 @!p0 $0x108  }
0x21: {  	s3 =	sadd.s32 s3, s9;
	s6 =	sadd.s32 @!p0 $0x88, s6;
	s7 =	simm.s32 @p2 $0x1082  }
0x22: {  	[simem:s7], [sflag:s8] =	dma.local @!p0 [hbm:s6], $0xF7A  }
0x23: {  	s9 =	sor.u32 $0xD0000000, s2;
	s6 =	simm.s32 $0x108;
	_ =	swait.ge @!p0 [sflag:s8], $0x0  }
0x24: {  	s3 =	sadd.s32 $0x88, s3;
	s6 =	simm.s32 @!p1 $0x1082;
	[sflag:s4] =	ssyncset.s32 $0xFFFFF086  }
0x25: {  	[simem:s6], [sflag:s4] =	dma.local [hbm:s3], $0xF7A  }
0x26: {  	[smem:$0x3F88] =	sst s1;
	(tag) =	ssettag s2;
	_ =	strace s9  }
0x27: {  	s1 =	sld [smem:$0x3F98]  }
0x28: {  	s2 =	sld [smem:$0x3F99]  }
0x29: {  	s4 =	sld [smem:$0x3F9B]  }
0x2a: {  	p0 =	seq.s32 s5, $0x0;
	s5 =	sld [smem:$0x3F9C]  }
0x2b: {  	s6 =	sld [smem:$0x3F9D]  }
0x2c: {  	s7 =	sld [smem:$0x3F9E]  }
0x2d: {  	s3 =	simm.s32 $0x108;
	s8 =	sld [smem:$0x3F9F]  }
0x2e: {  	s3 =	simm.s32 @!p0 $0x1082;
	s9 =	sld [smem:$0x3FA0]  }
0x2f: {  	lr =	sadd.s32 s0, s3;
	s0 =	sld [smem:$0x3F97]  }
0x30: {  	s3 =	sld [smem:$0x3F9A]  }
0x31: {  	[smem:$0x3FA3] =	sst s10  }
0x32: {  	s10 =	sld [smem:$0x3FA1];
	_ =	sdelay $0x3  }
0x33: {  	p0 =	seq.s32 s10, $0x1;
	s10 =	sld [smem:$0x3FA3];
	_ =	sdelay $0x3  }
0x34: {  	[smem:$0x3FA3] =	sst s10  }
0x35: {  	s10 =	sld [smem:$0x3FA2];
	_ =	sdelay $0x3  }
0x36: {  	p1 =	seq.s32 s10, $0x1;
	s10 =	sld [smem:$0x3FA3];
	_ =	sdelay $0x3  }
0x37: {  	[smem:$0x3FA3] =	sst s10  }
0x38: {  	s10 =	sld [smem:$0x3FA4]  }
0x39: {  	_ = 	snop;
	(pc) =	sbr.ind lr, $3  }
0x3a: {  	_ = 	snop  }
0x3b: {  	_ = 	snop  }
0x3c: {  	p2 =	seq.s32 s10, $0x1;
	s10 =	sld [smem:$0x3FA3]  }
0x3d: {  	_ =	shalt  }
0x3e: {  	_ =	shalt  }
0x3f: {  	_ =	shalt  }
0x40: {  	_ =	shalt  }
0x41: {  	_ =	shalt  }
0x42: {  	_ =	shalt  }
0x43: {  	_ =	shalt  }
0x44: {  	_ =	shalt  }
0x45: {  	_ =	shalt  }
0x46: {  	_ =	shalt  }
0x47: {  	_ =	shalt  }
0x48: {  	_ =	shalt  }
0x49: {  	_ =	shalt  }
0x4a: {  	_ =	shalt  }
0x4b: {  	_ =	shalt  }
0x4c: {  	_ =	shalt  }
0x4d: {  	_ =	shalt  }
0x4e: {  	_ =	shalt  }
0x4f: {  	_ =	shalt  }
0x50: {  	_ =	shalt  }
0x51: {  	_ =	shalt  }
0x52: {  	_ =	shalt  }
0x53: {  	_ =	shalt  }
0x54: {  	_ =	shalt  }
0x55: {  	_ =	shalt  }
0x56: {  	_ =	shalt  }
0x57: {  	_ =	shalt  }
0x58: {  	_ =	shalt  }
0x59: {  	_ =	shalt  }
0x5a: {  	_ =	shalt  }
0x5b: {  	_ =	shalt  }
0x5c: {  	_ =	shalt  }
0x5d: {  	_ =	shalt  }
0x5e: {  	_ =	shalt  }
0x5f: {  	_ =	shalt  }
0x60: {  	_ =	shalt  }
0x61: {  	_ =	shalt  }
0x62: {  	_ =	shalt  }
0x63: {  	_ =	shalt  }
0x64: {  	_ =	shalt  }
0x65: {  	_ =	shalt  }
0x66: {  	_ =	shalt  }
0x67: {  	_ =	shalt  }
0x68: {  	_ =	shalt  }
0x69: {  	_ =	shalt  }
0x6a: {  	_ =	shalt  }
0x6b: {  	_ =	shalt  }
0x6c: {  	_ =	shalt  }
0x6d: {  	_ =	shalt  }
0x6e: {  	_ =	shalt  }
0x6f: {  	_ =	shalt  }
0x70: {  	_ =	shalt  }
0x71: {  	_ =	shalt  }
0x72: {  	_ =	shalt  }
0x73: {  	_ =	shalt  }
0x74: {  	_ =	shalt  }
0x75: {  	_ =	shalt  }
0x76: {  	_ =	shalt  }
0x77: {  	_ =	shalt  }
0x78: {  	_ =	shalt  }
0x79: {  	_ =	shalt  }
0x7a: {  	_ =	shalt  }
0x7b: {  	_ =	shalt  }
0x7c: {  	_ =	shalt  }
0x7d: {  	_ =	shalt  }
0x7e: {  	_ =	shalt  }
0x7f: {  	_ =	shalt  }
0x80: {  	_ =	shalt  }
0x81: {  	_ =	shalt  }
0x82: {  	_ =	shalt  }
0x83: {  	_ =	shalt  }
0x84: {  	_ =	shalt  }
0x85: {  	_ =	shalt  }
0x86: {  	_ =	shalt  }
0x87: {  	_ =	shalt  }
.Lfunc_end0:
.L_simem_size_0:
called_computation_lowered:
.L_overlay_start_0:
0x88: {  	s2 =	sld [smem:$0x3FD9]  }
0x89: {  	s3 =	sld [smem:$0x3FFE];
	_ =	sdelay $0x1  }
0x8a: {  	s1 =	srdreg.scid  }
0x8b: {  	s0 =	sand.u32 $0x1, s1  }
0x8c: {  	s15 =	sshll.u32 s0, $0xA;
	s2 =	sadd.s32 s3, s2  }
0x8d: {  	s2 =	sadd.s32 s2, s15  }
0x8e: {  	[smem:$0x3FAF] =	sst s2  }
0x8f: {  	_ = 	snop  }
0x90: {  	s2 =	sld [smem:$0x3FD0];
	_ =	sdelay $0x2  }
0x91: {  	s16 =	simm.s32 $0xA;
	s4 =	simm.s32 $0x10  }
0x92: {  	[smem:s4], [sflag:s16] =	dma.local [hbm:s2], $0x1  }
0x93: {  	_ =	swait.eq [sflag:s16], $0x1  }
0x94: {  	[sflag:s16] =	ssyncset.done $0x0  }
0x95: {  	s17 =	sld [smem:$0x10];
	[sflag:s16] =	ssyncadd.s32 $0xFFFFFFFF  }
0x96: {  	s18 =	sld [smem:$0x11];
	(tm) =	ssettm $0x1  }
0x97: {  	s19 =	sld [smem:$0x3FFB];
	_ =	sdelay $0x3  }
0x98: {  	_ =	strace s19  }
0x99: {  	s4 =	sld [smem:$0x3FFC];
	_ =	sdelay $0x3  }
0x9a: {  	_ =	strace s4  }
0x9b: {  	s4 =	sld [smem:$0x3FFD];
	_ =	sdelay $0x3  }
0x9c: {  	_ =	strace s4  }
0x9d: {  	_ =	strace $0x8FFFFFFF  }
0x9e: {  	s20 =	sld [smem:$0x3FDB];
	_ =	sdelay $0x1  }
0x9f: {  	s5 =	simm.s32 $_scs_section_size  }
0xa0: {  	s6 =	simm.s32 $_size__tile_overlayer_lowered;
	s7 =	simm.s32 $_tile_overlayer_lowered  }
0xa1: {  	s23 =	simm.s32 $0x1BFF;
	s22 =	sshll.u32 s7, $0x1;
	s4 =	sadd.s32 s5, s20  }
0xa2: {  	s8 =	simm.s32 $0x0;
	s21 =	sshll.u32 s6, $0x1;
	s6 =	sadd.s32 s22, s4  }
0xa3: {  	[timem:s8], [sflag:s23] =	dma.local [hbm:s6], s21  }
0xa4: {  	_ =	swait.ge [sflag:s23], s21  }
0xa5: {  	s5 =	ssub.s32 $0x0, s21;
	[sflag:s23] =	ssyncset.done $0x0  }
0xa6: {  	[sflag:s23] =	ssyncadd.s32 s5;
	_ =	sdelay $0x1  }
0xa7: {  	s24 =	simm.s32 $0x1B8B  }
0xa8: {  	_ =	swait.ge [sflag:s24], $0x1  }
0xa9: {  	[sflag:s24] =	ssyncset.done $0x0  }
0xaa: {  	s25 =	simm.s32 $0x1B8E;
	[sflag:s24] =	ssyncadd.s32 $0xFFFFFFFF  }
0xab: {  	s26 =	simm.s32 $execute0_lowered;
	[smem:$0x3FD2] =	sst s25  }
0xac: {  	s5 =	sshll.u32 s26, $0x1;
	_ =	strace $0x80000046;
	[dreg:$0x1] =	wrdreg $0xFFFFFFFF  }
0xad: {  	s28 =	simm.s32 $_size_execute0_lowered;
	s4 =	sadd.s32 s4, s5;
	[dreg:$0x0] =	wrdreg $0x0  }
0xae: {  	s5 =	sshll.u32 s28, $0x1;
	[dreg:$0x2] =	wrdreg s4  }
0xaf: {  	[dreg:$0x3] =	wrdreg s5  }
0xb0: {  	[dreg:$0x4] =	wrdreg $0xC0  }
0xb1: {  	_ =	task [dreg:s8], $0x5FFFF  }
0xb2: {  	[dreg:$0x1] =	wrdreg $0xFFFFFFFF  }
0xb3: {  	[dreg:$0x0] =	wrdreg $0x60  }
0xb4: {  	[dreg:$0x2] =	wrdreg s18  }
0xb5: {  	[dreg:$0x3] =	wrdreg s17  }
0xb6: {  	[dreg:$0x4] =	wrdreg $0x9  }
0xb7: {  	_ =	task.clear_ibuf [dreg:s8], $0x5FFFF;
	_ =	strace $0x90000046  }
0xb8: {  	s29 =	simm.s32 $0x9;
	_ =	strace $0x80000048  }
0xb9: {  	_ =	swait.ge [sflag:s29], $0x1  }
0xba: {  	[sflag:s29] =	ssyncadd.s32 $0xFFFFFFFF  }
0xbb: {  	_ =	strace $0x90000048  }
0xbc: {  	_ =	sfence  }
0xbd: {  	s30 =	sld [smem:$0x0];
	_ =	sdelay $0x2  }
0xbe: {  	s31 =	sshll.u32 s1, $0xD;
	s1 =	sshrl.u32 s1, $0x2  }
0xbf: {  	s3 =	sand.u32 $0x4000, s31;
	s1 =	sadd.s32 s1, s30  }
0xc0: {  	s0 =	sor.u32 s3, s0;
	s1 =	sshll.u32 s1, $0x11  }
0xc1: {  	s0 =	sor.u32 s1, s0  }
0xc2: {  	s0 =	sadd.s32 $0x8F2B, s0  }
0xc3: {  	[sflag:s0] =	ssyncadd.remote.s32 $0x1  }
0xc4: {  	_ =	sfence.sel $0xFFFF  }
0xc5: {  	[dreg:$0x0] =	wrdreg $0xFFFFFFFF;
	(pc) =	sbr.abs _section_cstart, $3  }
0xc6: {  	[dreg:$0x1] =	wrdreg $0xFFFFFFFF  }
0xc7: {  	_ =	task.clear_ibuf [dreg:s8], $0x2FFFF;
	_ =	strace $0x9FFFFFFF  }
0xc8: {  	(tm) =	ssettm $0x7FFFFFFF  }
0xc9: {  	_ =	shalt  }
tec
execute0_lowered:
.L_overlay_start_1:
0x0: {  	(tag) =	ssettag $0x1  }
0x1: {  	v0 =	vimm.f32 $1.500000000e+01;
	vm14 =	vcmask $0x300  }
0x2: {  	vm13 =	vcmask $0x704;
	v0 =	vsel vm14, $0x0, v0  }
0x3: {  	vm12 =	vcmask $0xB08;
	v0 =	vsel vm13, $0x3F800000, v0  }
0x4: {  	vm11 =	vcmask $0xF0C;
	v0 =	vsel vm12, $0x40000000, v0  }
0x5: {  	vm10 =	vcmask $0x1310;
	v0 =	vsel vm11, $0x40400000, v0  }
0x6: {  	vm9 =	vcmask $0x1714;
	v0 =	vsel vm10, $0x40800000, v0  }
0x7: {  	vm8 =	vcmask $0x1B18;
	v0 =	vsel vm9, $0x40A00000, v0  }
0x8: {  	vm7 =	vcmask $0x1F1C;
	v0 =	vsel vm8, $0x40C00000, v0  }
0x9: {  	vm6 =	vcmask $0x2320;
	v0 =	vsel vm7, $0x40E00000, v0  }
0xa: {  	vm5 =	vcmask $0x2724;
	v0 =	vsel vm6, $0x41000000, v0  }
0xb: {  	vm4 =	vcmask $0x2B28;
	v0 =	vsel vm5, $0x41100000, v0  }
0xc: {  	vm3 =	vcmask $0x2F2C;
	v1 =	vlaneseq.u32;
	v0 =	vsel vm4, $0x41200000, v0  }
0xd: {  	vm2 =	vcmask $0x3330;
	vm1 =	vcmask $0x3734;
	v0 =	vsel vm3, $0x41300000, v0  }
0xe: {  	vm0 =	vcmask $0x3B38;
	v1 =	vmul.u32 $0xFFFFFFFF, v1;
	v0 =	vsel vm2, $0x41400000, v0  }
0xf: {  	v3 =	vimm.f32 $4.700000000e+01;
	v4 =	vimm.f32 $6.300000000e+01;
	v2 =	vsel vm1, $0x41500000, v0  }
0x10: {  	v0 =	vadd.s32 $0xF, v1;
	v1 =	vsel vm0, $0x41600000, v2;
	v2 =	vimm.f32 $3.100000000e+01  }
0x11: {  	v3 =	vsel vm14, $0x42000000, v3;
	v4 =	vsel vm14, $0x42400000, v4;
	v2 =	vsel vm14, $0x41800000, v2  }
0x12: {  	v3 =	vsel vm13, $0x42040000, v3;
	v4 =	vsel vm13, $0x42440000, v4;
	v2 =	vsel vm13, $0x41880000, v2  }
0x13: {  	v3 =	vsel vm12, $0x42080000, v3;
	v4 =	vsel vm12, $0x42480000, v4;
	v2 =	vsel vm12, $0x41900000, v2  }
0x14: {  	v3 =	vsel vm11, $0x420C0000, v3;
	v4 =	vsel vm11, $0x424C0000, v4;
	v2 =	vsel vm11, $0x41980000, v2  }
0x15: {  	v3 =	vsel vm10, $0x42100000, v3;
	v4 =	vsel vm10, $0x42500000, v4;
	v2 =	vsel vm10, $0x41A00000, v2  }
0x16: {  	v3 =	vsel vm9, $0x42140000, v3;
	v4 =	vsel vm9, $0x42540000, v4;
	v2 =	vsel vm9, $0x41A80000, v2  }
0x17: {  	s3 =	rddreg [dreg:$0x0];
	v3 =	vsel vm8, $0x42180000, v3;
	v4 =	vsel vm8, $0x42580000, v4;
	v2 =	vsel vm8, $0x41B00000, v2  }
0x18: {  	s4 =	rddreg [dreg:$0x1];
	s2 =	srdreg.scid;
	v3 =	vsel vm7, $0x421C0000, v3;
	v4 =	vsel vm7, $0x425C0000, v4;
	v2 =	vsel vm7, $0x41B80000, v2  }
0x19: {  	s0 =	rddreg [dreg:$0x2];
	s1 =	stileid.u32;
	v3 =	vsel vm6, $0x42200000, v3;
	v4 =	vsel vm6, $0x42600000, v4;
	v2 =	vsel vm6, $0x41C00000, v2  }
0x1a: {  	s31 =	simm.s32 $0x100;
	s5 =	sand.u32 $0x1, s2;
	s2 =	simm.s32 $0x0;
	v3 =	vsel vm5, $0x42240000, v3;
	v4 =	vsel vm5, $0x42640000, v4;
	v2 =	vsel vm5, $0x41C80000, v2  }
0x1b: {  	s6 =	sshll.u32 s1, $0x6;
	s7 =	sshll.u32 s5, $0x5;
	[smem:$0x7FF] =	sst s2;
	v3 =	vsel vm4, $0x42280000, v3;
	v4 =	vsel vm4, $0x42680000, v4;
	v2 =	vsel vm4, $0x41D00000, v2  }
0x1c: {  	s5 =	ssub.s32 $0x2, s5;
	s6 =	sor.u32 s7, s6;
	_ =	strace $0x80000047;
	v3 =	vsel vm3, $0x422C0000, v3;
	v4 =	vsel vm3, $0x426C0000, v4;
	v2 =	vsel vm3, $0x41D80000, v2  }
0x1d: {  	s28 =	sshrl.u32 s5, $0x1;
	[dreg:$0x5] =	wrdreg s31;
	s3 =	sadd.s32 s3, s6;
	v3 =	vsel vm2, $0x42300000, v3;
	v4 =	vsel vm2, $0x42700000, v4;
	v2 =	vsel vm2, $0x41E00000, v2  }
0x1e: {  	s29 =	sadd.s32 s4, s6;
	s30 =	ssub.s32 s5, s28;
	[dreg:$0x3] =	wrdreg s3;
	v3 =	vsel vm1, $0x42340000, v3;
	v4 =	vsel vm1, $0x42740000, v4;
	v2 =	vsel vm1, $0x41E80000, v2  }
0x1f: {  	s4 =	simm.s32 $0x1;
	[dreg:$0x4] =	wrdreg s29;
	s3 =	smax.u32 s30, $0x1;
	v3 =	vsel vm0, $0x42380000, v3;
	v4 =	vsel vm0, $0x42780000, v4;
	v2 =	vsel vm0, $0x41F00000, v2  }
.LBB2_1:
0x20: {  	s5 =	rddreg [dreg:$0x3]  }
0x21: {  	[tilespmem:s2], [sflag:$0x1] =	stream.linear.gather [hbm4b:s5+s2], $0x100, $0x38;
	[tilespmem:$0x200] =	vst v63  }
0x22: {  	_ =	swait.ge [sflag:s4], $0x100  }
0x23: {  	[sflag:s4] =	ssyncset.done $0x0  }
0x24: {  	[sflag:s4] =	ssyncadd.s32 $0xFFFFFF00  }
0x25: {  	v7 =	vld [tilespmem:$0x0]  }
0x26: {  	v8 =	vld [tilespmem:$0x10]  }
0x27: {  	v6 =	vld [tilespmem:$0x20]  }
0x28: {  	v5 =	vld [tilespmem:$0x30];
	_ =	sdelay $0x4  }
0x29: {  	v9 =	vmax.f32 v7, v8;
	v10 =	vmax.f32 v6, v5  }
0x2a: {  	v9 =	vmax.f32 v9, v10  }
0x2b: {  	v10 =	vperm.xlane v9, v0;
	_ =	sdelay $0x1  }
0x2c: {  	v9 =	vmax.f32 v9, v10  }
0x2d: {  	(v2sf) =	vpush v9, $0x0  }
0x2e: {  	(v2sf) =	vpush v9, $0x1  }
0x2f: {  	(v2sf) =	vpush v9, $0x2  }
0x30: {  	(v2sf) =	vpush v9, $0x3  }
0x31: {  	(v2sf) =	vpush v9, $0x4  }
0x32: {  	(v2sf) =	vpush v9, $0x5  }
0x33: {  	(v2sf) =	vpush v9, $0x6  }
0x34: {  	(v2sf) =	vpush v9, $0x7;
	_ =	sdelay $0x7  }
0x35: {  	s30 =	spop (v2sf)  }
0x36: {  	s6 =	spop (v2sf)  }
0x37: {  	s5 =	smax.f32 s30, s6;
	s31 =	spop (v2sf)  }
0x38: {  	s5 =	smax.f32 s5, s31;
	s7 =	spop (v2sf)  }
0x39: {  	s5 =	smax.f32 s5, s7;
	s8 =	spop (v2sf)  }
0x3a: {  	s5 =	smax.f32 s5, s8;
	s9 =	spop (v2sf)  }
0x3b: {  	s5 =	smax.f32 s5, s9;
	s10 =	spop (v2sf)  }
0x3c: {  	s5 =	smax.f32 s5, s10;
	s11 =	spop (v2sf)  }
0x3d: {  	s5 =	smax.f32 s5, s11  }
0x3e: {  	vm0 =	veq.f32 v7, s5;
	vm6 =	veq.f32 v8, s5  }
0x3f: {  	vm1 =	veq.f32 v6, s5;
	vm2 =	veq.f32 v5, s5;
	v25 =	vnsel vm0, $0x42800000, v1  }
0x40: {  	v26 =	vnsel vm6, $0x42800000, v2;
	v11 =	vnsel vm1, $0x42800000, v3;
	v12 =	vnsel vm2, $0x42800000, v4  }
0x41: {  	v9 =	vmin.f32 v25, v26;
	v27 =	vmin.f32 v11, v12  }
0x42: {  	v9 =	vmin.f32 v9, v27  }
0x43: {  	v10 =	vperm.xlane v9, v0;
	_ =	sdelay $0x1  }
0x44: {  	v9 =	vmin.f32 v9, v10  }
0x45: {  	(v2sf) =	vpush v9, $0x0  }
0x46: {  	(v2sf) =	vpush v9, $0x1  }
0x47: {  	(v2sf) =	vpush v9, $0x2  }
0x48: {  	(v2sf) =	vpush v9, $0x3  }
0x49: {  	(v2sf) =	vpush v9, $0x4  }
0x4a: {  	(v2sf) =	vpush v9, $0x5  }
0x4b: {  	(v2sf) =	vpush v9, $0x6  }
0x4c: {  	(v2sf) =	vpush v9, $0x7;
	_ =	sdelay $0x7  }
0x4d: {  	s12 =	spop (v2sf)  }
0x4e: {  	s13 =	spop (v2sf)  }
0x4f: {  	s5 =	smin.f32 s12, s13;
	s14 =	spop (v2sf)  }
0x50: {  	s5 =	smin.f32 s5, s14;
	s15 =	spop (v2sf)  }
0x51: {  	s5 =	smin.f32 s5, s15;
	s16 =	spop (v2sf)  }
0x52: {  	s5 =	smin.f32 s5, s16;
	s17 =	spop (v2sf)  }
0x53: {  	s5 =	smin.f32 s5, s17;
	s18 =	spop (v2sf)  }
0x54: {  	s5 =	smin.f32 s5, s18;
	s19 =	spop (v2sf)  }
0x55: {  	s5 =	smin.f32 s5, s19  }
0x56: {  	v28 =	vmov s5  }
0x57: {  	vm7 =	veq.f32 v28, v1;
	vm8 =	veq.f32 v28, v2  }
0x58: {  	vm9 =	veq.f32 v28, v3;
	vm10 =	veq.f32 v28, v4;
	v29 =	vsel vm7, $0xFF800000, v7  }
0x59: {  	v30 =	vsel vm8, $0xFF800000, v8;
	v31 =	vsel vm9, $0xFF800000, v6;
	v32 =	vsel vm10, $0xFF800000, v5  }
0x5a: {  	v13 =	vmax.f32 v29, v30;
	v14 =	vmax.f32 v31, v32  }
0x5b: {  	v13 =	vmax.f32 v13, v14  }
0x5c: {  	v14 =	vperm.xlane v13, v0;
	_ =	sdelay $0x1  }
0x5d: {  	v13 =	vmax.f32 v13, v14  }
0x5e: {  	(v2sf) =	vpush v13, $0x0  }
0x5f: {  	(v2sf) =	vpush v13, $0x1  }
0x60: {  	(v2sf) =	vpush v13, $0x2  }
0x61: {  	(v2sf) =	vpush v13, $0x3  }
0x62: {  	(v2sf) =	vpush v13, $0x4  }
0x63: {  	(v2sf) =	vpush v13, $0x5  }
0x64: {  	(v2sf) =	vpush v13, $0x6  }
0x65: {  	(v2sf) =	vpush v13, $0x7;
	_ =	sdelay $0x7  }
0x66: {  	s20 =	spop (v2sf)  }
0x67: {  	s21 =	spop (v2sf)  }
0x68: {  	s5 =	smax.f32 s20, s21;
	s22 =	spop (v2sf)  }
0x69: {  	s5 =	smax.f32 s5, s22;
	s23 =	spop (v2sf)  }
0x6a: {  	s5 =	smax.f32 s5, s23;
	s24 =	spop (v2sf)  }
0x6b: {  	s5 =	smax.f32 s5, s24;
	s25 =	spop (v2sf)  }
0x6c: {  	s5 =	smax.f32 s5, s25;
	s26 =	spop (v2sf)  }
0x6d: {  	s5 =	smax.f32 s5, s26;
	s28 =	spop (v2sf)  }
0x6e: {  	s5 =	smax.f32 s5, s28  }
0x6f: {  	vm11 =	veq.f32 v29, s5;
	vm12 =	veq.f32 v30, s5  }
0x70: {  	vm1 =	veq.f32 v31, s5;
	vm2 =	veq.f32 v32, s5;
	v33 =	vnsel vm11, $0x42800000, v1  }
0x71: {  	v34 =	vnsel vm12, $0x42800000, v2;
	v15 =	vnsel vm1, $0x42800000, v3;
	v16 =	vnsel vm2, $0x42800000, v4  }
0x72: {  	v13 =	vmin.f32 v33, v34;
	v35 =	vmin.f32 v15, v16  }
0x73: {  	v13 =	vmin.f32 v13, v35  }
0x74: {  	v14 =	vperm.xlane v13, v0;
	_ =	sdelay $0x1  }
0x75: {  	v13 =	vmin.f32 v13, v14  }
0x76: {  	(v2sf) =	vpush v13, $0x0  }
0x77: {  	(v2sf) =	vpush v13, $0x1  }
0x78: {  	(v2sf) =	vpush v13, $0x2  }
0x79: {  	(v2sf) =	vpush v13, $0x3  }
0x7a: {  	(v2sf) =	vpush v13, $0x4  }
0x7b: {  	(v2sf) =	vpush v13, $0x5  }
0x7c: {  	(v2sf) =	vpush v13, $0x6  }
0x7d: {  	(v2sf) =	vpush v13, $0x7;
	_ =	sdelay $0x7  }
0x7e: {  	s29 =	spop (v2sf)  }
0x7f: {  	s30 =	spop (v2sf)  }
0x80: {  	s5 =	smin.f32 s29, s30;
	s31 =	spop (v2sf)  }
0x81: {  	s5 =	smin.f32 s5, s31;
	s7 =	spop (v2sf)  }
0x82: {  	s5 =	smin.f32 s5, s7;
	s8 =	spop (v2sf)  }
0x83: {  	s5 =	smin.f32 s5, s8;
	s9 =	spop (v2sf)  }
0x84: {  	s5 =	smin.f32 s5, s9;
	s10 =	spop (v2sf)  }
0x85: {  	s5 =	smin.f32 s5, s10;
	s11 =	spop (v2sf)  }
0x86: {  	s5 =	smin.f32 s5, s11  }
0x87: {  	v36 =	vmov s5  }
0x88: {  	vm13 =	veq.f32 v36, v1;
	vm14 =	veq.f32 v36, v2  }
0x89: {  	vm15 =	veq.f32 v36, v3;
	vm4 =	veq.f32 v36, v4;
	v10 =	vsel vm13, $0xFF800000, v29  }
0x8a: {  	v9 =	vsel vm14, $0xFF800000, v30;
	v11 =	vsel vm15, $0xFF800000, v31;
	v12 =	vsel vm4, $0xFF800000, v32  }
0x8b: {  	v37 =	vmax.f32 v10, v9;
	v38 =	vmax.f32 v11, v12  }
0x8c: {  	v13 =	vmax.f32 v37, v38  }
0x8d: {  	v14 =	vperm.xlane v13, v0;
	_ =	sdelay $0x1  }
0x8e: {  	v13 =	vmax.f32 v13, v14  }
0x8f: {  	(v2sf) =	vpush v13, $0x0  }
0x90: {  	(v2sf) =	vpush v13, $0x1  }
0x91: {  	(v2sf) =	vpush v13, $0x2  }
0x92: {  	(v2sf) =	vpush v13, $0x3  }
0x93: {  	(v2sf) =	vpush v13, $0x4  }
0x94: {  	(v2sf) =	vpush v13, $0x5  }
0x95: {  	(v2sf) =	vpush v13, $0x6  }
0x96: {  	(v2sf) =	vpush v13, $0x7;
	_ =	sdelay $0x7  }
0x97: {  	s12 =	spop (v2sf)  }
0x98: {  	s13 =	spop (v2sf)  }
0x99: {  	s5 =	smax.f32 s12, s13;
	s14 =	spop (v2sf)  }
0x9a: {  	s5 =	smax.f32 s5, s14;
	s15 =	spop (v2sf)  }
0x9b: {  	s5 =	smax.f32 s5, s15;
	s16 =	spop (v2sf)  }
0x9c: {  	s5 =	smax.f32 s5, s16;
	s17 =	spop (v2sf)  }
0x9d: {  	s5 =	smax.f32 s5, s17;
	s18 =	spop (v2sf)  }
0x9e: {  	s5 =	smax.f32 s5, s18;
	s19 =	spop (v2sf)  }
0x9f: {  	s5 =	smax.f32 s5, s19  }
0xa0: {  	vm5 =	veq.f32 v10, s5;
	vm6 =	veq.f32 v9, s5  }
0xa1: {  	vm1 =	veq.f32 v11, s5;
	vm2 =	veq.f32 v12, s5;
	v39 =	vnsel vm5, $0x42800000, v1  }
0xa2: {  	v40 =	vnsel vm6, $0x42800000, v2;
	v41 =	vnsel vm1, $0x42800000, v3;
	v42 =	vnsel vm2, $0x42800000, v4  }
0xa3: {  	v13 =	vmin.f32 v39, v40;
	v43 =	vmin.f32 v41, v42  }
0xa4: {  	v13 =	vmin.f32 v13, v43  }
0xa5: {  	v14 =	vperm.xlane v13, v0;
	_ =	sdelay $0x1  }
0xa6: {  	v13 =	vmin.f32 v13, v14  }
0xa7: {  	(v2sf) =	vpush v13, $0x0  }
0xa8: {  	(v2sf) =	vpush v13, $0x1  }
0xa9: {  	(v2sf) =	vpush v13, $0x2  }
0xaa: {  	(v2sf) =	vpush v13, $0x3  }
0xab: {  	(v2sf) =	vpush v13, $0x4  }
0xac: {  	(v2sf) =	vpush v13, $0x5  }
0xad: {  	(v2sf) =	vpush v13, $0x6  }
0xae: {  	(v2sf) =	vpush v13, $0x7;
	_ =	sdelay $0x7  }
0xaf: {  	s20 =	spop (v2sf)  }
0xb0: {  	s21 =	spop (v2sf)  }
0xb1: {  	s5 =	smin.f32 s20, s21;
	s22 =	spop (v2sf)  }
0xb2: {  	s5 =	smin.f32 s5, s22;
	s23 =	spop (v2sf)  }
0xb3: {  	s5 =	smin.f32 s5, s23;
	s24 =	spop (v2sf)  }
0xb4: {  	s5 =	smin.f32 s5, s24;
	s25 =	spop (v2sf)  }
0xb5: {  	s5 =	smin.f32 s5, s25;
	s26 =	spop (v2sf)  }
0xb6: {  	s5 =	smin.f32 s5, s26;
	s28 =	spop (v2sf)  }
0xb7: {  	s5 =	smin.f32 s5, s28  }
0xb8: {  	v44 =	vmov s5  }
0xb9: {  	vm7 =	veq.f32 v44, v1;
	vm8 =	veq.f32 v44, v2  }
0xba: {  	vm9 =	veq.f32 v44, v3;
	vm10 =	veq.f32 v44, v4;
	v10 =	vsel vm7, $0xFF800000, v10  }
0xbb: {  	v9 =	vsel vm8, $0xFF800000, v9;
	v11 =	vsel vm9, $0xFF800000, v11;
	v12 =	vsel vm10, $0xFF800000, v12  }
0xbc: {  	v45 =	vmax.f32 v10, v9;
	v46 =	vmax.f32 v11, v12  }
0xbd: {  	v13 =	vmax.f32 v45, v46  }
0xbe: {  	v14 =	vperm.xlane v13, v0;
	_ =	sdelay $0x1  }
0xbf: {  	v13 =	vmax.f32 v13, v14  }
0xc0: {  	(v2sf) =	vpush v13, $0x0  }
0xc1: {  	(v2sf) =	vpush v13, $0x1  }
0xc2: {  	(v2sf) =	vpush v13, $0x2  }
0xc3: {  	(v2sf) =	vpush v13, $0x3  }
0xc4: {  	(v2sf) =	vpush v13, $0x4  }
0xc5: {  	(v2sf) =	vpush v13, $0x5  }
0xc6: {  	(v2sf) =	vpush v13, $0x6  }
0xc7: {  	(v2sf) =	vpush v13, $0x7;
	_ =	sdelay $0x7  }
0xc8: {  	s29 =	spop (v2sf)  }
0xc9: {  	s30 =	spop (v2sf)  }
0xca: {  	s5 =	smax.f32 s29, s30;
	s31 =	spop (v2sf)  }
0xcb: {  	s5 =	smax.f32 s5, s31;
	s7 =	spop (v2sf)  }
0xcc: {  	s5 =	smax.f32 s5, s7;
	s8 =	spop (v2sf)  }
0xcd: {  	s5 =	smax.f32 s5, s8;
	s9 =	spop (v2sf)  }
0xce: {  	s5 =	smax.f32 s5, s9;
	s10 =	spop (v2sf)  }
0xcf: {  	s5 =	smax.f32 s5, s10;
	s11 =	spop (v2sf)  }
0xd0: {  	s5 =	smax.f32 s5, s11  }
0xd1: {  	vm11 =	veq.f32 v10, s5;
	vm12 =	veq.f32 v9, s5  }
0xd2: {  	vm1 =	veq.f32 v11, s5;
	vm2 =	veq.f32 v12, s5;
	v47 =	vnsel vm11, $0x42800000, v1  }
0xd3: {  	v48 =	vnsel vm12, $0x42800000, v2;
	v49 =	vnsel vm1, $0x42800000, v3;
	v50 =	vnsel vm2, $0x42800000, v4  }
0xd4: {  	v13 =	vmin.f32 v47, v48;
	v51 =	vmin.f32 v49, v50  }
0xd5: {  	v13 =	vmin.f32 v13, v51  }
0xd6: {  	v14 =	vperm.xlane v13, v0;
	_ =	sdelay $0x1  }
0xd7: {  	v13 =	vmin.f32 v13, v14  }
0xd8: {  	(v2sf) =	vpush v13, $0x0  }
0xd9: {  	(v2sf) =	vpush v13, $0x1  }
0xda: {  	(v2sf) =	vpush v13, $0x2  }
0xdb: {  	(v2sf) =	vpush v13, $0x3  }
0xdc: {  	(v2sf) =	vpush v13, $0x4  }
0xdd: {  	(v2sf) =	vpush v13, $0x5  }
0xde: {  	(v2sf) =	vpush v13, $0x6  }
0xdf: {  	(v2sf) =	vpush v13, $0x7;
	_ =	sdelay $0x7  }
0xe0: {  	s12 =	spop (v2sf)  }
0xe1: {  	s13 =	spop (v2sf)  }
0xe2: {  	s5 =	smin.f32 s12, s13;
	s14 =	spop (v2sf)  }
0xe3: {  	s5 =	smin.f32 s5, s14;
	s15 =	spop (v2sf)  }
0xe4: {  	s5 =	smin.f32 s5, s15;
	s16 =	spop (v2sf)  }
0xe5: {  	s5 =	smin.f32 s5, s16;
	s17 =	spop (v2sf)  }
0xe6: {  	s5 =	smin.f32 s5, s17;
	s18 =	spop (v2sf)  }
0xe7: {  	s5 =	smin.f32 s5, s18;
	s19 =	spop (v2sf)  }
0xe8: {  	s5 =	smin.f32 s5, s19  }
0xe9: {  	v52 =	vmov s5  }
0xea: {  	vm13 =	veq.f32 v52, v1;
	vm14 =	veq.f32 v52, v2  }
0xeb: {  	vm15 =	veq.f32 v52, v3;
	vm4 =	veq.f32 v52, v4;
	v10 =	vsel vm13, $0xFF800000, v10  }
0xec: {  	v9 =	vsel vm14, $0xFF800000, v9;
	v11 =	vsel vm15, $0xFF800000, v11;
	v12 =	vsel vm4, $0xFF800000, v12  }
0xed: {  	v53 =	vmax.f32 v10, v9;
	v54 =	vmax.f32 v11, v12  }
0xee: {  	v13 =	vmax.f32 v53, v54  }
0xef: {  	v14 =	vperm.xlane v13, v0;
	_ =	sdelay $0x1  }
0xf0: {  	v13 =	vmax.f32 v13, v14  }
0xf1: {  	(v2sf) =	vpush v13, $0x0  }
0xf2: {  	(v2sf) =	vpush v13, $0x1  }
0xf3: {  	(v2sf) =	vpush v13, $0x2  }
0xf4: {  	(v2sf) =	vpush v13, $0x3  }
0xf5: {  	(v2sf) =	vpush v13, $0x4  }
0xf6: {  	(v2sf) =	vpush v13, $0x5  }
0xf7: {  	(v2sf) =	vpush v13, $0x6  }
0xf8: {  	(v2sf) =	vpush v13, $0x7;
	_ =	sdelay $0x7  }
0xf9: {  	s20 =	spop (v2sf)  }
0xfa: {  	s21 =	spop (v2sf)  }
0xfb: {  	s5 =	smax.f32 s20, s21;
	s22 =	spop (v2sf)  }
0xfc: {  	s5 =	smax.f32 s5, s22;
	s23 =	spop (v2sf)  }
0xfd: {  	s5 =	smax.f32 s5, s23;
	s24 =	spop (v2sf)  }
0xfe: {  	s5 =	smax.f32 s5, s24;
	s25 =	spop (v2sf)  }
0xff: {  	s5 =	smax.f32 s5, s25;
	s26 =	spop (v2sf)  }
0x100: {  	s5 =	smax.f32 s5, s26;
	s28 =	spop (v2sf)  }
0x101: {  	s5 =	smax.f32 s5, s28  }
0x102: {  	vm5 =	veq.f32 v10, s5;
	vm6 =	veq.f32 v9, s5  }
0x103: {  	vm1 =	veq.f32 v11, s5;
	vm2 =	veq.f32 v12, s5;
	v55 =	vnsel vm5, $0x42800000, v1  }
0x104: {  	v56 =	vnsel vm6, $0x42800000, v2;
	v57 =	vnsel vm1, $0x42800000, v3;
	v58 =	vnsel vm2, $0x42800000, v4  }
0x105: {  	v13 =	vmin.f32 v55, v56;
	v59 =	vmin.f32 v57, v58  }
0x106: {  	v13 =	vmin.f32 v13, v59  }
0x107: {  	v14 =	vperm.xlane v13, v0;
	_ =	sdelay $0x1  }
0x108: {  	v13 =	vmin.f32 v13, v14  }
0x109: {  	(v2sf) =	vpush v13, $0x0  }
0x10a: {  	(v2sf) =	vpush v13, $0x1  }
0x10b: {  	(v2sf) =	vpush v13, $0x2  }
0x10c: {  	(v2sf) =	vpush v13, $0x3  }
0x10d: {  	(v2sf) =	vpush v13, $0x4  }
0x10e: {  	(v2sf) =	vpush v13, $0x5  }
0x10f: {  	(v2sf) =	vpush v13, $0x6;
	_ =	sdelay $0x8  }
0x110: {  	s29 =	spop (v2sf)  }
0x111: {  	s30 =	spop (v2sf)  }
0x112: {  	s7 =	spop (v2sf)  }
0x113: {  	s8 =	spop (v2sf)  }
0x114: {  	s9 =	spop (v2sf)  }
0x115: {  	s10 =	spop (v2sf)  }
0x116: {  	s11 =	spop (v2sf)  }
0x117: {  	(v2sf) =	vpush v13, $0x7;
	_ =	sdelay $0x9  }
0x118: {  	s5 =	smin.f32 s29, s30  }
0x119: {  	s5 =	smin.f32 s5, s7  }
0x11a: {  	s5 =	smin.f32 s5, s8  }
0x11b: {  	s5 =	smin.f32 s5, s9  }
0x11c: {  	s5 =	smin.f32 s5, s10  }
0x11d: {  	s5 =	smin.f32 s5, s11;
	s31 =	spop (v2sf)  }
0x11e: {  	s5 =	smin.f32 s5, s31  }
0x11f: {  	v60 =	vmov s5  }
0x120: {  	vm7 =	veq.f32 v60, v1;
	vm8 =	veq.f32 v60, v2  }
0x121: {  	vm9 =	veq.f32 v60, v3;
	vm10 =	veq.f32 v60, v4;
	v10 =	vsel vm7, $0xFF800000, v10  }
0x122: {  	v9 =	vsel vm8, $0xFF800000, v9;
	v11 =	vsel vm9, $0xFF800000, v11;
	v12 =	vsel vm10, $0xFF800000, v12  }
0x123: {  	v61 =	vmax.f32 v10, v9;
	v62 =	vmax.f32 v11, v12  }
0x124: {  	v13 =	vmax.f32 v61, v62  }
0x125: {  	v14 =	vperm.xlane v13, v0;
	_ =	sdelay $0x1  }
0x126: {  	v13 =	vmax.f32 v13, v14  }
0x127: {  	(v2sf) =	vpush v13, $0x0  }
0x128: {  	(v2sf) =	vpush v13, $0x1  }
0x129: {  	(v2sf) =	vpush v13, $0x2  }
0x12a: {  	(v2sf) =	vpush v13, $0x3  }
0x12b: {  	(v2sf) =	vpush v13, $0x4  }
0x12c: {  	(v2sf) =	vpush v13, $0x5  }
0x12d: {  	(v2sf) =	vpush v13, $0x6  }
0x12e: {  	(v2sf) =	vpush v13, $0x7;
	_ =	sdelay $0x7  }
0x12f: {  	s7 =	spop (v2sf)  }
0x130: {  	s8 =	spop (v2sf)  }
0x131: {  	s5 =	smax.f32 s7, s8;
	s9 =	spop (v2sf)  }
0x132: {  	s5 =	smax.f32 s5, s9;
	s10 =	spop (v2sf)  }
0x133: {  	s5 =	smax.f32 s5, s10;
	s11 =	spop (v2sf)  }
0x134: {  	s5 =	smax.f32 s5, s11;
	s12 =	spop (v2sf)  }
0x135: {  	s5 =	smax.f32 s5, s12;
	s13 =	spop (v2sf)  }
0x136: {  	s5 =	smax.f32 s5, s13;
	s14 =	spop (v2sf)  }
0x137: {  	s5 =	smax.f32 s5, s14  }
0x138: {  	vm11 =	veq.f32 v10, s5;
	vm12 =	veq.f32 v9, s5  }
0x139: {  	vm1 =	veq.f32 v11, s5;
	vm2 =	veq.f32 v12, s5;
	v63 =	vnsel vm11, $0x42800000, v1  }
0x13a: {  	v20 =	vnsel vm12, $0x42800000, v2;
	v21 =	vnsel vm1, $0x42800000, v3;
	v22 =	vnsel vm2, $0x42800000, v4  }
0x13b: {  	v13 =	vmin.f32 v63, v20;
	v23 =	vmin.f32 v21, v22  }
0x13c: {  	v13 =	vmin.f32 v13, v23  }
0x13d: {  	v14 =	vperm.xlane v13, v0;
	_ =	sdelay $0x1  }
0x13e: {  	v13 =	vmin.f32 v13, v14  }
0x13f: {  	(v2sf) =	vpush v13, $0x0  }
0x140: {  	(v2sf) =	vpush v13, $0x1  }
0x141: {  	(v2sf) =	vpush v13, $0x2  }
0x142: {  	(v2sf) =	vpush v13, $0x3  }
0x143: {  	(v2sf) =	vpush v13, $0x4  }
0x144: {  	(v2sf) =	vpush v13, $0x5  }
0x145: {  	(v2sf) =	vpush v13, $0x6  }
0x146: {  	(v2sf) =	vpush v13, $0x7;
	_ =	sdelay $0x7  }
0x147: {  	s15 =	spop (v2sf)  }
0x148: {  	s16 =	spop (v2sf)  }
0x149: {  	s5 =	smin.f32 s15, s16;
	s17 =	spop (v2sf)  }
0x14a: {  	s5 =	smin.f32 s5, s17;
	s18 =	spop (v2sf)  }
0x14b: {  	s5 =	smin.f32 s5, s18;
	s19 =	spop (v2sf)  }
0x14c: {  	s5 =	smin.f32 s5, s19;
	s20 =	spop (v2sf)  }
0x14d: {  	s5 =	smin.f32 s5, s20;
	s21 =	spop (v2sf)  }
0x14e: {  	s5 =	smin.f32 s5, s21;
	s22 =	spop (v2sf)  }
0x14f: {  	s5 =	smin.f32 s5, s22  }
0x150: {  	v24 =	vmov s5  }
0x151: {  	vm13 =	veq.f32 v24, v1;
	vm14 =	veq.f32 v24, v2  }
0x152: {  	vm15 =	veq.f32 v24, v3;
	vm4 =	veq.f32 v24, v4;
	v10 =	vsel vm13, $0xFF800000, v10  }
0x153: {  	v9 =	vsel vm14, $0xFF800000, v9;
	v11 =	vsel vm15, $0xFF800000, v11;
	v12 =	vsel vm4, $0xFF800000, v12  }
0x154: {  	v25 =	vmax.f32 v10, v9;
	v26 =	vmax.f32 v11, v12  }
0x155: {  	v13 =	vmax.f32 v25, v26  }
0x156: {  	v14 =	vperm.xlane v13, v0;
	_ =	sdelay $0x1  }
0x157: {  	v13 =	vmax.f32 v13, v14  }
0x158: {  	(v2sf) =	vpush v13, $0x0  }
0x159: {  	(v2sf) =	vpush v13, $0x1  }
0x15a: {  	(v2sf) =	vpush v13, $0x2  }
0x15b: {  	(v2sf) =	vpush v13, $0x3  }
0x15c: {  	(v2sf) =	vpush v13, $0x4  }
0x15d: {  	(v2sf) =	vpush v13, $0x5  }
0x15e: {  	(v2sf) =	vpush v13, $0x6  }
0x15f: {  	(v2sf) =	vpush v13, $0x7;
	_ =	sdelay $0x7  }
0x160: {  	s23 =	spop (v2sf)  }
0x161: {  	s24 =	spop (v2sf)  }
0x162: {  	s5 =	smax.f32 s23, s24;
	s25 =	spop (v2sf)  }
0x163: {  	s5 =	smax.f32 s5, s25;
	s26 =	spop (v2sf)  }
0x164: {  	s5 =	smax.f32 s5, s26;
	s28 =	spop (v2sf)  }
0x165: {  	s5 =	smax.f32 s5, s28;
	s29 =	spop (v2sf)  }
0x166: {  	s5 =	smax.f32 s5, s29;
	s30 =	spop (v2sf)  }
0x167: {  	s5 =	smax.f32 s5, s30;
	s31 =	spop (v2sf)  }
0x168: {  	s5 =	smax.f32 s5, s31  }
0x169: {  	vm5 =	veq.f32 v10, s5;
	vm6 =	veq.f32 v9, s5  }
0x16a: {  	vm1 =	veq.f32 v11, s5;
	vm2 =	veq.f32 v12, s5;
	v27 =	vnsel vm5, $0x42800000, v1  }
0x16b: {  	v28 =	vnsel vm6, $0x42800000, v2;
	v29 =	vnsel vm1, $0x42800000, v3;
	v30 =	vnsel vm2, $0x42800000, v4  }
0x16c: {  	v13 =	vmin.f32 v27, v28;
	v31 =	vmin.f32 v29, v30  }
0x16d: {  	v13 =	vmin.f32 v13, v31  }
0x16e: {  	v14 =	vperm.xlane v13, v0;
	_ =	sdelay $0x1  }
0x16f: {  	v13 =	vmin.f32 v13, v14  }
0x170: {  	(v2sf) =	vpush v13, $0x0  }
0x171: {  	(v2sf) =	vpush v13, $0x1  }
0x172: {  	(v2sf) =	vpush v13, $0x2  }
0x173: {  	(v2sf) =	vpush v13, $0x3  }
0x174: {  	(v2sf) =	vpush v13, $0x4  }
0x175: {  	(v2sf) =	vpush v13, $0x5  }
0x176: {  	(v2sf) =	vpush v13, $0x6  }
0x177: {  	(v2sf) =	vpush v13, $0x7;
	_ =	sdelay $0x7  }
0x178: {  	s7 =	spop (v2sf)  }
0x179: {  	s8 =	spop (v2sf)  }
0x17a: {  	s5 =	smin.f32 s7, s8;
	s9 =	spop (v2sf)  }
0x17b: {  	s5 =	smin.f32 s5, s9;
	s10 =	spop (v2sf)  }
0x17c: {  	s5 =	smin.f32 s5, s10;
	s11 =	spop (v2sf)  }
0x17d: {  	s5 =	smin.f32 s5, s11;
	s12 =	spop (v2sf)  }
0x17e: {  	s5 =	smin.f32 s5, s12;
	s13 =	spop (v2sf)  }
0x17f: {  	s5 =	smin.f32 s5, s13;
	s14 =	spop (v2sf)  }
0x180: {  	s5 =	smin.f32 s5, s14  }
0x181: {  	v32 =	vmov s5  }
0x182: {  	vm7 =	veq.f32 v32, v1;
	vm8 =	veq.f32 v32, v2  }
0x183: {  	vm9 =	veq.f32 v32, v3;
	vm10 =	veq.f32 v32, v4;
	v10 =	vsel vm7, $0xFF800000, v10  }
0x184: {  	v9 =	vsel vm8, $0xFF800000, v9;
	v11 =	vsel vm9, $0xFF800000, v11;
	v12 =	vsel vm10, $0xFF800000, v12  }
0x185: {  	v33 =	vmax.f32 v10, v9;
	v34 =	vmax.f32 v11, v12  }
0x186: {  	v13 =	vmax.f32 v33, v34  }
0x187: {  	v14 =	vperm.xlane v13, v0;
	_ =	sdelay $0x1  }
0x188: {  	v13 =	vmax.f32 v13, v14  }
0x189: {  	(v2sf) =	vpush v13, $0x0  }
0x18a: {  	(v2sf) =	vpush v13, $0x1  }
0x18b: {  	(v2sf) =	vpush v13, $0x2  }
0x18c: {  	(v2sf) =	vpush v13, $0x3  }
0x18d: {  	(v2sf) =	vpush v13, $0x4  }
0x18e: {  	(v2sf) =	vpush v13, $0x5  }
0x18f: {  	(v2sf) =	vpush v13, $0x6  }
0x190: {  	(v2sf) =	vpush v13, $0x7;
	_ =	sdelay $0x7  }
0x191: {  	s15 =	spop (v2sf)  }
0x192: {  	s16 =	spop (v2sf)  }
0x193: {  	s5 =	smax.f32 s15, s16;
	s17 =	spop (v2sf)  }
0x194: {  	s5 =	smax.f32 s5, s17;
	s18 =	spop (v2sf)  }
0x195: {  	s5 =	smax.f32 s5, s18;
	s19 =	spop (v2sf)  }
0x196: {  	s5 =	smax.f32 s5, s19;
	s20 =	spop (v2sf)  }
0x197: {  	s5 =	smax.f32 s5, s20;
	s21 =	spop (v2sf)  }
0x198: {  	s5 =	smax.f32 s5, s21;
	s22 =	spop (v2sf)  }
0x199: {  	s5 =	smax.f32 s5, s22  }
0x19a: {  	vm11 =	veq.f32 v10, s5;
	vm12 =	veq.f32 v9, s5  }
0x19b: {  	vm1 =	veq.f32 v11, s5;
	vm2 =	veq.f32 v12, s5;
	v35 =	vnsel vm11, $0x42800000, v1  }
0x19c: {  	v36 =	vnsel vm12, $0x42800000, v2;
	v37 =	vnsel vm1, $0x42800000, v3;
	v38 =	vnsel vm2, $0x42800000, v4  }
0x19d: {  	v13 =	vmin.f32 v35, v36;
	v39 =	vmin.f32 v37, v38  }
0x19e: {  	v13 =	vmin.f32 v13, v39  }
0x19f: {  	v14 =	vperm.xlane v13, v0;
	_ =	sdelay $0x1  }
0x1a0: {  	v13 =	vmin.f32 v13, v14  }
0x1a1: {  	(v2sf) =	vpush v13, $0x0  }
0x1a2: {  	(v2sf) =	vpush v13, $0x1  }
0x1a3: {  	(v2sf) =	vpush v13, $0x2  }
0x1a4: {  	(v2sf) =	vpush v13, $0x3  }
0x1a5: {  	(v2sf) =	vpush v13, $0x4  }
0x1a6: {  	(v2sf) =	vpush v13, $0x5  }
0x1a7: {  	(v2sf) =	vpush v13, $0x6  }
0x1a8: {  	(v2sf) =	vpush v13, $0x7;
	_ =	sdelay $0x7  }
0x1a9: {  	s23 =	spop (v2sf)  }
0x1aa: {  	s24 =	spop (v2sf)  }
0x1ab: {  	s5 =	smin.f32 s23, s24;
	s25 =	spop (v2sf)  }
0x1ac: {  	s5 =	smin.f32 s5, s25;
	s26 =	spop (v2sf)  }
0x1ad: {  	s5 =	smin.f32 s5, s26;
	s28 =	spop (v2sf)  }
0x1ae: {  	s5 =	smin.f32 s5, s28;
	s29 =	spop (v2sf)  }
0x1af: {  	s5 =	smin.f32 s5, s29;
	s30 =	spop (v2sf)  }
0x1b0: {  	s5 =	smin.f32 s5, s30;
	s31 =	spop (v2sf)  }
0x1b1: {  	s5 =	smin.f32 s5, s31  }
0x1b2: {  	v40 =	vmov s5  }
0x1b3: {  	vm13 =	veq.f32 v40, v1;
	vm14 =	veq.f32 v40, v2  }
0x1b4: {  	vm15 =	veq.f32 v40, v3;
	vm4 =	veq.f32 v40, v4;
	v10 =	vsel vm13, $0xFF800000, v10  }
0x1b5: {  	v9 =	vsel vm14, $0xFF800000, v9;
	v41 =	vsel vm15, $0xFF800000, v11;
	v12 =	vsel vm4, $0xFF800000, v12  }
0x1b6: {  	v42 =	vmax.f32 v10, v9;
	v43 =	vmax.f32 v41, v12  }
0x1b7: {  	v11 =	vmax.f32 v42, v43  }
0x1b8: {  	v13 =	vperm.xlane v11, v0;
	_ =	sdelay $0x1  }
0x1b9: {  	v11 =	vmax.f32 v11, v13  }
0x1ba: {  	(v2sf) =	vpush v11, $0x0  }
0x1bb: {  	(v2sf) =	vpush v11, $0x1  }
0x1bc: {  	(v2sf) =	vpush v11, $0x2  }
0x1bd: {  	(v2sf) =	vpush v11, $0x3  }
0x1be: {  	(v2sf) =	vpush v11, $0x4  }
0x1bf: {  	(v2sf) =	vpush v11, $0x5  }
0x1c0: {  	(v2sf) =	vpush v11, $0x6  }
0x1c1: {  	(v2sf) =	vpush v11, $0x7;
	_ =	sdelay $0x7  }
0x1c2: {  	s6 =	spop (v2sf)  }
0x1c3: {  	s7 =	spop (v2sf)  }
0x1c4: {  	s5 =	smax.f32 s6, s7;
	s8 =	spop (v2sf)  }
0x1c5: {  	s5 =	smax.f32 s5, s8;
	s9 =	spop (v2sf)  }
0x1c6: {  	s5 =	smax.f32 s5, s9;
	s10 =	spop (v2sf)  }
0x1c7: {  	s5 =	smax.f32 s5, s10;
	s11 =	spop (v2sf)  }
0x1c8: {  	s5 =	smax.f32 s5, s11;
	s12 =	spop (v2sf)  }
0x1c9: {  	s5 =	smax.f32 s5, s12;
	s13 =	spop (v2sf)  }
0x1ca: {  	s5 =	smax.f32 s5, s13  }
0x1cb: {  	vm5 =	veq.f32 v10, s5;
	vm6 =	veq.f32 v9, s5  }
0x1cc: {  	vm1 =	veq.f32 v41, s5;
	vm2 =	veq.f32 v12, s5;
	v44 =	vnsel vm5, $0x42800000, v1  }
0x1cd: {  	v45 =	vnsel vm6, $0x42800000, v2;
	v46 =	vnsel vm1, $0x42800000, v3;
	v47 =	vnsel vm2, $0x42800000, v4  }
0x1ce: {  	v11 =	vmin.f32 v44, v45;
	v48 =	vmin.f32 v46, v47  }
0x1cf: {  	v11 =	vmin.f32 v11, v48  }
0x1d0: {  	v13 =	vperm.xlane v11, v0;
	_ =	sdelay $0x1  }
0x1d1: {  	v11 =	vmin.f32 v11, v13  }
0x1d2: {  	(v2sf) =	vpush v11, $0x0  }
0x1d3: {  	(v2sf) =	vpush v11, $0x1  }
0x1d4: {  	(v2sf) =	vpush v11, $0x2  }
0x1d5: {  	(v2sf) =	vpush v11, $0x3  }
0x1d6: {  	(v2sf) =	vpush v11, $0x4  }
0x1d7: {  	(v2sf) =	vpush v11, $0x5  }
0x1d8: {  	(v2sf) =	vpush v11, $0x6  }
0x1d9: {  	(v2sf) =	vpush v11, $0x7;
	_ =	sdelay $0x7  }
0x1da: {  	s14 =	spop (v2sf)  }
0x1db: {  	s15 =	spop (v2sf)  }
0x1dc: {  	s5 =	smin.f32 s14, s15;
	s16 =	spop (v2sf)  }
0x1dd: {  	s5 =	smin.f32 s5, s16;
	s17 =	spop (v2sf)  }
0x1de: {  	s5 =	smin.f32 s5, s17;
	s18 =	spop (v2sf)  }
0x1df: {  	s5 =	smin.f32 s5, s18;
	s19 =	spop (v2sf)  }
0x1e0: {  	s5 =	smin.f32 s5, s19;
	s20 =	spop (v2sf)  }
0x1e1: {  	s5 =	smin.f32 s5, s20;
	s21 =	spop (v2sf)  }
0x1e2: {  	s5 =	smin.f32 s5, s21  }
0x1e3: {  	v49 =	vmov s5  }
0x1e4: {  	vm7 =	veq.f32 v49, v1;
	vm8 =	veq.f32 v49, v2  }
0x1e5: {  	vm9 =	veq.f32 v49, v3;
	vm10 =	veq.f32 v49, v4;
	v11 =	vsel vm7, $0xFF800000, v10  }
0x1e6: {  	v13 =	vsel vm8, $0xFF800000, v9;
	v10 =	vsel vm9, $0xFF800000, v41;
	v9 =	vsel vm10, $0xFF800000, v12  }
0x1e7: {  	v50 =	vmax.f32 v11, v13;
	v14 =	vmax.f32 v10, v9  }
0x1e8: {  	v12 =	vmax.f32 v50, v14  }
0x1e9: {  	v14 =	vperm.xlane v12, v0;
	_ =	sdelay $0x1  }
0x1ea: {  	v12 =	vmax.f32 v12, v14  }
0x1eb: {  	(v2sf) =	vpush v12, $0x0  }
0x1ec: {  	(v2sf) =	vpush v12, $0x1  }
0x1ed: {  	(v2sf) =	vpush v12, $0x2  }
0x1ee: {  	(v2sf) =	vpush v12, $0x3  }
0x1ef: {  	(v2sf) =	vpush v12, $0x4  }
0x1f0: {  	(v2sf) =	vpush v12, $0x5  }
0x1f1: {  	(v2sf) =	vpush v12, $0x6  }
0x1f2: {  	(v2sf) =	vpush v12, $0x7;
	_ =	sdelay $0x7  }
0x1f3: {  	s22 =	spop (v2sf)  }
0x1f4: {  	s23 =	spop (v2sf)  }
0x1f5: {  	s5 =	smax.f32 s22, s23;
	s24 =	spop (v2sf)  }
0x1f6: {  	s5 =	smax.f32 s5, s24;
	s25 =	spop (v2sf)  }
0x1f7: {  	s5 =	smax.f32 s5, s25;
	s26 =	spop (v2sf)  }
0x1f8: {  	s5 =	smax.f32 s5, s26;
	s28 =	spop (v2sf)  }
0x1f9: {  	s5 =	smax.f32 s5, s28;
	s29 =	spop (v2sf)  }
0x1fa: {  	s5 =	smax.f32 s5, s29;
	s30 =	spop (v2sf)  }
0x1fb: {  	s5 =	smax.f32 s5, s30  }
0x1fc: {  	vm11 =	veq.f32 v11, s5;
	vm12 =	veq.f32 v13, s5  }
0x1fd: {  	vm1 =	veq.f32 v10, s5;
	vm2 =	veq.f32 v9, s5;
	v51 =	vnsel vm11, $0x42800000, v1  }
0x1fe: {  	v52 =	vnsel vm12, $0x42800000, v2;
	v53 =	vnsel vm1, $0x42800000, v3;
	v54 =	vnsel vm2, $0x42800000, v4  }
0x1ff: {  	v16 =	vld [tilespmem:$0x80];
	v12 =	vmin.f32 v51, v52;
	v55 =	vmin.f32 v53, v54  }
0x200: {  	v15 =	vld [tilespmem:$0x90];
	v17 =	vmin.f32 v12, v55  }
0x201: {  	v14 =	vld [tilespmem:$0xA0];
	v18 =	vperm.xlane v17, v0  }
0x202: {  	v12 =	vld [tilespmem:$0xB0]  }
0x203: {  	v17 =	vmin.f32 v17, v18  }
0x204: {  	(v2sf) =	vpush v17, $0x0  }
0x205: {  	(v2sf) =	vpush v17, $0x1  }
0x206: {  	(v2sf) =	vpush v17, $0x2  }
0x207: {  	v56 =	vmax.f32 v16, v15;
	v19 =	vmax.f32 v14, v12;
	(v2sf) =	vpush v17, $0x3  }
0x208: {  	v18 =	vmax.f32 v56, v19;
	(v2sf) =	vpush v17, $0x4  }
0x209: {  	v19 =	vperm.xlane v18, v0;
	(v2sf) =	vpush v17, $0x5  }
0x20a: {  	(v2sf) =	vpush v17, $0x6  }
0x20b: {  	v57 =	vmax.f32 v18, v19;
	(v2sf) =	vpush v17, $0x7  }
0x20c: {  	(v2sf) =	vpush v57, $0x0  }
0x20d: {  	(v2sf) =	vpush v57, $0x1  }
0x20e: {  	(v2sf) =	vpush v57, $0x2  }
0x20f: {  	(v2sf) =	vpush v57, $0x3  }
0x210: {  	(v2sf) =	vpush v57, $0x4  }
0x211: {  	(v2sf) =	vpush v57, $0x5  }
0x212: {  	(v2sf) =	vpush v57, $0x6  }
0x213: {  	s5 =	spop (v2sf);
	(v2sf) =	vpush v57, $0x7  }
0x214: {  	s7 =	spop (v2sf)  }
0x215: {  	s8 =	spop (v2sf)  }
0x216: {  	s9 =	spop (v2sf)  }
0x217: {  	s10 =	spop (v2sf)  }
0x218: {  	s11 =	spop (v2sf)  }
0x219: {  	s12 =	spop (v2sf)  }
0x21a: {  	s6 =	spop (v2sf)  }
0x21b: {  	s13 =	spop (v2sf)  }
0x21c: {  	s14 =	spop (v2sf)  }
0x21d: {  	s13 =	smax.f32 s13, s14;
	s31 =	spop (v2sf)  }
0x21e: {  	s13 =	smax.f32 s13, s31;
	s15 =	spop (v2sf)  }
0x21f: {  	s13 =	smax.f32 s13, s15;
	s16 =	spop (v2sf)  }
0x220: {  	s13 =	smax.f32 s13, s16;
	s17 =	spop (v2sf)  }
0x221: {  	s13 =	smax.f32 s13, s17;
	s18 =	spop (v2sf)  }
0x222: {  	s13 =	smax.f32 s13, s18;
	s19 =	spop (v2sf)  }
0x223: {  	s13 =	smax.f32 s13, s19  }
0x224: {  	vm13 =	veq.f32 v16, s13;
	vm14 =	veq.f32 v15, s13  }
0x225: {  	vm15 =	veq.f32 v14, s13;
	vm4 =	veq.f32 v12, s13;
	v58 =	vnsel vm13, $0x42800000, v1  }
0x226: {  	v59 =	vnsel vm14, $0x42800000, v2;
	v60 =	vnsel vm15, $0x42800000, v3;
	v20 =	vnsel vm4, $0x42800000, v4  }
0x227: {  	v17 =	vmin.f32 v58, v59;
	v61 =	vmin.f32 v60, v20  }
0x228: {  	v17 =	vmin.f32 v17, v61  }
0x229: {  	v18 =	vperm.xlane v17, v0;
	_ =	sdelay $0x1  }
0x22a: {  	v17 =	vmin.f32 v17, v18  }
0x22b: {  	(v2sf) =	vpush v17, $0x0  }
0x22c: {  	(v2sf) =	vpush v17, $0x1  }
0x22d: {  	(v2sf) =	vpush v17, $0x2  }
0x22e: {  	(v2sf) =	vpush v17, $0x3  }
0x22f: {  	(v2sf) =	vpush v17, $0x4  }
0x230: {  	(v2sf) =	vpush v17, $0x5  }
0x231: {  	(v2sf) =	vpush v17, $0x6  }
0x232: {  	(v2sf) =	vpush v17, $0x7;
	_ =	sdelay $0x7  }
0x233: {  	s20 =	spop (v2sf)  }
0x234: {  	s21 =	spop (v2sf)  }
0x235: {  	s13 =	smin.f32 s20, s21;
	s22 =	spop (v2sf)  }
0x236: {  	s13 =	smin.f32 s13, s22;
	s23 =	spop (v2sf)  }
0x237: {  	s13 =	smin.f32 s13, s23;
	s24 =	spop (v2sf)  }
0x238: {  	s13 =	smin.f32 s13, s24;
	s25 =	spop (v2sf)  }
0x239: {  	s13 =	smin.f32 s13, s25;
	s26 =	spop (v2sf)  }
0x23a: {  	s13 =	smin.f32 s13, s26;
	s28 =	spop (v2sf)  }
0x23b: {  	s13 =	smin.f32 s13, s28  }
0x23c: {  	v62 =	vmov s13  }
0x23d: {  	vm5 =	veq.f32 v62, v1;
	vm6 =	veq.f32 v62, v2  }
0x23e: {  	vm7 =	veq.f32 v62, v3;
	vm8 =	veq.f32 v62, v4;
	v63 =	vsel vm5, $0xFF800000, v16  }
0x23f: {  	v28 =	vsel vm6, $0xFF800000, v15;
	v29 =	vsel vm7, $0xFF800000, v14;
	v30 =	vsel vm8, $0xFF800000, v12  }
0x240: {  	v21 =	vmax.f32 v63, v28;
	v22 =	vmax.f32 v29, v30  }
0x241: {  	v21 =	vmax.f32 v21, v22  }
0x242: {  	v22 =	vperm.xlane v21, v0;
	_ =	sdelay $0x1  }
0x243: {  	v21 =	vmax.f32 v21, v22  }
0x244: {  	(v2sf) =	vpush v21, $0x0  }
0x245: {  	(v2sf) =	vpush v21, $0x1  }
0x246: {  	(v2sf) =	vpush v21, $0x2  }
0x247: {  	(v2sf) =	vpush v21, $0x3  }
0x248: {  	(v2sf) =	vpush v21, $0x4  }
0x249: {  	(v2sf) =	vpush v21, $0x5  }
0x24a: {  	(v2sf) =	vpush v21, $0x6  }
0x24b: {  	(v2sf) =	vpush v21, $0x7;
	_ =	sdelay $0x7  }
0x24c: {  	s29 =	spop (v2sf)  }
0x24d: {  	s30 =	spop (v2sf)  }
0x24e: {  	s13 =	smax.f32 s29, s30;
	s31 =	spop (v2sf)  }
0x24f: {  	s13 =	smax.f32 s13, s31;
	s15 =	spop (v2sf)  }
0x250: {  	s13 =	smax.f32 s13, s15;
	s16 =	spop (v2sf)  }
0x251: {  	s13 =	smax.f32 s13, s16;
	s17 =	spop (v2sf)  }
0x252: {  	s13 =	smax.f32 s13, s17;
	s18 =	spop (v2sf)  }
0x253: {  	s13 =	smax.f32 s13, s18;
	s19 =	spop (v2sf)  }
0x254: {  	s13 =	smax.f32 s13, s19  }
0x255: {  	vm9 =	veq.f32 v63, s13;
	vm10 =	veq.f32 v28, s13  }
0x256: {  	vm1 =	veq.f32 v29, s13;
	vm2 =	veq.f32 v30, s13;
	v31 =	vnsel vm9, $0x42800000, v1  }
0x257: {  	v32 =	vnsel vm10, $0x42800000, v2;
	v23 =	vnsel vm1, $0x42800000, v3;
	v24 =	vnsel vm2, $0x42800000, v4  }
0x258: {  	v21 =	vmin.f32 v31, v32;
	v33 =	vmin.f32 v23, v24  }
0x259: {  	v21 =	vmin.f32 v21, v33  }
0x25a: {  	v22 =	vperm.xlane v21, v0;
	_ =	sdelay $0x1  }
0x25b: {  	v21 =	vmin.f32 v21, v22  }
0x25c: {  	(v2sf) =	vpush v21, $0x0  }
0x25d: {  	(v2sf) =	vpush v21, $0x1  }
0x25e: {  	(v2sf) =	vpush v21, $0x2  }
0x25f: {  	(v2sf) =	vpush v21, $0x3  }
0x260: {  	(v2sf) =	vpush v21, $0x4  }
0x261: {  	(v2sf) =	vpush v21, $0x5  }
0x262: {  	(v2sf) =	vpush v21, $0x6  }
0x263: {  	(v2sf) =	vpush v21, $0x7;
	_ =	sdelay $0x7  }
0x264: {  	s20 =	spop (v2sf)  }
0x265: {  	s21 =	spop (v2sf)  }
0x266: {  	s13 =	smin.f32 s20, s21;
	s22 =	spop (v2sf)  }
0x267: {  	s13 =	smin.f32 s13, s22;
	s23 =	spop (v2sf)  }
0x268: {  	s13 =	smin.f32 s13, s23;
	s24 =	spop (v2sf)  }
0x269: {  	s13 =	smin.f32 s13, s24;
	s25 =	spop (v2sf)  }
0x26a: {  	s13 =	smin.f32 s13, s25;
	s26 =	spop (v2sf)  }
0x26b: {  	s13 =	smin.f32 s13, s26;
	s28 =	spop (v2sf)  }
0x26c: {  	s13 =	smin.f32 s13, s28  }
0x26d: {  	v34 =	vmov s13  }
0x26e: {  	vm11 =	veq.f32 v34, v1;
	vm12 =	veq.f32 v34, v2  }
0x26f: {  	vm13 =	veq.f32 v34, v3;
	vm14 =	veq.f32 v34, v4;
	v18 =	vsel vm11, $0xFF800000, v63  }
0x270: {  	v17 =	vsel vm12, $0xFF800000, v28;
	v19 =	vsel vm13, $0xFF800000, v29;
	v20 =	vsel vm14, $0xFF800000, v30  }
0x271: {  	v35 =	vmax.f32 v18, v17;
	v36 =	vmax.f32 v19, v20  }
0x272: {  	v21 =	vmax.f32 v35, v36  }
0x273: {  	v22 =	vperm.xlane v21, v0;
	_ =	sdelay $0x1  }
0x274: {  	v21 =	vmax.f32 v21, v22  }
0x275: {  	(v2sf) =	vpush v21, $0x0  }
0x276: {  	(v2sf) =	vpush v21, $0x1  }
0x277: {  	(v2sf) =	vpush v21, $0x2  }
0x278: {  	(v2sf) =	vpush v21, $0x3  }
0x279: {  	(v2sf) =	vpush v21, $0x4  }
0x27a: {  	(v2sf) =	vpush v21, $0x5  }
0x27b: {  	(v2sf) =	vpush v21, $0x6  }
0x27c: {  	(v2sf) =	vpush v21, $0x7;
	_ =	sdelay $0x7  }
0x27d: {  	s29 =	spop (v2sf)  }
0x27e: {  	s30 =	spop (v2sf)  }
0x27f: {  	s13 =	smax.f32 s29, s30;
	s31 =	spop (v2sf)  }
0x280: {  	s13 =	smax.f32 s13, s31;
	s15 =	spop (v2sf)  }
0x281: {  	s13 =	smax.f32 s13, s15;
	s16 =	spop (v2sf)  }
0x282: {  	s13 =	smax.f32 s13, s16;
	s17 =	spop (v2sf)  }
0x283: {  	s13 =	smax.f32 s13, s17;
	s18 =	spop (v2sf)  }
0x284: {  	s13 =	smax.f32 s13, s18;
	s19 =	spop (v2sf)  }
0x285: {  	s13 =	smax.f32 s13, s19  }
0x286: {  	vm15 =	veq.f32 v18, s13;
	vm4 =	veq.f32 v17, s13  }
0x287: {  	vm1 =	veq.f32 v19, s13;
	vm2 =	veq.f32 v20, s13;
	v37 =	vnsel vm15, $0x42800000, v1  }
0x288: {  	v38 =	vnsel vm4, $0x42800000, v2;
	v39 =	vnsel vm1, $0x42800000, v3;
	v40 =	vnsel vm2, $0x42800000, v4  }
0x289: {  	v21 =	vmin.f32 v37, v38;
	v41 =	vmin.f32 v39, v40  }
0x28a: {  	v21 =	vmin.f32 v21, v41  }
0x28b: {  	v22 =	vperm.xlane v21, v0;
	_ =	sdelay $0x1  }
0x28c: {  	v21 =	vmin.f32 v21, v22  }
0x28d: {  	(v2sf) =	vpush v21, $0x0  }
0x28e: {  	(v2sf) =	vpush v21, $0x1  }
0x28f: {  	(v2sf) =	vpush v21, $0x2  }
0x290: {  	(v2sf) =	vpush v21, $0x3  }
0x291: {  	(v2sf) =	vpush v21, $0x4  }
0x292: {  	(v2sf) =	vpush v21, $0x5  }
0x293: {  	(v2sf) =	vpush v21, $0x6  }
0x294: {  	(v2sf) =	vpush v21, $0x7;
	_ =	sdelay $0x7  }
0x295: {  	s20 =	spop (v2sf)  }
0x296: {  	s21 =	spop (v2sf)  }
0x297: {  	s13 =	smin.f32 s20, s21;
	s22 =	spop (v2sf)  }
0x298: {  	s13 =	smin.f32 s13, s22;
	s23 =	spop (v2sf)  }
0x299: {  	s13 =	smin.f32 s13, s23;
	s24 =	spop (v2sf)  }
0x29a: {  	s13 =	smin.f32 s13, s24;
	s25 =	spop (v2sf)  }
0x29b: {  	s13 =	smin.f32 s13, s25;
	s26 =	spop (v2sf)  }
0x29c: {  	s13 =	smin.f32 s13, s26;
	s28 =	spop (v2sf)  }
0x29d: {  	s13 =	smin.f32 s13, s28  }
0x29e: {  	v42 =	vmov s13  }
0x29f: {  	vm5 =	veq.f32 v42, v1;
	vm6 =	veq.f32 v42, v2  }
0x2a0: {  	vm7 =	veq.f32 v42, v3;
	vm8 =	veq.f32 v42, v4;
	v18 =	vsel vm5, $0xFF800000, v18  }
0x2a1: {  	v17 =	vsel vm6, $0xFF800000, v17;
	v19 =	vsel vm7, $0xFF800000, v19;
	v20 =	vsel vm8, $0xFF800000, v20  }
0x2a2: {  	v43 =	vmax.f32 v18, v17;
	v44 =	vmax.f32 v19, v20  }
0x2a3: {  	v21 =	vmax.f32 v43, v44  }
0x2a4: {  	v22 =	vperm.xlane v21, v0;
	_ =	sdelay $0x1  }
0x2a5: {  	v21 =	vmax.f32 v21, v22  }
0x2a6: {  	(v2sf) =	vpush v21, $0x0  }
0x2a7: {  	(v2sf) =	vpush v21, $0x1  }
0x2a8: {  	(v2sf) =	vpush v21, $0x2  }
0x2a9: {  	(v2sf) =	vpush v21, $0x3  }
0x2aa: {  	(v2sf) =	vpush v21, $0x4  }
0x2ab: {  	(v2sf) =	vpush v21, $0x5  }
0x2ac: {  	(v2sf) =	vpush v21, $0x6  }
0x2ad: {  	(v2sf) =	vpush v21, $0x7;
	_ =	sdelay $0x7  }
0x2ae: {  	s29 =	spop (v2sf)  }
0x2af: {  	s30 =	spop (v2sf)  }
0x2b0: {  	s13 =	smax.f32 s29, s30;
	s31 =	spop (v2sf)  }
0x2b1: {  	s13 =	smax.f32 s13, s31;
	s15 =	spop (v2sf)  }
0x2b2: {  	s13 =	smax.f32 s13, s15;
	s16 =	spop (v2sf)  }
0x2b3: {  	s13 =	smax.f32 s13, s16;
	s17 =	spop (v2sf)  }
0x2b4: {  	s13 =	smax.f32 s13, s17;
	s18 =	spop (v2sf)  }
0x2b5: {  	s13 =	smax.f32 s13, s18;
	s19 =	spop (v2sf)  }
0x2b6: {  	s13 =	smax.f32 s13, s19  }
0x2b7: {  	vm9 =	veq.f32 v18, s13;
	vm10 =	veq.f32 v17, s13  }
0x2b8: {  	vm1 =	veq.f32 v19, s13;
	vm2 =	veq.f32 v20, s13;
	v45 =	vnsel vm9, $0x42800000, v1  }
0x2b9: {  	v46 =	vnsel vm10, $0x42800000, v2;
	v47 =	vnsel vm1, $0x42800000, v3;
	v48 =	vnsel vm2, $0x42800000, v4  }
0x2ba: {  	v21 =	vmin.f32 v45, v46;
	v49 =	vmin.f32 v47, v48  }
0x2bb: {  	v21 =	vmin.f32 v21, v49  }
0x2bc: {  	v22 =	vperm.xlane v21, v0;
	_ =	sdelay $0x1  }
0x2bd: {  	v21 =	vmin.f32 v21, v22  }
0x2be: {  	(v2sf) =	vpush v21, $0x0  }
0x2bf: {  	(v2sf) =	vpush v21, $0x1  }
0x2c0: {  	(v2sf) =	vpush v21, $0x2  }
0x2c1: {  	(v2sf) =	vpush v21, $0x3  }
0x2c2: {  	(v2sf) =	vpush v21, $0x4  }
0x2c3: {  	(v2sf) =	vpush v21, $0x5  }
0x2c4: {  	(v2sf) =	vpush v21, $0x6  }
0x2c5: {  	(v2sf) =	vpush v21, $0x7;
	_ =	sdelay $0x7  }
0x2c6: {  	s20 =	spop (v2sf)  }
0x2c7: {  	s21 =	spop (v2sf)  }
0x2c8: {  	s13 =	smin.f32 s20, s21;
	s22 =	spop (v2sf)  }
0x2c9: {  	s13 =	smin.f32 s13, s22;
	s23 =	spop (v2sf)  }
0x2ca: {  	s13 =	smin.f32 s13, s23;
	s24 =	spop (v2sf)  }
0x2cb: {  	s13 =	smin.f32 s13, s24;
	s25 =	spop (v2sf)  }
0x2cc: {  	s13 =	smin.f32 s13, s25;
	s26 =	spop (v2sf)  }
0x2cd: {  	s13 =	smin.f32 s13, s26;
	s28 =	spop (v2sf)  }
0x2ce: {  	s13 =	smin.f32 s13, s28  }
0x2cf: {  	v50 =	vmov s13  }
0x2d0: {  	vm11 =	veq.f32 v50, v1;
	vm12 =	veq.f32 v50, v2  }
0x2d1: {  	vm13 =	veq.f32 v50, v3;
	vm14 =	veq.f32 v50, v4;
	v18 =	vsel vm11, $0xFF800000, v18  }
0x2d2: {  	v17 =	vsel vm12, $0xFF800000, v17;
	v19 =	vsel vm13, $0xFF800000, v19;
	v20 =	vsel vm14, $0xFF800000, v20  }
0x2d3: {  	v51 =	vmax.f32 v18, v17;
	v52 =	vmax.f32 v19, v20  }
0x2d4: {  	v21 =	vmax.f32 v51, v52  }
0x2d5: {  	v22 =	vperm.xlane v21, v0;
	_ =	sdelay $0x1  }
0x2d6: {  	v21 =	vmax.f32 v21, v22  }
0x2d7: {  	(v2sf) =	vpush v21, $0x0  }
0x2d8: {  	(v2sf) =	vpush v21, $0x1  }
0x2d9: {  	(v2sf) =	vpush v21, $0x2  }
0x2da: {  	(v2sf) =	vpush v21, $0x3  }
0x2db: {  	(v2sf) =	vpush v21, $0x4  }
0x2dc: {  	(v2sf) =	vpush v21, $0x5  }
0x2dd: {  	(v2sf) =	vpush v21, $0x6  }
0x2de: {  	(v2sf) =	vpush v21, $0x7;
	_ =	sdelay $0x7  }
0x2df: {  	s29 =	spop (v2sf)  }
0x2e0: {  	s30 =	spop (v2sf)  }
0x2e1: {  	s13 =	smax.f32 s29, s30;
	s31 =	spop (v2sf)  }
0x2e2: {  	s13 =	smax.f32 s13, s31;
	s15 =	spop (v2sf)  }
0x2e3: {  	s13 =	smax.f32 s13, s15;
	s16 =	spop (v2sf)  }
0x2e4: {  	s13 =	smax.f32 s13, s16;
	s17 =	spop (v2sf)  }
0x2e5: {  	s13 =	smax.f32 s13, s17;
	s18 =	spop (v2sf)  }
0x2e6: {  	s13 =	smax.f32 s13, s18;
	s19 =	spop (v2sf)  }
0x2e7: {  	s13 =	smax.f32 s13, s19  }
0x2e8: {  	vm15 =	veq.f32 v18, s13;
	vm4 =	veq.f32 v17, s13  }
0x2e9: {  	vm1 =	veq.f32 v19, s13;
	vm2 =	veq.f32 v20, s13;
	v53 =	vnsel vm15, $0x42800000, v1  }
0x2ea: {  	v54 =	vnsel vm4, $0x42800000, v2;
	v55 =	vnsel vm1, $0x42800000, v3;
	v56 =	vnsel vm2, $0x42800000, v4  }
0x2eb: {  	v21 =	vmin.f32 v53, v54;
	v57 =	vmin.f32 v55, v56  }
0x2ec: {  	v21 =	vmin.f32 v21, v57  }
0x2ed: {  	v22 =	vperm.xlane v21, v0;
	_ =	sdelay $0x1  }
0x2ee: {  	v21 =	vmin.f32 v21, v22  }
0x2ef: {  	(v2sf) =	vpush v21, $0x0  }
0x2f0: {  	(v2sf) =	vpush v21, $0x1  }
0x2f1: {  	(v2sf) =	vpush v21, $0x2  }
0x2f2: {  	(v2sf) =	vpush v21, $0x3  }
0x2f3: {  	(v2sf) =	vpush v21, $0x4  }
0x2f4: {  	(v2sf) =	vpush v21, $0x5  }
0x2f5: {  	(v2sf) =	vpush v21, $0x6  }
0x2f6: {  	(v2sf) =	vpush v21, $0x7;
	_ =	sdelay $0x7  }
0x2f7: {  	s20 =	spop (v2sf)  }
0x2f8: {  	s21 =	spop (v2sf)  }
0x2f9: {  	s13 =	smin.f32 s20, s21;
	s22 =	spop (v2sf)  }
0x2fa: {  	s13 =	smin.f32 s13, s22;
	s23 =	spop (v2sf)  }
0x2fb: {  	s13 =	smin.f32 s13, s23;
	s24 =	spop (v2sf)  }
0x2fc: {  	s13 =	smin.f32 s13, s24;
	s25 =	spop (v2sf)  }
0x2fd: {  	s13 =	smin.f32 s13, s25;
	s26 =	spop (v2sf)  }
0x2fe: {  	s13 =	smin.f32 s13, s26;
	s28 =	spop (v2sf)  }
0x2ff: {  	s13 =	smin.f32 s13, s28  }
0x300: {  	v58 =	vmov s13  }
0x301: {  	vm5 =	veq.f32 v58, v1;
	vm6 =	veq.f32 v58, v2  }
0x302: {  	vm7 =	veq.f32 v58, v3;
	vm8 =	veq.f32 v58, v4;
	v18 =	vsel vm5, $0xFF800000, v18  }
0x303: {  	v17 =	vsel vm6, $0xFF800000, v17;
	v19 =	vsel vm7, $0xFF800000, v19;
	v20 =	vsel vm8, $0xFF800000, v20  }
0x304: {  	v59 =	vmax.f32 v18, v17;
	v60 =	vmax.f32 v19, v20  }
0x305: {  	v21 =	vmax.f32 v59, v60  }
0x306: {  	v22 =	vperm.xlane v21, v0;
	_ =	sdelay $0x1  }
0x307: {  	v21 =	vmax.f32 v21, v22  }
0x308: {  	(v2sf) =	vpush v21, $0x0  }
0x309: {  	(v2sf) =	vpush v21, $0x1  }
0x30a: {  	(v2sf) =	vpush v21, $0x2  }
0x30b: {  	(v2sf) =	vpush v21, $0x3  }
0x30c: {  	(v2sf) =	vpush v21, $0x4  }
0x30d: {  	(v2sf) =	vpush v21, $0x5  }
0x30e: {  	(v2sf) =	vpush v21, $0x6  }
0x30f: {  	(v2sf) =	vpush v21, $0x7;
	_ =	sdelay $0x7  }
0x310: {  	s29 =	spop (v2sf)  }
0x311: {  	s30 =	spop (v2sf)  }
0x312: {  	s13 =	smax.f32 s29, s30;
	s31 =	spop (v2sf)  }
0x313: {  	s13 =	smax.f32 s13, s31;
	s15 =	spop (v2sf)  }
0x314: {  	s13 =	smax.f32 s13, s15;
	s16 =	spop (v2sf)  }
0x315: {  	s13 =	smax.f32 s13, s16;
	s17 =	spop (v2sf)  }
0x316: {  	s13 =	smax.f32 s13, s17;
	s18 =	spop (v2sf)  }
0x317: {  	s13 =	smax.f32 s13, s18;
	s19 =	spop (v2sf)  }
0x318: {  	s13 =	smax.f32 s13, s19  }
0x319: {  	vm9 =	veq.f32 v18, s13;
	vm10 =	veq.f32 v17, s13  }
0x31a: {  	vm1 =	veq.f32 v19, s13;
	vm2 =	veq.f32 v20, s13;
	v61 =	vnsel vm9, $0x42800000, v1  }
0x31b: {  	v62 =	vnsel vm10, $0x42800000, v2;
	v63 =	vnsel vm1, $0x42800000, v3;
	v28 =	vnsel vm2, $0x42800000, v4  }
0x31c: {  	v21 =	vmin.f32 v61, v62;
	v29 =	vmin.f32 v63, v28  }
0x31d: {  	v21 =	vmin.f32 v21, v29  }
0x31e: {  	v22 =	vperm.xlane v21, v0;
	_ =	sdelay $0x1  }
0x31f: {  	v21 =	vmin.f32 v21, v22  }
0x320: {  	(v2sf) =	vpush v21, $0x0  }
0x321: {  	(v2sf) =	vpush v21, $0x1  }
0x322: {  	(v2sf) =	vpush v21, $0x2  }
0x323: {  	(v2sf) =	vpush v21, $0x3  }
0x324: {  	(v2sf) =	vpush v21, $0x4  }
0x325: {  	(v2sf) =	vpush v21, $0x5  }
0x326: {  	(v2sf) =	vpush v21, $0x6  }
0x327: {  	(v2sf) =	vpush v21, $0x7;
	_ =	sdelay $0x7  }
0x328: {  	s20 =	spop (v2sf)  }
0x329: {  	s21 =	spop (v2sf)  }
0x32a: {  	s13 =	smin.f32 s20, s21;
	s22 =	spop (v2sf)  }
0x32b: {  	s13 =	smin.f32 s13, s22;
	s23 =	spop (v2sf)  }
0x32c: {  	s13 =	smin.f32 s13, s23;
	s24 =	spop (v2sf)  }
0x32d: {  	s13 =	smin.f32 s13, s24;
	s25 =	spop (v2sf)  }
0x32e: {  	s13 =	smin.f32 s13, s25;
	s26 =	spop (v2sf)  }
0x32f: {  	s13 =	smin.f32 s13, s26;
	s28 =	spop (v2sf)  }
0x330: {  	s13 =	smin.f32 s13, s28  }
0x331: {  	v30 =	vmov s13  }
0x332: {  	vm11 =	veq.f32 v30, v1;
	vm12 =	veq.f32 v30, v2  }
0x333: {  	vm13 =	veq.f32 v30, v3;
	vm14 =	veq.f32 v30, v4;
	v18 =	vsel vm11, $0xFF800000, v18  }
0x334: {  	v17 =	vsel vm12, $0xFF800000, v17;
	v19 =	vsel vm13, $0xFF800000, v19;
	v20 =	vsel vm14, $0xFF800000, v20  }
0x335: {  	v31 =	vmax.f32 v18, v17;
	v32 =	vmax.f32 v19, v20  }
0x336: {  	v21 =	vmax.f32 v31, v32  }
0x337: {  	v22 =	vperm.xlane v21, v0;
	_ =	sdelay $0x1  }
0x338: {  	v21 =	vmax.f32 v21, v22  }
0x339: {  	(v2sf) =	vpush v21, $0x0  }
0x33a: {  	(v2sf) =	vpush v21, $0x1  }
0x33b: {  	(v2sf) =	vpush v21, $0x2  }
0x33c: {  	(v2sf) =	vpush v21, $0x3  }
0x33d: {  	(v2sf) =	vpush v21, $0x4  }
0x33e: {  	(v2sf) =	vpush v21, $0x5  }
0x33f: {  	(v2sf) =	vpush v21, $0x6  }
0x340: {  	(v2sf) =	vpush v21, $0x7;
	_ =	sdelay $0x7  }
0x341: {  	s29 =	spop (v2sf)  }
0x342: {  	s30 =	spop (v2sf)  }
0x343: {  	s13 =	smax.f32 s29, s30;
	s31 =	spop (v2sf)  }
0x344: {  	s13 =	smax.f32 s13, s31;
	s15 =	spop (v2sf)  }
0x345: {  	s13 =	smax.f32 s13, s15;
	s16 =	spop (v2sf)  }
0x346: {  	s13 =	smax.f32 s13, s16;
	s17 =	spop (v2sf)  }
0x347: {  	s13 =	smax.f32 s13, s17;
	s18 =	spop (v2sf)  }
0x348: {  	s13 =	smax.f32 s13, s18;
	s19 =	spop (v2sf)  }
0x349: {  	s13 =	smax.f32 s13, s19  }
0x34a: {  	vm15 =	veq.f32 v18, s13;
	vm4 =	veq.f32 v17, s13  }
0x34b: {  	vm1 =	veq.f32 v19, s13;
	vm2 =	veq.f32 v20, s13;
	v33 =	vnsel vm15, $0x42800000, v1  }
0x34c: {  	v34 =	vnsel vm4, $0x42800000, v2;
	v35 =	vnsel vm1, $0x42800000, v3;
	v36 =	vnsel vm2, $0x42800000, v4  }
0x34d: {  	v21 =	vmin.f32 v33, v34;
	v37 =	vmin.f32 v35, v36  }
0x34e: {  	v21 =	vmin.f32 v21, v37  }
0x34f: {  	v22 =	vperm.xlane v21, v0;
	_ =	sdelay $0x1  }
0x350: {  	v21 =	vmin.f32 v21, v22  }
0x351: {  	(v2sf) =	vpush v21, $0x0  }
0x352: {  	(v2sf) =	vpush v21, $0x1  }
0x353: {  	(v2sf) =	vpush v21, $0x2  }
0x354: {  	(v2sf) =	vpush v21, $0x3  }
0x355: {  	(v2sf) =	vpush v21, $0x4  }
0x356: {  	(v2sf) =	vpush v21, $0x5  }
0x357: {  	(v2sf) =	vpush v21, $0x6  }
0x358: {  	(v2sf) =	vpush v21, $0x7;
	_ =	sdelay $0x7  }
0x359: {  	s20 =	spop (v2sf)  }
0x35a: {  	s21 =	spop (v2sf)  }
0x35b: {  	s13 =	smin.f32 s20, s21;
	s22 =	spop (v2sf)  }
0x35c: {  	s13 =	smin.f32 s13, s22;
	s23 =	spop (v2sf)  }
0x35d: {  	s13 =	smin.f32 s13, s23;
	s24 =	spop (v2sf)  }
0x35e: {  	s13 =	smin.f32 s13, s24;
	s25 =	spop (v2sf)  }
0x35f: {  	s13 =	smin.f32 s13, s25;
	s26 =	spop (v2sf)  }
0x360: {  	s13 =	smin.f32 s13, s26;
	s28 =	spop (v2sf)  }
0x361: {  	s13 =	smin.f32 s13, s28  }
0x362: {  	v38 =	vmov s13  }
0x363: {  	vm5 =	veq.f32 v38, v1;
	vm6 =	veq.f32 v38, v2  }
0x364: {  	vm7 =	veq.f32 v38, v3;
	vm8 =	veq.f32 v38, v4;
	v18 =	vsel vm5, $0xFF800000, v18  }
0x365: {  	v17 =	vsel vm6, $0xFF800000, v17;
	v19 =	vsel vm7, $0xFF800000, v19;
	v20 =	vsel vm8, $0xFF800000, v20  }
0x366: {  	v39 =	vmax.f32 v18, v17;
	v40 =	vmax.f32 v19, v20  }
0x367: {  	v21 =	vmax.f32 v39, v40  }
0x368: {  	v22 =	vperm.xlane v21, v0;
	_ =	sdelay $0x1  }
0x369: {  	v21 =	vmax.f32 v21, v22  }
0x36a: {  	(v2sf) =	vpush v21, $0x0  }
0x36b: {  	(v2sf) =	vpush v21, $0x1  }
0x36c: {  	(v2sf) =	vpush v21, $0x2  }
0x36d: {  	(v2sf) =	vpush v21, $0x3  }
0x36e: {  	(v2sf) =	vpush v21, $0x4  }
0x36f: {  	(v2sf) =	vpush v21, $0x5  }
0x370: {  	(v2sf) =	vpush v21, $0x6  }
0x371: {  	(v2sf) =	vpush v21, $0x7;
	_ =	sdelay $0x7  }
0x372: {  	s29 =	spop (v2sf)  }
0x373: {  	s30 =	spop (v2sf)  }
0x374: {  	s13 =	smax.f32 s29, s30;
	s31 =	spop (v2sf)  }
0x375: {  	s13 =	smax.f32 s13, s31;
	s15 =	spop (v2sf)  }
0x376: {  	s13 =	smax.f32 s13, s15;
	s16 =	spop (v2sf)  }
0x377: {  	s13 =	smax.f32 s13, s16;
	s17 =	spop (v2sf)  }
0x378: {  	s13 =	smax.f32 s13, s17;
	s18 =	spop (v2sf)  }
0x379: {  	s13 =	smax.f32 s13, s18;
	s19 =	spop (v2sf)  }
0x37a: {  	s13 =	smax.f32 s13, s19  }
0x37b: {  	vm9 =	veq.f32 v18, s13;
	vm10 =	veq.f32 v17, s13  }
0x37c: {  	vm1 =	veq.f32 v19, s13;
	vm2 =	veq.f32 v20, s13;
	v41 =	vnsel vm9, $0x42800000, v1  }
0x37d: {  	v42 =	vnsel vm10, $0x42800000, v2;
	v43 =	vnsel vm1, $0x42800000, v3;
	v44 =	vnsel vm2, $0x42800000, v4  }
0x37e: {  	v21 =	vmin.f32 v41, v42;
	v45 =	vmin.f32 v43, v44  }
0x37f: {  	v21 =	vmin.f32 v21, v45  }
0x380: {  	v22 =	vperm.xlane v21, v0;
	_ =	sdelay $0x1  }
0x381: {  	v21 =	vmin.f32 v21, v22  }
0x382: {  	(v2sf) =	vpush v21, $0x0  }
0x383: {  	(v2sf) =	vpush v21, $0x1  }
0x384: {  	(v2sf) =	vpush v21, $0x2  }
0x385: {  	(v2sf) =	vpush v21, $0x3  }
0x386: {  	(v2sf) =	vpush v21, $0x4  }
0x387: {  	(v2sf) =	vpush v21, $0x5  }
0x388: {  	(v2sf) =	vpush v21, $0x6  }
0x389: {  	(v2sf) =	vpush v21, $0x7;
	_ =	sdelay $0x7  }
0x38a: {  	s20 =	spop (v2sf)  }
0x38b: {  	s21 =	spop (v2sf)  }
0x38c: {  	s13 =	smin.f32 s20, s21;
	s22 =	spop (v2sf)  }
0x38d: {  	s13 =	smin.f32 s13, s22;
	s23 =	spop (v2sf)  }
0x38e: {  	s13 =	smin.f32 s13, s23;
	s24 =	spop (v2sf)  }
0x38f: {  	s13 =	smin.f32 s13, s24;
	s25 =	spop (v2sf)  }
0x390: {  	s13 =	smin.f32 s13, s25;
	s26 =	spop (v2sf)  }
0x391: {  	s13 =	smin.f32 s13, s26;
	s28 =	spop (v2sf)  }
0x392: {  	s13 =	smin.f32 s13, s28  }
0x393: {  	v46 =	vmov s13  }
0x394: {  	vm11 =	veq.f32 v46, v1;
	vm12 =	veq.f32 v46, v2  }
0x395: {  	vm13 =	veq.f32 v46, v3;
	vm14 =	veq.f32 v46, v4;
	v18 =	vsel vm11, $0xFF800000, v18  }
0x396: {  	v17 =	vsel vm12, $0xFF800000, v17;
	v19 =	vsel vm13, $0xFF800000, v19;
	v20 =	vsel vm14, $0xFF800000, v20  }
0x397: {  	v47 =	vmax.f32 v18, v17;
	v48 =	vmax.f32 v19, v20  }
0x398: {  	v21 =	vmax.f32 v47, v48  }
0x399: {  	v22 =	vperm.xlane v21, v0;
	_ =	sdelay $0x1  }
0x39a: {  	v21 =	vmax.f32 v21, v22  }
0x39b: {  	(v2sf) =	vpush v21, $0x0  }
0x39c: {  	(v2sf) =	vpush v21, $0x1  }
0x39d: {  	(v2sf) =	vpush v21, $0x2  }
0x39e: {  	(v2sf) =	vpush v21, $0x3  }
0x39f: {  	(v2sf) =	vpush v21, $0x4  }
0x3a0: {  	(v2sf) =	vpush v21, $0x5  }
0x3a1: {  	(v2sf) =	vpush v21, $0x6  }
0x3a2: {  	(v2sf) =	vpush v21, $0x7;
	_ =	sdelay $0x7  }
0x3a3: {  	s29 =	spop (v2sf)  }
0x3a4: {  	s30 =	spop (v2sf)  }
0x3a5: {  	s13 =	smax.f32 s29, s30;
	s31 =	spop (v2sf)  }
0x3a6: {  	s13 =	smax.f32 s13, s31;
	s15 =	spop (v2sf)  }
0x3a7: {  	s13 =	smax.f32 s13, s15;
	s16 =	spop (v2sf)  }
0x3a8: {  	s13 =	smax.f32 s13, s16;
	s17 =	spop (v2sf)  }
0x3a9: {  	s13 =	smax.f32 s13, s17;
	s18 =	spop (v2sf)  }
0x3aa: {  	s13 =	smax.f32 s13, s18;
	s19 =	spop (v2sf)  }
0x3ab: {  	s13 =	smax.f32 s13, s19  }
0x3ac: {  	vm15 =	veq.f32 v18, s13;
	vm4 =	veq.f32 v17, s13  }
0x3ad: {  	vm1 =	veq.f32 v19, s13;
	vm2 =	veq.f32 v20, s13;
	v49 =	vnsel vm15, $0x42800000, v1  }
0x3ae: {  	v50 =	vnsel vm4, $0x42800000, v2;
	v51 =	vnsel vm1, $0x42800000, v3;
	v52 =	vnsel vm2, $0x42800000, v4  }
0x3af: {  	v21 =	vmin.f32 v49, v50;
	v53 =	vmin.f32 v51, v52  }
0x3b0: {  	v21 =	vmin.f32 v21, v53  }
0x3b1: {  	v22 =	vperm.xlane v21, v0;
	_ =	sdelay $0x1  }
0x3b2: {  	v21 =	vmin.f32 v21, v22  }
0x3b3: {  	(v2sf) =	vpush v21, $0x0  }
0x3b4: {  	(v2sf) =	vpush v21, $0x1  }
0x3b5: {  	(v2sf) =	vpush v21, $0x2  }
0x3b6: {  	(v2sf) =	vpush v21, $0x3  }
0x3b7: {  	(v2sf) =	vpush v21, $0x4  }
0x3b8: {  	(v2sf) =	vpush v21, $0x5  }
0x3b9: {  	(v2sf) =	vpush v21, $0x6  }
0x3ba: {  	(v2sf) =	vpush v21, $0x7;
	_ =	sdelay $0x7  }
0x3bb: {  	s20 =	spop (v2sf)  }
0x3bc: {  	s21 =	spop (v2sf)  }
0x3bd: {  	s13 =	smin.f32 s20, s21;
	s22 =	spop (v2sf)  }
0x3be: {  	s13 =	smin.f32 s13, s22;
	s23 =	spop (v2sf)  }
0x3bf: {  	s13 =	smin.f32 s13, s23;
	s24 =	spop (v2sf)  }
0x3c0: {  	s13 =	smin.f32 s13, s24;
	s25 =	spop (v2sf)  }
0x3c1: {  	s13 =	smin.f32 s13, s25;
	s26 =	spop (v2sf)  }
0x3c2: {  	s13 =	smin.f32 s13, s26;
	s28 =	spop (v2sf)  }
0x3c3: {  	s13 =	smin.f32 s13, s28  }
0x3c4: {  	v54 =	vmov s13  }
0x3c5: {  	vm5 =	veq.f32 v54, v1;
	vm6 =	veq.f32 v54, v2  }
0x3c6: {  	vm7 =	veq.f32 v54, v3;
	vm8 =	veq.f32 v54, v4;
	v18 =	vsel vm5, $0xFF800000, v18  }
0x3c7: {  	v17 =	vsel vm6, $0xFF800000, v17;
	v19 =	vsel vm7, $0xFF800000, v19;
	v20 =	vsel vm8, $0xFF800000, v20  }
0x3c8: {  	v55 =	vmax.f32 v18, v17;
	v56 =	vmax.f32 v19, v20  }
0x3c9: {  	v21 =	vmax.f32 v55, v56  }
0x3ca: {  	v22 =	vperm.xlane v21, v0;
	_ =	sdelay $0x1  }
0x3cb: {  	v21 =	vmax.f32 v21, v22  }
0x3cc: {  	(v2sf) =	vpush v21, $0x0  }
0x3cd: {  	(v2sf) =	vpush v21, $0x1  }
0x3ce: {  	(v2sf) =	vpush v21, $0x2  }
0x3cf: {  	(v2sf) =	vpush v21, $0x3  }
0x3d0: {  	(v2sf) =	vpush v21, $0x4  }
0x3d1: {  	(v2sf) =	vpush v21, $0x5  }
0x3d2: {  	(v2sf) =	vpush v21, $0x6  }
0x3d3: {  	(v2sf) =	vpush v21, $0x7;
	_ =	sdelay $0x7  }
0x3d4: {  	s29 =	spop (v2sf)  }
0x3d5: {  	s30 =	spop (v2sf)  }
0x3d6: {  	s13 =	smax.f32 s29, s30;
	s31 =	spop (v2sf)  }
0x3d7: {  	s13 =	smax.f32 s13, s31;
	s15 =	spop (v2sf)  }
0x3d8: {  	s13 =	smax.f32 s13, s15;
	s16 =	spop (v2sf)  }
0x3d9: {  	s13 =	smax.f32 s13, s16;
	s17 =	spop (v2sf)  }
0x3da: {  	s13 =	smax.f32 s13, s17;
	s18 =	spop (v2sf)  }
0x3db: {  	s13 =	smax.f32 s13, s18;
	s19 =	spop (v2sf)  }
0x3dc: {  	s13 =	smax.f32 s13, s19  }
0x3dd: {  	vm9 =	veq.f32 v18, s13;
	vm10 =	veq.f32 v17, s13  }
0x3de: {  	vm11 =	veq.f32 v19, s13;
	vm3 =	veq.f32 v20, s13;
	v57 =	vnsel vm9, $0x42800000, v1  }
0x3df: {  	v58 =	vnsel vm10, $0x42800000, v2;
	v59 =	vnsel vm11, $0x42800000, v3;
	v60 =	vnsel vm3, $0x42800000, v4  }
0x3e0: {  	v21 =	vmin.f32 v57, v58;
	v61 =	vmin.f32 v59, v60  }
0x3e1: {  	v21 =	vmin.f32 v21, v61  }
0x3e2: {  	v22 =	vperm.xlane v21, v0;
	_ =	sdelay $0x1  }
0x3e3: {  	v21 =	vmin.f32 v21, v22  }
0x3e4: {  	(v2sf) =	vpush v21, $0x0  }
0x3e5: {  	(v2sf) =	vpush v21, $0x1  }
0x3e6: {  	(v2sf) =	vpush v21, $0x2  }
0x3e7: {  	(v2sf) =	vpush v21, $0x3  }
0x3e8: {  	(v2sf) =	vpush v21, $0x4  }
0x3e9: {  	(v2sf) =	vpush v21, $0x5  }
0x3ea: {  	(v2sf) =	vpush v21, $0x6  }
0x3eb: {  	(v2sf) =	vpush v21, $0x7;
	_ =	sdelay $0x2  }
0x3ec: {  	s5 =	smin.f32 s5, s7  }
0x3ed: {  	s5 =	smin.f32 s5, s8  }
0x3ee: {  	s5 =	smin.f32 s5, s9  }
0x3ef: {  	s5 =	smin.f32 s5, s10  }
0x3f0: {  	s5 =	smin.f32 s5, s11  }
0x3f1: {  	s5 =	smin.f32 s5, s12;
	s20 =	spop (v2sf)  }
0x3f2: {  	s5 =	smin.f32 s5, s6;
	s21 =	spop (v2sf)  }
0x3f3: {  	s6 =	smin.f32 s20, s21;
	s22 =	spop (v2sf)  }
0x3f4: {  	v62 =	vmov s5;
	vm12 =	veq.f32 v11, $-Inf;
	s6 =	smin.f32 s6, s22;
	s23 =	spop (v2sf)  }
0x3f5: {  	vm13 =	veq.f32 v13, $-Inf;
	vm14 =	veq.f32 v62, v1;
	vm15 =	veq.f32 v62, v2;
	s24 =	smin.f32 s6, s23;
	s25 =	spop (v2sf)  }
0x3f6: {  	vm0 =	vmor vm14, vm12;
	vm1 =	vmor vm15, vm13;
	s5 =	smin.f32 s24, s25;
	s26 =	spop (v2sf)  }
0x3f7: {  	v7 =	vnsel vm0, $0x0, v7;
	vm4 =	veq.f32 v62, v4;
	v8 =	vnsel vm1, $0x0, v8;
	s5 =	smin.f32 s5, s26;
	s28 =	spop (v2sf)  }
0x3f8: {  	vm8 =	veq.f32 v62, v3;
	vm9 =	veq.f32 v10, $-Inf;
	vm11 =	veq.f32 v9, $-Inf;
	s5 =	smin.f32 s5, s28;
	s29 =	spop (v2sf)  }
0x3f9: {  	vm13 =	veq.f32 v18, $-Inf;
	vm10 =	vmor vm8, vm9;
	vm0 =	vmor vm4, vm11;
	s5 =	smin.f32 s5, s29  }
0x3fa: {  	[tilespmem:$0x100] =	vst v7;
	v6 =	vnsel vm10, $0x0, v6;
	v5 =	vnsel vm0, $0x0, v5;
	v63 =	vmov s5  }
0x3fb: {  	[tilespmem:$0x110] =	vst v8;
	vm10 =	veq.f32 v17, $-Inf;
	vm12 =	veq.f32 v63, v1;
	vm15 =	veq.f32 v63, v2  }
0x3fc: {  	[tilespmem:$0x120] =	vst v6;
	vm8 =	veq.f32 v63, v3;
	vm9 =	veq.f32 v63, v4;
	vm14 =	vmor vm12, vm13  }
0x3fd: {  	[tilespmem:$0x130] =	vst v5;
	vm11 =	vmor vm15, vm10;
	vm12 =	veq.f32 v19, $-Inf;
	v5 =	vnsel vm14, $0x0, v16  }
0x3fe: {  	vm13 =	vmor vm8, vm12;
	vm14 =	veq.f32 v20, $-Inf;
	[tilespmem:$0x180] =	vst v5;
	v5 =	vnsel vm11, $0x0, v15  }
0x3ff: {  	vm15 =	vmor vm9, vm14;
	[tilespmem:$0x190] =	vst v5;
	v5 =	vnsel vm13, $0x0, v14  }
0x400: {  	p0 =	sne.s32 s3, $0x1;
	s30 =	rddreg [dreg:$0x4];
	[tilespmem:$0x1A0] =	vst v5;
	v5 =	vnsel vm15, $0x0, v12  }
.Ltmp0:
0x401: {  	s31 =	rddreg [dreg:$0x5];
	[tilespmem:$0x1B0] =	vst v5;
	(pc) =	sbr.rel @p0 .LBB2_1-.Ltmp0, $4  }
0x402: {  	[hbm4b:s30+s2] =	stream.linear.scatter [tilespmem:s31], [sflag:$0x1], $0x100, $0x38;
	[tilespmem:$0x200] =	vst v63  }
0x403: {  	_ =	swait.ge [sflag:s4], $0x100  }
0x404: {  	[sflag:s4] =	ssyncset.done $0x0  }
0x405: {  	s3 =	sadd.s32 $0xFFFFFFFF, s3;
	[sflag:s4] =	ssyncadd.s32 $0xFFFFFF00  }
0x406: {  	_ =	sfence.sel $0x180000  }
0x407: {  	[bflag:$0x0] =	sbarrier.arrive $0xFFFF  }
0x408: {  	p0 =	sne.s32 s1, $0x0;
	_ =	strace $0x90000047  }
0x409: {  	s0 =	sadd.s32 @!p0 $0x100000, s0;
	[bflag:$0x2] =	sbarrier.arrive $0xFFFF  }
0x40a: {  	[sflag:s0] =	ssyncadd.tile.s32 @!p0 $0x1;
	_ =	shalt  }
.Lfunc_end2:
_tile_overlayer_lowered:
.L_overlay_start_2:
0x40b: {  	(tag) =	ssettag $0x2  }
0x40c: {  	s0 =	rddreg [dreg:$0x0];
	s2 =	stileid.u32  }
0x40d: {  	s1 =	rddreg [dreg:$0x1];
	p0 =	sne.s32 s2, $0x0  }
0x40e: {  	s3 =	rddreg [dreg:$0x2];
	[bflag:$0x3] =	sbarrier.arrive $0xFFFF;
	s2 =	simm.s32 @!p0 $0x1C01  }
0x40f: {  	[timem:s3], [sflag:s2] =	dma.local @!p0 [hbm:s0], s1  }
0x410: {  	s0 =	simm.s32 @!p0 $0x1  }
0x411: {  	_ =	swait.ge @!p0 [sflag:s0], s1  }
0x412: {  	s1 =	ssub.s32 @!p0 $0x0, s1;
	[sflag:s0] =	ssyncset.done @!p0 $0x0  }
0x413: {  	[sflag:s0] =	ssyncadd.s32 @!p0 s1  }
0x414: {  	[bflag:$0x3] =	sbarrier.arrive $0xFFFF  }
0x415: {  	_ =	shalt  }

</sc_bundles>
